<compile_context>
chip_gen: v7x
topology: tpu7x:2x2x1
jax: 0.10.2.dev20260603
libtpu: 0.0.44.dev20260713+nightly
codegen_flags: <defaults>
</compile_context>

<pallas_src>
import functools

import jax
import jax.numpy as jnp
from jax import lax
from jax.experimental import pallas as pl
from jax.experimental.pallas import tpu as pltpu
from jax.experimental.pallas import tpu_sc as plsc

N_ENTITY = 1000000
DIM = 64
B = 16384
L2_COEF = 0.005

NC = 2
NS = 16
NW = NC * NS
WIN = 512
NWIN = N_ENTITY // WIN
WPW = NWIN // NW
EXTRA = NWIN - NW * WPW
TAIL_LO = NWIN * WIN
NV = (3 * B) // 16
CAP = 2048

_mesh = plsc.VectorSubcoreMesh(core_axis_name="c", subcore_axis_name="s")


@functools.partial(
    pl.kernel,
    out_type=jax.ShapeDtypeStruct((3 * B, DIM), jnp.float32),
    mesh=_mesh,
    compiler_params=pltpu.CompilerParams(needs_layout_passes=False),
    scratch_types=(
        pltpu.VMEM((3 * B // 128, 128), jnp.int32),
        pltpu.VMEM((2, DIM, WIN), jnp.float32),
        pltpu.VMEM((CAP,), jnp.int32),
        pltpu.VMEM((CAP,), jnp.int32),
        pltpu.VMEM((2080,), jnp.int32),
        pltpu.VMEM((2080,), jnp.int32),
        pltpu.VMEM((32,), jnp.int32),
        pltpu.VMEM((32,), jnp.int32),
        pltpu.VMEM((8, DIM), jnp.float32),
        pltpu.SMEM((8,), jnp.int32),
        pltpu.SemaphoreType.DMA((2,)),
        pltpu.SemaphoreType.DMA,
    ),
)
def _sc_stage(idx_hbm, embt_hbm, tail_hbm, stage_hbm,
              idx_v, win_buf, he_v, hs_v, sle_v, sls_v, esc, ssc, rowbuf,
              smem, wsem, osem):
    w = lax.axis_index("s") * NC + lax.axis_index("c")
    is_last = w == NW - 1

    pltpu.sync_copy(idx_hbm, idx_v)

    def fire(s, par):
        pltpu.async_copy(
            embt_hbm.at[:, pl.ds((w * WPW + s) * WIN, WIN)],
            win_buf.at[par],
            wsem.at[par],
        )

    for s0 in range(2):
        fire(s0, s0)

    iota = lax.iota(jnp.int32, 16)
    lo_w = w * (WPW * WIN)
    hi_w = jnp.where(is_last, N_ENTITY, (w + 1) * (WPW * WIN))
    n_win = jnp.where(is_last, WPW + EXTRA, WPW)

    smem[0] = 0
    smem[1] = 0
    smem[2] = 0

    def _idx_vreg(v):
        return idx_v[lax.div(v, 8), pl.ds(lax.rem(v, 8) * 16, 16)]

    def build_body(v, carry):
        e = _idx_vreg(v)
        mask = (e >= lo_w) & (e < hi_w)

        @pl.when(jnp.any(mask))
        def _():
            cnt = plsc.all_reduce_population_count(mask)[0]
            hc = smem[0]

            @pl.when(hc <= CAP - 16)
            def _():
                plsc.store_compressed(he_v.at[pl.ds(hc, 16)], e, mask=mask)
                plsc.store_compressed(
                    hs_v.at[pl.ds(hc, 16)], v * 16 + iota, mask=mask
                )

            @pl.when(hc > CAP - 16)
            def _():
                smem[1] = 1
            smem[0] = hc + cnt
        return carry

    lax.fori_loop(0, NV, build_body, 0)

    def extract(par, lo, cnt):
        def ebody(j, carry):
            e = esc[pl.ds(j, 16)][0]
            b = ssc[pl.ds(j, 16)][0]
            el = e - lo
            pv = jnp.full((16,), par, jnp.int32)
            elv = jnp.full((16,), el, jnp.int32)
            rc = smem[2]
            rr = lax.rem(rc, 8)

            @pl.when(rc >= 8)
            def _():
                pltpu.make_async_copy(
                    rowbuf.at[pl.ds(0, 1)],
                    stage_hbm.at[pl.ds(0, 1)],
                    osem,
                ).wait()

            for c in range(DIM // 16):
                vec = plsc.load_gather(win_buf, [pv, iota + c * 16, elv])
                rowbuf[rr, pl.ds(c * 16, 16)] = vec
            pltpu.async_copy(
                rowbuf.at[pl.ds(rr, 1)],
                stage_hbm.at[pl.ds(b, 1)],
                osem,
            )
            smem[2] = rc + 1
            return carry

        lax.fori_loop(0, cnt, ebody, 0)

    def build_super(slo, shi):
        smem[3] = 0
        H = smem[0]
        nhv = lax.div(H + 15, 16)

        def bsbody(v, carry):
            e = he_v[pl.ds(v * 16, 16)]
            s = hs_v[pl.ds(v * 16, 16)]
            mask = (v * 16 + iota < H) & (e >= slo) & (e < shi)

            @pl.when(jnp.any(mask))
            def _():
                cnt = plsc.all_reduce_population_count(mask)[0]
                hs2 = smem[3]
                plsc.store_compressed(sle_v.at[pl.ds(hs2, 16)], e, mask=mask)
                plsc.store_compressed(sls_v.at[pl.ds(hs2, 16)], s, mask=mask)
                smem[3] = hs2 + cnt
            return carry

        lax.fori_loop(0, nhv, bsbody, 0)

    def process_fast(par, lo, hi):
        Hs = smem[3]
        nhv = lax.div(Hs + 15, 16)

        def fbody(v, carry):
            e = sle_v[pl.ds(v * 16, 16)]
            s = sls_v[pl.ds(v * 16, 16)]
            mask = (v * 16 + iota < Hs) & (e >= lo) & (e < hi)

            @pl.when(jnp.any(mask))
            def _():
                cnt = plsc.all_reduce_population_count(mask)[0]
                plsc.store_compressed(esc.at[pl.ds(0, 16)], e, mask=mask)
                plsc.store_compressed(ssc.at[pl.ds(0, 16)], s, mask=mask)
                extract(par, lo, cnt)
            return carry

        lax.fori_loop(0, nhv, fbody, 0)

    def process_slow(par, lo, hi):
        def sbody(v, carry):
            e = _idx_vreg(v)
            mask = (e >= lo) & (e < hi)

            @pl.when(jnp.any(mask))
            def _():
                cnt = plsc.all_reduce_population_count(mask)[0]
                plsc.store_compressed(esc.at[pl.ds(0, 16)], e, mask=mask)
                plsc.store_compressed(
                    ssc.at[pl.ds(0, 16)], v * 16 + iota, mask=mask
                )
                extract(par, lo, cnt)
            return carry

        lax.fori_loop(0, NV, sbody, 0)

    def process(par, lo, hi):
        ov = smem[1]

        @pl.when(ov == 0)
        def _():
            smem[3] = 0
            build_super(lo, hi)
            process_fast(par, lo, hi)

        @pl.when(ov != 0)
        def _():
            process_slow(par, lo, hi)

    def drainw(par):
        pltpu.make_async_copy(
            embt_hbm.at[:, pl.ds(0, WIN)],
            win_buf.at[par],
            wsem.at[par],
        ).wait()

    ov_g = smem[1]

    def wsuper(s2, carry):
        sn = jnp.clip(n_win - s2 * 8, 0, 8)
        slo = (w * WPW + s2 * 8) * WIN
        shi = slo + sn * WIN

        @pl.when((sn > 0) & (ov_g == 0))
        def _():
            build_super(slo, shi)

        def wbody(j, carry2):
            s = s2 * 8 + j
            par = lax.rem(s, 2)

            @pl.when(s < n_win)
            def _():
                drainw(par)
                lo = (w * WPW + s) * WIN

                @pl.when(ov_g == 0)
                def _():
                    process_fast(par, lo, lo + WIN)

                @pl.when(ov_g != 0)
                def _():
                    process_slow(par, lo, lo + WIN)

                @pl.when(s + 2 < n_win)
                def _():
                    fire(s + 2, par)
            return carry2

        lax.fori_loop(0, 8, wbody, 0)
        return carry

    lax.fori_loop(0, (WPW + EXTRA + 7) // 8, wsuper, 0)

    @pl.when(is_last)
    def _():
        pltpu.sync_copy(tail_hbm, win_buf.at[0])
        process(0, TAIL_LO, N_ENTITY)

    rc = smem[2]
    n_drain = jnp.minimum(rc, 8)

    def dbody(j, carry):
        pltpu.make_async_copy(
            rowbuf.at[pl.ds(0, 1)],
            stage_hbm.at[pl.ds(0, 1)],
            osem,
        ).wait()
        return carry

    lax.fori_loop(0, n_drain, dbody, 0)


def _tc_body(h_ref, p_ref, n_ref, out_ref):
    i = pl.program_id(0)
    hh = h_ref[...]
    pp = p_ref[...]
    nn = n_ref[...]
    d = jnp.sum(hh * (nn - pp), axis=1, keepdims=True)
    z = -d
    sp = jnp.maximum(z, 0.0) + jnp.log1p(jnp.exp(-jnp.abs(z)))
    kg = jnp.sum(sp)
    sq = jnp.sum(hh * hh) + jnp.sum(pp * pp) + jnp.sum(nn * nn)
    contrib = kg * (1.0 / B) + (L2_COEF * 0.5 / B) * sq

    @pl.when(i == 0)
    def _():
        out_ref[0, 0] = 0.0

    out_ref[0, 0] += contrib


_tc_finish = pl.pallas_call(
    _tc_body,
    grid=(16,),
    in_specs=[
        pl.BlockSpec((1024, DIM), lambda i: (i, 0)),
        pl.BlockSpec((1024, DIM), lambda i: (i + 16, 0)),
        pl.BlockSpec((1024, DIM), lambda i: (i + 32, 0)),
    ],
    out_specs=pl.BlockSpec((1, 1), lambda i: (0, 0), memory_space=pltpu.SMEM),
    out_shape=jax.ShapeDtypeStruct((1, 1), jnp.float32),
)


def kernel(h, pos_t, neg_t, emb):
    idx_all = jnp.concatenate(
        [h.astype(jnp.int32), pos_t.astype(jnp.int32), neg_t.astype(jnp.int32)]
    ).reshape(3 * B // 128, 128)
    embt = emb.T
    tail = jnp.pad(embt[:, TAIL_LO:], ((0, 0), (0, WIN - (N_ENTITY - TAIL_LO))))
    stage = _sc_stage(idx_all, embt, tail)
    loss = _tc_finish(stage, stage, stage)
    return loss[0, 0]

# --- scband reference (transcript-rebuilt; emitter-appended) ---
"""Pipeline reference for scband-kg-emb-43997644981185 (READ-ONLY COPY).

The authoritative reference and input builder live on the scoring server;
editing this copy changes nothing except your own understanding.
"""

import jax, jax.numpy as jnp
import numpy as np

N_ENTITY = 1000000
DIM = 64
B = 16384
L2_COEF = 0.005


def setup_inputs(seed: int = 0) -> dict:
    key = jax.random.key(seed)
    k1, k2, k3, k4 = jax.random.split(key, 4)
    h = jax.random.randint(k1, (B,), 0, N_ENTITY)
    pos_t = jax.random.randint(k2, (B,), 0, N_ENTITY)
    neg_t = jax.random.randint(k3, (B,), 0, N_ENTITY)
    emb = jax.random.normal(k4, (N_ENTITY, DIM), dtype=jnp.float32) * 0.02
    return {"h": h, "pos_t": pos_t, "neg_t": neg_t, "emb": emb}


def _l2_loss_mean(x):
    return jnp.mean(jnp.sum(x * x, axis=1) / 2.0)


def reference(h, pos_t, neg_t, emb):
    h_embed = jnp.take(emb, h, axis=0)
    pos_t_embed = jnp.take(emb, pos_t, axis=0)
    neg_t_embed = jnp.take(emb, neg_t, axis=0)
    pos_score = jnp.sum(h_embed * pos_t_embed, axis=1)
    neg_score = jnp.sum(h_embed * neg_t_embed, axis=1)
    kg_loss = -1.0 * jax.nn.log_sigmoid(neg_score - pos_score)
    kg_loss = jnp.mean(kg_loss)
    l2_loss = _l2_loss_mean(h_embed) + _l2_loss_mean(pos_t_embed) + _l2_loss_mean(neg_t_embed)
    loss = kg_loss + L2_COEF * l2_loss
    return loss

if __name__ == "__main__":
    import jax
    _d = setup_inputs()
    print(jax.jit(kernel)(*tuple(_d.values())))

</pallas_src>

<mosaic_0001>
#map = affine_map<(d0, d1) -> (0, 0)>
module attributes {stable_mosaic.version = 14 : i64} {
  func.func @_sc_stage(%arg0: i32, %arg1: i32, %arg2: memref<384x128xi32, #tpu.memory_space<hbm>>, %arg3: memref<64x1000000xf32, #tpu.memory_space<hbm>>, %arg4: memref<64x512xf32, #tpu.memory_space<hbm>>, %arg5: memref<49152x64xf32, #tpu.memory_space<hbm>>, %arg6: memref<384x128xi32, #tpu.memory_space<vmem>>, %arg7: memref<2x64x512xf32, #tpu.memory_space<vmem>>, %arg8: memref<2048xi32, #tpu.memory_space<vmem>>, %arg9: memref<2048xi32, #tpu.memory_space<vmem>>, %arg10: memref<2080xi32, #tpu.memory_space<vmem>>, %arg11: memref<2080xi32, #tpu.memory_space<vmem>>, %arg12: memref<32xi32, #tpu.memory_space<vmem>>, %arg13: memref<32xi32, #tpu.memory_space<vmem>>, %arg14: memref<8x64xf32, #tpu.memory_space<vmem>>, %arg15: memref<8xi32, #tpu.memory_space<smem>>, %arg16: memref<2x!tpu.dma_semaphore, #tpu.memory_space<semaphore_mem>>, %arg17: memref<!tpu.dma_semaphore, #tpu.memory_space<semaphore_mem>>) attributes {dimension_semantics = [#tpu.dimension_semantics<core_parallel>, #tpu.dimension_semantics<subcore_parallel>], iteration_bounds = array<i64: 2, 16>, scalar_prefetch = 0 : i64, scratch_operands = 12 : i64, tpu.core_type = #tpu.core_type<sc_vector_subcore>, window_params = [{transform_indices = #map}, {transform_indices = #map}, {transform_indices = #map}, {transform_indices = #map}]} {
    %mul3A = arith.constant 2 : i32
    %mul3A_0 = arith.muli %arg1, %mul3A : i32
    %add3A = arith.addi %mul3A_0, %arg0 : i32
    %eq3A = arith.constant 31 : i32
    %eq3A_1 = arith.cmpi eq, %add3A, %eq3A : i32
    "tpu.region"() ({
      %run_scoped3A = tpu.sem_alloc : memref<!tpu.dma_semaphore, #tpu.memory_space<semaphore_mem>>
      tpu.enqueue_dma source(%arg2 : memref<384x128xi32, #tpu.memory_space<hbm>>) target(%arg6 : memref<384x128xi32, #tpu.memory_space<vmem>>) target_semaphore(%run_scoped3A : memref<!tpu.dma_semaphore, #tpu.memory_space<semaphore_mem>>)
      tpu.wait_dma2 semaphore(%run_scoped3A : memref<!tpu.dma_semaphore, #tpu.memory_space<semaphore_mem>>) src(%arg2 : memref<384x128xi32, #tpu.memory_space<hbm>>) dst(%arg6 : memref<384x128xi32, #tpu.memory_space<vmem>>)
      tpu.yield
    }) : () -> ()
    %mul3A_2 = arith.constant 61 : i32
    %mul3A_3 = arith.muli %add3A, %mul3A_2 : i32
    %add3A_4 = arith.constant 0 : i32
    %add3A_5 = arith.addi %mul3A_3, %add3A_4 : i32
    %mul3A_6 = arith.constant 512 : i32
    %mul3A_7 = arith.muli %add3A_5, %mul3A_6 : i32
    %dma_start3A = arith.constant 0 : i32
    %dma_start3A_8 = arith.constant 0 : i32
    %dma_start3A_9 = arith.constant 0 : i32
    %dma_start3A_10 = arith.constant 0 : i32
    %dma_start3A_11 = tpu.memref_slice %arg7[%dma_start3A, %dma_start3A_9, %dma_start3A_10] : memref<2x64x512xf32, #tpu.memory_space<vmem>> -> memref<1x64x512xf32, #tpu.memory_space<vmem>>
    %dma_start3A_12 = tpu.memref_squeeze %dma_start3A_11 : memref<1x64x512xf32, #tpu.memory_space<vmem>> -> memref<64x512xf32, #tpu.memory_space<vmem>>
    %dma_start3A_13 = arith.constant 0 : i32
    %dma_start3A_14 = tpu.memref_slice %arg3[%dma_start3A_13, %mul3A_7] : memref<64x1000000xf32, #tpu.memory_space<hbm>> -> memref<64x512xf32, #tpu.memory_space<hbm>>
    %dma_start3A_15 = tpu.memref_slice %arg16[%dma_start3A_8] : memref<2x!tpu.dma_semaphore, #tpu.memory_space<semaphore_mem>> -> memref<1x!tpu.dma_semaphore, #tpu.memory_space<semaphore_mem>>
    %dma_start3A_16 = tpu.memref_squeeze %dma_start3A_15 : memref<1x!tpu.dma_semaphore, #tpu.memory_space<semaphore_mem>> -> memref<!tpu.dma_semaphore, #tpu.memory_space<semaphore_mem>>
    %dma_start3A_17 = arith.constant 0 : i32
    %dma_start3A_18 = arith.constant 0 : i32
    %dma_start3A_19 = tpu.memref_slice %arg7[%dma_start3A, %dma_start3A_17, %dma_start3A_18] : memref<2x64x512xf32, #tpu.memory_space<vmem>> -> memref<1x64x512xf32, #tpu.memory_space<vmem>>
    %dma_start3A_20 = tpu.memref_squeeze %dma_start3A_19 : memref<1x64x512xf32, #tpu.memory_space<vmem>> -> memref<64x512xf32, #tpu.memory_space<vmem>>
    %dma_start3A_21 = arith.constant 0 : i32
    %dma_start3A_22 = tpu.memref_slice %arg3[%dma_start3A_21, %mul3A_7] : memref<64x1000000xf32, #tpu.memory_space<hbm>> -> memref<64x512xf32, #tpu.memory_space<hbm>>
    tpu.enqueue_dma source(%dma_start3A_22 : memref<64x512xf32, #tpu.memory_space<hbm>>) target(%dma_start3A_20 : memref<64x512xf32, #tpu.memory_space<vmem>>) target_semaphore(%dma_start3A_16 : memref<!tpu.dma_semaphore, #tpu.memory_space<semaphore_mem>>)
    %mul3A_23 = arith.constant 61 : i32
    %mul3A_24 = arith.muli %add3A, %mul3A_23 : i32
    %add3A_25 = arith.constant 1 : i32
    %add3A_26 = arith.addi %mul3A_24, %add3A_25 : i32
    %mul3A_27 = arith.constant 512 : i32
    %mul3A_28 = arith.muli %add3A_26, %mul3A_27 : i32
    %dma_start3A_29 = arith.constant 1 : i32
    %dma_start3A_30 = arith.constant 1 : i32
    %dma_start3A_31 = arith.constant 0 : i32
    %dma_start3A_32 = arith.constant 0 : i32
    %dma_start3A_33 = tpu.memref_slice %arg7[%dma_start3A_29, %dma_start3A_31, %dma_start3A_32] : memref<2x64x512xf32, #tpu.memory_space<vmem>> -> memref<1x64x512xf32, #tpu.memory_space<vmem>>
    %dma_start3A_34 = tpu.memref_squeeze %dma_start3A_33 : memref<1x64x512xf32, #tpu.memory_space<vmem>> -> memref<64x512xf32, #tpu.memory_space<vmem>>
    %dma_start3A_35 = arith.constant 0 : i32
    %dma_start3A_36 = tpu.memref_slice %arg3[%dma_start3A_35, %mul3A_28] : memref<64x1000000xf32, #tpu.memory_space<hbm>> -> memref<64x512xf32, #tpu.memory_space<hbm>>
    %dma_start3A_37 = tpu.memref_slice %arg16[%dma_start3A_30] : memref<2x!tpu.dma_semaphore, #tpu.memory_space<semaphore_mem>> -> memref<1x!tpu.dma_semaphore, #tpu.memory_space<semaphore_mem>>
    %dma_start3A_38 = tpu.memref_squeeze %dma_start3A_37 : memref<1x!tpu.dma_semaphore, #tpu.memory_space<semaphore_mem>> -> memref<!tpu.dma_semaphore, #tpu.memory_space<semaphore_mem>>
    %dma_start3A_39 = arith.constant 0 : i32
    %dma_start3A_40 = arith.constant 0 : i32
    %dma_start3A_41 = tpu.memref_slice %arg7[%dma_start3A_29, %dma_start3A_39, %dma_start3A_40] : memref<2x64x512xf32, #tpu.memory_space<vmem>> -> memref<1x64x512xf32, #tpu.memory_space<vmem>>
    %dma_start3A_42 = tpu.memref_squeeze %dma_start3A_41 : memref<1x64x512xf32, #tpu.memory_space<vmem>> -> memref<64x512xf32, #tpu.memory_space<vmem>>
    %dma_start3A_43 = arith.constant 0 : i32
    %dma_start3A_44 = tpu.memref_slice %arg3[%dma_start3A_43, %mul3A_28] : memref<64x1000000xf32, #tpu.memory_space<hbm>> -> memref<64x512xf32, #tpu.memory_space<hbm>>
    tpu.enqueue_dma source(%dma_start3A_44 : memref<64x512xf32, #tpu.memory_space<hbm>>) target(%dma_start3A_42 : memref<64x512xf32, #tpu.memory_space<vmem>>) target_semaphore(%dma_start3A_38 : memref<!tpu.dma_semaphore, #tpu.memory_space<semaphore_mem>>)
    %iota3A = tpu.iota {dimensions = array<i32: 0>} : vector<16xi32>
    %mul3A_45 = arith.constant 31232 : i32
    %mul3A_46 = arith.muli %add3A, %mul3A_45 : i32
    %add3A_47 = arith.constant 1 : i32
    %add3A_48 = arith.addi %add3A, %add3A_47 : i32
    %mul3A_49 = arith.constant 31232 : i32
    %mul3A_50 = arith.muli %add3A_48, %mul3A_49 : i32
    %jit3A = arith.constant 1000000 : i32
    %select_n3A = arith.select %eq3A_1, %jit3A, %mul3A_50 : i32
    %jit3A_51 = arith.constant 62 : i32
    %jit3A_52 = arith.constant 61 : i32
    %select_n3A_53 = arith.select %eq3A_1, %jit3A_51, %jit3A_52 : i32
    %swap3A = arith.constant 0 : i32
    %swap3A_54 = arith.constant 0 : i32
    %swap3A_55 = arith.index_cast %swap3A_54 : i32 to index
    %swap3A_56 = memref.load %arg15[%swap3A_55] : memref<8xi32, #tpu.memory_space<smem>>
    memref.store %swap3A, %arg15[%swap3A_55] : memref<8xi32, #tpu.memory_space<smem>>
    %swap3A_57 = arith.constant 0 : i32
    %swap3A_58 = arith.constant 1 : i32
    %swap3A_59 = arith.index_cast %swap3A_58 : i32 to index
    %swap3A_60 = memref.load %arg15[%swap3A_59] : memref<8xi32, #tpu.memory_space<smem>>
    memref.store %swap3A_57, %arg15[%swap3A_59] : memref<8xi32, #tpu.memory_space<smem>>
    %swap3A_61 = arith.constant 0 : i32
    %swap3A_62 = arith.constant 2 : i32
    %swap3A_63 = arith.index_cast %swap3A_62 : i32 to index
    %swap3A_64 = memref.load %arg15[%swap3A_63] : memref<8xi32, #tpu.memory_space<smem>>
    memref.store %swap3A_61, %arg15[%swap3A_63] : memref<8xi32, #tpu.memory_space<smem>>
    %scan3A = arith.constant 0 : i32
    %scan3A_65 = arith.constant 0 : i32
    %scan3A_66 = arith.constant 3072 : i32
    %scan3A_67 = arith.addi %scan3A_65, %scan3A_66 : i32
    %scan3A_68 = arith.constant 1 : i32
    scf.for %scan3A_92 = %scan3A_65 to %scan3A_67 step %scan3A_68  : i32 {
      %div3A = arith.constant 8 : i32
      %div3A_93 = arith.divsi %scan3A_92, %div3A : i32
      %rem3A = arith.constant 8 : i32
      %rem3A_94 = arith.remsi %scan3A_92, %rem3A : i32
      %mul3A_95 = arith.constant 16 : i32
      %mul3A_96 = arith.muli %rem3A_94, %mul3A_95 : i32
      %get3A_97 = arith.index_cast %div3A_93 : i32 to index
      %get3A_98 = arith.index_cast %mul3A_96 : i32 to index
      %get3A_99 = tpu.vector_load %arg6[%get3A_97, %get3A_98] {strides = array<i32>} : memref<384x128xi32, #tpu.memory_space<vmem>>, vector<16xi32>,
      %ge3A = vector.broadcast %mul3A_46 : i32 to vector<16xi32>
      %ge3A_100 = arith.cmpi sge, %get3A_99, %ge3A : vector<16xi32>
      %lt3A = vector.broadcast %select_n3A : i32 to vector<16xi32>
      %lt3A_101 = arith.cmpi slt, %get3A_99, %lt3A : vector<16xi32>
      %and3A = arith.andi %ge3A_100, %lt3A_101 : vector<16xi1>
      %reduce_or3A = arith.constant 1.000000e+00 : f32
      %reduce_or3A_102 = arith.constant 0.000000e+00 : f32
      %reduce_or3A_103 = vector.broadcast %reduce_or3A : f32 to vector<16xf32>
      %reduce_or3A_104 = vector.broadcast %reduce_or3A_102 : f32 to vector<16xf32>
      %reduce_or3A_105 = arith.select %and3A, %reduce_or3A_103, %reduce_or3A_104 : vector<16xi1>, vector<16xf32>
      %reduce_or3A_106 = arith.constant true
      %reduce_or3A_107 = vector.broadcast %reduce_or3A_106 : i1 to vector<16xi1>
      %reduce_or3A_108 = tpu.scan <max>, %reduce_or3A_105 masked %reduce_or3A_107 : vector<16xf32>, vector<16xi1> -> vector<16xf32>
      %reduce_or3A_109 = vector.extract %reduce_or3A_108[15] : f32 from vector<16xf32>
      %reduce_or3A_110 = arith.constant 0.000000e+00 : f32
      %reduce_or3A_111 = arith.cmpf ogt, %reduce_or3A_109, %reduce_or3A_110 : f32
      %convert_element_type3A_112 = arith.extui %reduce_or3A_111 : i1 to i32
      %cond3A_113 = arith.constant 0 : i32
      %cond3A_114 = arith.cmpi ne, %convert_element_type3A_112, %cond3A_113 : i32
      scf.if %cond3A_114 {
        %all_reduce_population_count3A = tpu.all_reduce %and3A {dim = 0 : i64, kind = #tpu.reduction_kind<sum>} : vector<16xi1> -> vector<16xi32>
        %slice3A = vector.extract_strided_slice %all_reduce_population_count3A {offsets = [0], sizes = [1], strides = [1]} : vector<16xi32> to vector<1xi32>
        %squeeze3A = vector.extract %slice3A[0] : i32 from vector<1xi32>
        %get3A_115 = arith.constant 0 : i32
        %get3A_116 = arith.index_cast %get3A_115 : i32 to index
        %get3A_117 = memref.load %arg15[%get3A_116] : memref<8xi32, #tpu.memory_space<smem>>
        %le3A = arith.constant 2032 : i32
        %le3A_118 = arith.cmpi sle, %get3A_117, %le3A : i32
        %convert_element_type3A_119 = arith.extui %le3A_118 : i1 to i32
        %cond3A_120 = arith.constant 0 : i32
        %cond3A_121 = arith.cmpi ne, %convert_element_type3A_119, %cond3A_120 : i32
        scf.if %cond3A_121 {
          %swap3A_130 = arith.index_cast %get3A_117 : i32 to index
          %swap3A_131 = tpu.vector_load %arg8[%swap3A_130] masked %and3A {strides = array<i32>} : memref<2048xi32, #tpu.memory_space<vmem>>, vector<16xi32>, vector<16xi1>
          tpu.vector_store %arg8[%swap3A_130], %get3A_99 masked %and3A {strides = array<i32>} : memref<2048xi32, #tpu.memory_space<vmem>>, vector<16xi32>, vector<16xi1>
          %mul3A_132 = arith.constant 16 : i32
          %mul3A_133 = arith.muli %scan3A_92, %mul3A_132 : i32
          %add3A_134 = vector.broadcast %mul3A_133 : i32 to vector<16xi32>
          %add3A_135 = arith.addi %add3A_134, %iota3A : vector<16xi32>
          %swap3A_136 = arith.index_cast %get3A_117 : i32 to index
          %swap3A_137 = tpu.vector_load %arg9[%swap3A_136] masked %and3A {strides = array<i32>} : memref<2048xi32, #tpu.memory_space<vmem>>, vector<16xi32>, vector<16xi1>
          tpu.vector_store %arg9[%swap3A_136], %add3A_135 masked %and3A {strides = array<i32>} : memref<2048xi32, #tpu.memory_space<vmem>>, vector<16xi32>, vector<16xi1>
        } else {
        }
        %gt3A = arith.constant 2032 : i32
        %gt3A_122 = arith.cmpi sgt, %get3A_117, %gt3A : i32
        %convert_element_type3A_123 = arith.extui %gt3A_122 : i1 to i32
        %cond3A_124 = arith.constant 0 : i32
        %cond3A_125 = arith.cmpi ne, %convert_element_type3A_123, %cond3A_124 : i32
        scf.if %cond3A_125 {
          %swap3A_130 = arith.constant 1 : i32
          %swap3A_131 = arith.constant 1 : i32
          %swap3A_132 = arith.index_cast %swap3A_131 : i32 to index
          %swap3A_133 = memref.load %arg15[%swap3A_132] : memref<8xi32, #tpu.memory_space<smem>>
          memref.store %swap3A_130, %arg15[%swap3A_132] : memref<8xi32, #tpu.memory_space<smem>>
        } else {
        }
        %add3A_126 = arith.addi %get3A_117, %squeeze3A : i32
        %swap3A_127 = arith.constant 0 : i32
        %swap3A_128 = arith.index_cast %swap3A_127 : i32 to index
        %swap3A_129 = memref.load %arg15[%swap3A_128] : memref<8xi32, #tpu.memory_space<smem>>
        memref.store %add3A_126, %arg15[%swap3A_128] : memref<8xi32, #tpu.memory_space<smem>>
      } else {
      }
    }
    %scan3A_69 = arith.constant 3072 : i32
    %get3A = arith.constant 1 : i32
    %get3A_70 = arith.index_cast %get3A : i32 to index
    %get3A_71 = memref.load %arg15[%get3A_70] : memref<8xi32, #tpu.memory_space<smem>>
    %scan3A_72 = arith.constant 0 : i32
    %scan3A_73 = arith.constant 0 : i32
    %scan3A_74 = arith.constant 8 : i32
    %scan3A_75 = arith.addi %scan3A_73, %scan3A_74 : i32
    %scan3A_76 = arith.constant 1 : i32
    scf.for %scan3A_92 = %scan3A_73 to %scan3A_75 step %scan3A_76  : i32 {
      %mul3A_93 = arith.constant 8 : i32
      %mul3A_94 = arith.muli %scan3A_92, %mul3A_93 : i32
      %sub3A = arith.subi %select_n3A_53, %mul3A_94 : i32
      %jit3A_95 = arith.constant 0 : i32
      %jit3A_96 = arith.constant 8 : i32
      %max3A = arith.maxsi %jit3A_95, %sub3A : i32
      %min3A_97 = arith.minsi %jit3A_96, %max3A : i32
      %mul3A_98 = arith.constant 61 : i32
      %mul3A_99 = arith.muli %add3A, %mul3A_98 : i32
      %mul3A_100 = arith.constant 8 : i32
      %mul3A_101 = arith.muli %scan3A_92, %mul3A_100 : i32
      %add3A_102 = arith.addi %mul3A_99, %mul3A_101 : i32
      %mul3A_103 = arith.constant 512 : i32
      %mul3A_104 = arith.muli %add3A_102, %mul3A_103 : i32
      %mul3A_105 = arith.constant 512 : i32
      %mul3A_106 = arith.muli %min3A_97, %mul3A_105 : i32
      %add3A_107 = arith.addi %mul3A_104, %mul3A_106 : i32
      %gt3A = arith.constant 0 : i32
      %gt3A_108 = arith.cmpi sgt, %min3A_97, %gt3A : i32
      %eq3A_109 = arith.constant 0 : i32
      %eq3A_110 = arith.cmpi eq, %get3A_71, %eq3A_109 : i32
      %and3A = arith.andi %gt3A_108, %eq3A_110 : i1
      %convert_element_type3A_111 = arith.extui %and3A : i1 to i32
      %cond3A_112 = arith.constant 0 : i32
      %cond3A_113 = arith.cmpi ne, %convert_element_type3A_111, %cond3A_112 : i32
      scf.if %cond3A_113 {
        %swap3A_120 = arith.constant 0 : i32
        %swap3A_121 = arith.constant 3 : i32
        %swap3A_122 = arith.index_cast %swap3A_121 : i32 to index
        %swap3A_123 = memref.load %arg15[%swap3A_122] : memref<8xi32, #tpu.memory_space<smem>>
        memref.store %swap3A_120, %arg15[%swap3A_122] : memref<8xi32, #tpu.memory_space<smem>>
        %get3A_124 = arith.constant 0 : i32
        %get3A_125 = arith.index_cast %get3A_124 : i32 to index
        %get3A_126 = memref.load %arg15[%get3A_125] : memref<8xi32, #tpu.memory_space<smem>>
        %add3A_127 = arith.constant 15 : i32
        %add3A_128 = arith.addi %get3A_126, %add3A_127 : i32
        %div3A = arith.constant 16 : i32
        %div3A_129 = arith.divsi %add3A_128, %div3A : i32
        %while3A_130 = arith.constant 0 : i32
        %while3A_131 = arith.constant 0 : i32
        %while3A_132 = arith.subi %div3A_129, %while3A_131 : i32
        %while3A_133 = arith.addi %while3A_131, %while3A_132 : i32
        %while3A_134 = arith.constant 1 : i32
        %while3A_135 = arith.divsi %while3A_132, %while3A_134 : i32
        %while3A_136 = arith.muli %while3A_135, %while3A_134 : i32
        %while3A_137 = arith.addi %while3A_131, %while3A_136 : i32
        %while3A_138 = arith.constant 1 : i32
        scf.for %while3A_140 = %while3A_131 to %while3A_137 step %while3A_138  : i32 {
          %mul3A_141 = arith.constant 16 : i32
          %mul3A_142 = arith.muli %while3A_140, %mul3A_141 : i32
          %get3A_143 = arith.index_cast %mul3A_142 : i32 to index
          %get3A_144 = tpu.vector_load %arg8[%get3A_143] {strides = array<i32>} : memref<2048xi32, #tpu.memory_space<vmem>>, vector<16xi32>,
          %mul3A_145 = arith.constant 16 : i32
          %mul3A_146 = arith.muli %while3A_140, %mul3A_145 : i32
          %get3A_147 = arith.index_cast %mul3A_146 : i32 to index
          %get3A_148 = tpu.vector_load %arg9[%get3A_147] {strides = array<i32>} : memref<2048xi32, #tpu.memory_space<vmem>>, vector<16xi32>,
          %mul3A_149 = arith.constant 16 : i32
          %mul3A_150 = arith.muli %while3A_140, %mul3A_149 : i32
          %add3A_151 = vector.broadcast %mul3A_150 : i32 to vector<16xi32>
          %add3A_152 = arith.addi %add3A_151, %iota3A : vector<16xi32>
          %lt3A = vector.broadcast %get3A_126 : i32 to vector<16xi32>
          %lt3A_153 = arith.cmpi slt, %add3A_152, %lt3A : vector<16xi32>
          %ge3A = vector.broadcast %mul3A_104 : i32 to vector<16xi32>
          %ge3A_154 = arith.cmpi sge, %get3A_144, %ge3A : vector<16xi32>
          %and3A_155 = arith.andi %lt3A_153, %ge3A_154 : vector<16xi1>
          %lt3A_156 = vector.broadcast %add3A_107 : i32 to vector<16xi32>
          %lt3A_157 = arith.cmpi slt, %get3A_144, %lt3A_156 : vector<16xi32>
          %and3A_158 = arith.andi %and3A_155, %lt3A_157 : vector<16xi1>
          %reduce_or3A = arith.constant 1.000000e+00 : f32
          %reduce_or3A_159 = arith.constant 0.000000e+00 : f32
          %reduce_or3A_160 = vector.broadcast %reduce_or3A : f32 to vector<16xf32>
          %reduce_or3A_161 = vector.broadcast %reduce_or3A_159 : f32 to vector<16xf32>
          %reduce_or3A_162 = arith.select %and3A_158, %reduce_or3A_160, %reduce_or3A_161 : vector<16xi1>, vector<16xf32>
          %reduce_or3A_163 = arith.constant true
          %reduce_or3A_164 = vector.broadcast %reduce_or3A_163 : i1 to vector<16xi1>
          %reduce_or3A_165 = tpu.scan <max>, %reduce_or3A_162 masked %reduce_or3A_164 : vector<16xf32>, vector<16xi1> -> vector<16xf32>
          %reduce_or3A_166 = vector.extract %reduce_or3A_165[15] : f32 from vector<16xf32>
          %reduce_or3A_167 = arith.constant 0.000000e+00 : f32
          %reduce_or3A_168 = arith.cmpf ogt, %reduce_or3A_166, %reduce_or3A_167 : f32
          %convert_element_type3A_169 = arith.extui %reduce_or3A_168 : i1 to i32
          %cond3A_170 = arith.constant 0 : i32
          %cond3A_171 = arith.cmpi ne, %convert_element_type3A_169, %cond3A_170 : i32
          scf.if %cond3A_171 {
            %all_reduce_population_count3A = tpu.all_reduce %and3A_158 {dim = 0 : i64, kind = #tpu.reduction_kind<sum>} : vector<16xi1> -> vector<16xi32>
            %slice3A = vector.extract_strided_slice %all_reduce_population_count3A {offsets = [0], sizes = [1], strides = [1]} : vector<16xi32> to vector<1xi32>
            %squeeze3A = vector.extract %slice3A[0] : i32 from vector<1xi32>
            %get3A_172 = arith.constant 3 : i32
            %get3A_173 = arith.index_cast %get3A_172 : i32 to index
            %get3A_174 = memref.load %arg15[%get3A_173] : memref<8xi32, #tpu.memory_space<smem>>
            %swap3A_175 = arith.index_cast %get3A_174 : i32 to index
            %swap3A_176 = tpu.vector_load %arg10[%swap3A_175] masked %and3A_158 {strides = array<i32>} : memref<2080xi32, #tpu.memory_space<vmem>>, vector<16xi32>, vector<16xi1>
            tpu.vector_store %arg10[%swap3A_175], %get3A_144 masked %and3A_158 {strides = array<i32>} : memref<2080xi32, #tpu.memory_space<vmem>>, vector<16xi32>, vector<16xi1>
            %swap3A_177 = arith.index_cast %get3A_174 : i32 to index
            %swap3A_178 = tpu.vector_load %arg11[%swap3A_177] masked %and3A_158 {strides = array<i32>} : memref<2080xi32, #tpu.memory_space<vmem>>, vector<16xi32>, vector<16xi1>
            tpu.vector_store %arg11[%swap3A_177], %get3A_148 masked %and3A_158 {strides = array<i32>} : memref<2080xi32, #tpu.memory_space<vmem>>, vector<16xi32>, vector<16xi1>
            %add3A_179 = arith.addi %get3A_174, %squeeze3A : i32
            %swap3A_180 = arith.constant 3 : i32
            %swap3A_181 = arith.index_cast %swap3A_180 : i32 to index
            %swap3A_182 = memref.load %arg15[%swap3A_181] : memref<8xi32, #tpu.memory_space<smem>>
            memref.store %add3A_179, %arg15[%swap3A_181] : memref<8xi32, #tpu.memory_space<smem>>
          } else {
          }
        }
        %while3A_139 = arith.constant 1 : i32
        scf.for %while3A_140 = %while3A_137 to %while3A_133 step %while3A_139  : i32 {
          %mul3A_141 = arith.constant 16 : i32
          %mul3A_142 = arith.muli %while3A_140, %mul3A_141 : i32
          %get3A_143 = arith.index_cast %mul3A_142 : i32 to index
          %get3A_144 = tpu.vector_load %arg8[%get3A_143] {strides = array<i32>} : memref<2048xi32, #tpu.memory_space<vmem>>, vector<16xi32>,
          %mul3A_145 = arith.constant 16 : i32
          %mul3A_146 = arith.muli %while3A_140, %mul3A_145 : i32
          %get3A_147 = arith.index_cast %mul3A_146 : i32 to index
          %get3A_148 = tpu.vector_load %arg9[%get3A_147] {strides = array<i32>} : memref<2048xi32, #tpu.memory_space<vmem>>, vector<16xi32>,
          %mul3A_149 = arith.constant 16 : i32
          %mul3A_150 = arith.muli %while3A_140, %mul3A_149 : i32
          %add3A_151 = vector.broadcast %mul3A_150 : i32 to vector<16xi32>
          %add3A_152 = arith.addi %add3A_151, %iota3A : vector<16xi32>
          %lt3A = vector.broadcast %get3A_126 : i32 to vector<16xi32>
          %lt3A_153 = arith.cmpi slt, %add3A_152, %lt3A : vector<16xi32>
          %ge3A = vector.broadcast %mul3A_104 : i32 to vector<16xi32>
          %ge3A_154 = arith.cmpi sge, %get3A_144, %ge3A : vector<16xi32>
          %and3A_155 = arith.andi %lt3A_153, %ge3A_154 : vector<16xi1>
          %lt3A_156 = vector.broadcast %add3A_107 : i32 to vector<16xi32>
          %lt3A_157 = arith.cmpi slt, %get3A_144, %lt3A_156 : vector<16xi32>
          %and3A_158 = arith.andi %and3A_155, %lt3A_157 : vector<16xi1>
          %reduce_or3A = arith.constant 1.000000e+00 : f32
          %reduce_or3A_159 = arith.constant 0.000000e+00 : f32
          %reduce_or3A_160 = vector.broadcast %reduce_or3A : f32 to vector<16xf32>
          %reduce_or3A_161 = vector.broadcast %reduce_or3A_159 : f32 to vector<16xf32>
          %reduce_or3A_162 = arith.select %and3A_158, %reduce_or3A_160, %reduce_or3A_161 : vector<16xi1>, vector<16xf32>
          %reduce_or3A_163 = arith.constant true
          %reduce_or3A_164 = vector.broadcast %reduce_or3A_163 : i1 to vector<16xi1>
          %reduce_or3A_165 = tpu.scan <max>, %reduce_or3A_162 masked %reduce_or3A_164 : vector<16xf32>, vector<16xi1> -> vector<16xf32>
          %reduce_or3A_166 = vector.extract %reduce_or3A_165[15] : f32 from vector<16xf32>
          %reduce_or3A_167 = arith.constant 0.000000e+00 : f32
          %reduce_or3A_168 = arith.cmpf ogt, %reduce_or3A_166, %reduce_or3A_167 : f32
          %convert_element_type3A_169 = arith.extui %reduce_or3A_168 : i1 to i32
          %cond3A_170 = arith.constant 0 : i32
          %cond3A_171 = arith.cmpi ne, %convert_element_type3A_169, %cond3A_170 : i32
          scf.if %cond3A_171 {
            %all_reduce_population_count3A = tpu.all_reduce %and3A_158 {dim = 0 : i64, kind = #tpu.reduction_kind<sum>} : vector<16xi1> -> vector<16xi32>
            %slice3A = vector.extract_strided_slice %all_reduce_population_count3A {offsets = [0], sizes = [1], strides = [1]} : vector<16xi32> to vector<1xi32>
            %squeeze3A = vector.extract %slice3A[0] : i32 from vector<1xi32>
            %get3A_172 = arith.constant 3 : i32
            %get3A_173 = arith.index_cast %get3A_172 : i32 to index
            %get3A_174 = memref.load %arg15[%get3A_173] : memref<8xi32, #tpu.memory_space<smem>>
            %swap3A_175 = arith.index_cast %get3A_174 : i32 to index
            %swap3A_176 = tpu.vector_load %arg10[%swap3A_175] masked %and3A_158 {strides = array<i32>} : memref<2080xi32, #tpu.memory_space<vmem>>, vector<16xi32>, vector<16xi1>
            tpu.vector_store %arg10[%swap3A_175], %get3A_144 masked %and3A_158 {strides = array<i32>} : memref<2080xi32, #tpu.memory_space<vmem>>, vector<16xi32>, vector<16xi1>
            %swap3A_177 = arith.index_cast %get3A_174 : i32 to index
            %swap3A_178 = tpu.vector_load %arg11[%swap3A_177] masked %and3A_158 {strides = array<i32>} : memref<2080xi32, #tpu.memory_space<vmem>>, vector<16xi32>, vector<16xi1>
            tpu.vector_store %arg11[%swap3A_177], %get3A_148 masked %and3A_158 {strides = array<i32>} : memref<2080xi32, #tpu.memory_space<vmem>>, vector<16xi32>, vector<16xi1>
            %add3A_179 = arith.addi %get3A_174, %squeeze3A : i32
            %swap3A_180 = arith.constant 3 : i32
            %swap3A_181 = arith.index_cast %swap3A_180 : i32 to index
            %swap3A_182 = memref.load %arg15[%swap3A_181] : memref<8xi32, #tpu.memory_space<smem>>
            memref.store %add3A_179, %arg15[%swap3A_181] : memref<8xi32, #tpu.memory_space<smem>>
          } else {
          }
        }
      } else {
      }
      %scan3A_114 = arith.constant 0 : i32
      %scan3A_115 = arith.constant 0 : i32
      %scan3A_116 = arith.constant 8 : i32
      %scan3A_117 = arith.addi %scan3A_115, %scan3A_116 : i32
      %scan3A_118 = arith.constant 1 : i32
      scf.for %scan3A_120 = %scan3A_115 to %scan3A_117 step %scan3A_118  : i32 {
        %mul3A_121 = arith.constant 8 : i32
        %mul3A_122 = arith.muli %scan3A_92, %mul3A_121 : i32
        %add3A_123 = arith.addi %mul3A_122, %scan3A_120 : i32
        %rem3A = arith.constant 2 : i32
        %rem3A_124 = arith.remsi %add3A_123, %rem3A : i32
        %lt3A = arith.cmpi slt, %add3A_123, %select_n3A_53 : i32
        %convert_element_type3A_125 = arith.extui %lt3A : i1 to i32
        %cond3A_126 = arith.constant 0 : i32
        %cond3A_127 = arith.cmpi ne, %convert_element_type3A_125, %cond3A_126 : i32
        scf.if %cond3A_127 {
          %dma_wait3A = arith.constant 0 : i32
          %dma_wait3A_128 = arith.constant 0 : i32
          %dma_wait3A_129 = tpu.memref_slice %arg7[%rem3A_124, %dma_wait3A, %dma_wait3A_128] : memref<2x64x512xf32, #tpu.memory_space<vmem>> -> memref<1x64x512xf32, #tpu.memory_space<vmem>>
          %dma_wait3A_130 = tpu.memref_squeeze %dma_wait3A_129 : memref<1x64x512xf32, #tpu.memory_space<vmem>> -> memref<64x512xf32, #tpu.memory_space<vmem>>
          %dma_wait3A_131 = arith.constant 0 : i32
          %dma_wait3A_132 = arith.constant 0 : i32
          %dma_wait3A_133 = tpu.memref_slice %arg3[%dma_wait3A_131, %dma_wait3A_132] : memref<64x1000000xf32, #tpu.memory_space<hbm>> -> memref<64x512xf32, #tpu.memory_space<hbm>>
          %dma_wait3A_134 = tpu.memref_slice %arg16[%rem3A_124] : memref<2x!tpu.dma_semaphore, #tpu.memory_space<semaphore_mem>> -> memref<1x!tpu.dma_semaphore, #tpu.memory_space<semaphore_mem>>
          %dma_wait3A_135 = tpu.memref_squeeze %dma_wait3A_134 : memref<1x!tpu.dma_semaphore, #tpu.memory_space<semaphore_mem>> -> memref<!tpu.dma_semaphore, #tpu.memory_space<semaphore_mem>>
          %dma_wait3A_136 = arith.constant 0 : i32
          %dma_wait3A_137 = arith.constant 0 : i32
          %dma_wait3A_138 = tpu.memref_slice %arg7[%rem3A_124, %dma_wait3A_136, %dma_wait3A_137] : memref<2x64x512xf32, #tpu.memory_space<vmem>> -> memref<1x64x512xf32, #tpu.memory_space<vmem>>
          %dma_wait3A_139 = tpu.memref_squeeze %dma_wait3A_138 : memref<1x64x512xf32, #tpu.memory_space<vmem>> -> memref<64x512xf32, #tpu.memory_space<vmem>>
          %dma_wait3A_140 = arith.constant 0 : i32
          %dma_wait3A_141 = arith.constant 0 : i32
          %dma_wait3A_142 = tpu.memref_slice %arg3[%dma_wait3A_140, %dma_wait3A_141] : memref<64x1000000xf32, #tpu.memory_space<hbm>> -> memref<64x512xf32, #tpu.memory_space<hbm>>
          tpu.wait_dma2 semaphore(%dma_wait3A_135 : memref<!tpu.dma_semaphore, #tpu.memory_space<semaphore_mem>>) src(%dma_wait3A_142 : memref<64x512xf32, #tpu.memory_space<hbm>>) dst(%dma_wait3A_139 : memref<64x512xf32, #tpu.memory_space<vmem>>)
          %mul3A_143 = arith.constant 61 : i32
          %mul3A_144 = arith.muli %add3A, %mul3A_143 : i32
          %add3A_145 = arith.addi %mul3A_144, %add3A_123 : i32
          %mul3A_146 = arith.constant 512 : i32
          %mul3A_147 = arith.muli %add3A_145, %mul3A_146 : i32
          %eq3A_148 = arith.constant 0 : i32
          %eq3A_149 = arith.cmpi eq, %get3A_71, %eq3A_148 : i32
          %convert_element_type3A_150 = arith.extui %eq3A_149 : i1 to i32
          %cond3A_151 = arith.constant 0 : i32
          %cond3A_152 = arith.cmpi ne, %convert_element_type3A_150, %cond3A_151 : i32
          scf.if %cond3A_152 {
            %add3A_163 = arith.constant 512 : i32
            %add3A_164 = arith.addi %mul3A_147, %add3A_163 : i32
            %get3A_165 = arith.constant 3 : i32
            %get3A_166 = arith.index_cast %get3A_165 : i32 to index
            %get3A_167 = memref.load %arg15[%get3A_166] : memref<8xi32, #tpu.memory_space<smem>>
            %add3A_168 = arith.constant 15 : i32
            %add3A_169 = arith.addi %get3A_167, %add3A_168 : i32
            %div3A = arith.constant 16 : i32
            %div3A_170 = arith.divsi %add3A_169, %div3A : i32
            %while3A_171 = arith.constant 0 : i32
            %while3A_172 = arith.constant 0 : i32
            %while3A_173 = arith.subi %div3A_170, %while3A_172 : i32
            %while3A_174 = arith.addi %while3A_172, %while3A_173 : i32
            %while3A_175 = arith.constant 1 : i32
            %while3A_176 = arith.divsi %while3A_173, %while3A_175 : i32
            %while3A_177 = arith.muli %while3A_176, %while3A_175 : i32
            %while3A_178 = arith.addi %while3A_172, %while3A_177 : i32
            %while3A_179 = arith.constant 1 : i32
            scf.for %while3A_181 = %while3A_172 to %while3A_178 step %while3A_179  : i32 {
              %mul3A_182 = arith.constant 16 : i32
              %mul3A_183 = arith.muli %while3A_181, %mul3A_182 : i32
              %get3A_184 = arith.index_cast %mul3A_183 : i32 to index
              %get3A_185 = tpu.vector_load %arg10[%get3A_184] {strides = array<i32>} : memref<2080xi32, #tpu.memory_space<vmem>>, vector<16xi32>,
              %mul3A_186 = arith.constant 16 : i32
              %mul3A_187 = arith.muli %while3A_181, %mul3A_186 : i32
              %get3A_188 = arith.index_cast %mul3A_187 : i32 to index
              %get3A_189 = tpu.vector_load %arg11[%get3A_188] {strides = array<i32>} : memref<2080xi32, #tpu.memory_space<vmem>>, vector<16xi32>,
              %mul3A_190 = arith.constant 16 : i32
              %mul3A_191 = arith.muli %while3A_181, %mul3A_190 : i32
              %add3A_192 = vector.broadcast %mul3A_191 : i32 to vector<16xi32>
              %add3A_193 = arith.addi %add3A_192, %iota3A : vector<16xi32>
              %lt3A_194 = vector.broadcast %get3A_167 : i32 to vector<16xi32>
              %lt3A_195 = arith.cmpi slt, %add3A_193, %lt3A_194 : vector<16xi32>
              %ge3A = vector.broadcast %mul3A_147 : i32 to vector<16xi32>
              %ge3A_196 = arith.cmpi sge, %get3A_185, %ge3A : vector<16xi32>
              %and3A_197 = arith.andi %lt3A_195, %ge3A_196 : vector<16xi1>
              %lt3A_198 = vector.broadcast %add3A_164 : i32 to vector<16xi32>
              %lt3A_199 = arith.cmpi slt, %get3A_185, %lt3A_198 : vector<16xi32>
              %and3A_200 = arith.andi %and3A_197, %lt3A_199 : vector<16xi1>
              %reduce_or3A = arith.constant 1.000000e+00 : f32
              %reduce_or3A_201 = arith.constant 0.000000e+00 : f32
              %reduce_or3A_202 = vector.broadcast %reduce_or3A : f32 to vector<16xf32>
              %reduce_or3A_203 = vector.broadcast %reduce_or3A_201 : f32 to vector<16xf32>
              %reduce_or3A_204 = arith.select %and3A_200, %reduce_or3A_202, %reduce_or3A_203 : vector<16xi1>, vector<16xf32>
              %reduce_or3A_205 = arith.constant true
              %reduce_or3A_206 = vector.broadcast %reduce_or3A_205 : i1 to vector<16xi1>
              %reduce_or3A_207 = tpu.scan <max>, %reduce_or3A_204 masked %reduce_or3A_206 : vector<16xf32>, vector<16xi1> -> vector<16xf32>
              %reduce_or3A_208 = vector.extract %reduce_or3A_207[15] : f32 from vector<16xf32>
              %reduce_or3A_209 = arith.constant 0.000000e+00 : f32
              %reduce_or3A_210 = arith.cmpf ogt, %reduce_or3A_208, %reduce_or3A_209 : f32
              %convert_element_type3A_211 = arith.extui %reduce_or3A_210 : i1 to i32
              %cond3A_212 = arith.constant 0 : i32
              %cond3A_213 = arith.cmpi ne, %convert_element_type3A_211, %cond3A_212 : i32
              scf.if %cond3A_213 {
                %all_reduce_population_count3A = tpu.all_reduce %and3A_200 {dim = 0 : i64, kind = #tpu.reduction_kind<sum>} : vector<16xi1> -> vector<16xi32>
                %slice3A = vector.extract_strided_slice %all_reduce_population_count3A {offsets = [0], sizes = [1], strides = [1]} : vector<16xi32> to vector<1xi32>
                %squeeze3A = vector.extract %slice3A[0] : i32 from vector<1xi32>
                %swap3A_214 = arith.constant 0 : index
                %swap3A_215 = tpu.vector_load %arg12[%swap3A_214] masked %and3A_200 {strides = array<i32>} : memref<32xi32, #tpu.memory_space<vmem>>, vector<16xi32>, vector<16xi1>
                tpu.vector_store %arg12[%swap3A_214], %get3A_185 masked %and3A_200 {strides = array<i32>} : memref<32xi32, #tpu.memory_space<vmem>>, vector<16xi32>, vector<16xi1>
                %swap3A_216 = arith.constant 0 : index
                %swap3A_217 = tpu.vector_load %arg13[%swap3A_216] masked %and3A_200 {strides = array<i32>} : memref<32xi32, #tpu.memory_space<vmem>>, vector<16xi32>, vector<16xi1>
                tpu.vector_store %arg13[%swap3A_216], %get3A_189 masked %and3A_200 {strides = array<i32>} : memref<32xi32, #tpu.memory_space<vmem>>, vector<16xi32>, vector<16xi1>
                %while3A_218 = arith.constant 0 : i32
                %while3A_219 = arith.constant 0 : i32
                %while3A_220 = arith.subi %squeeze3A, %while3A_219 : i32
                %while3A_221 = arith.addi %while3A_219, %while3A_220 : i32
                %while3A_222 = arith.constant 1 : i32
                %while3A_223 = arith.divsi %while3A_220, %while3A_222 : i32
                %while3A_224 = arith.muli %while3A_223, %while3A_222 : i32
                %while3A_225 = arith.addi %while3A_219, %while3A_224 : i32
                %while3A_226 = arith.constant 1 : i32
                scf.for %while3A_228 = %while3A_219 to %while3A_225 step %while3A_226  : i32 {
                  %get3A_229 = arith.index_cast %while3A_228 : i32 to index
                  %get3A_230 = tpu.vector_load %arg12[%get3A_229] {strides = array<i32>} : memref<32xi32, #tpu.memory_space<vmem>>, vector<16xi32>,
                  %slice3A_231 = vector.extract_strided_slice %get3A_230 {offsets = [0], sizes = [1], strides = [1]} : vector<16xi32> to vector<1xi32>
                  %squeeze3A_232 = vector.extract %slice3A_231[0] : i32 from vector<1xi32>
                  %get3A_233 = arith.index_cast %while3A_228 : i32 to index
                  %get3A_234 = tpu.vector_load %arg13[%get3A_233] {strides = array<i32>} : memref<32xi32, #tpu.memory_space<vmem>>, vector<16xi32>,
                  %slice3A_235 = vector.extract_strided_slice %get3A_234 {offsets = [0], sizes = [1], strides = [1]} : vector<16xi32> to vector<1xi32>
                  %squeeze3A_236 = vector.extract %slice3A_235[0] : i32 from vector<1xi32>
                  %sub3A_237 = arith.subi %squeeze3A_232, %mul3A_147 : i32
                  %broadcast_in_dim3A = vector.broadcast %rem3A_124 : i32 to vector<16xi32>
                  %broadcast_in_dim3A_238 = vector.broadcast %sub3A_237 : i32 to vector<16xi32>
                  %get3A_239 = arith.constant 2 : i32
                  %get3A_240 = arith.index_cast %get3A_239 : i32 to index
                  %get3A_241 = memref.load %arg15[%get3A_240] : memref<8xi32, #tpu.memory_space<smem>>
                  %rem3A_242 = arith.constant 8 : i32
                  %rem3A_243 = arith.remsi %get3A_241, %rem3A_242 : i32
                  %ge3A_244 = arith.constant 8 : i32
                  %ge3A_245 = arith.cmpi sge, %get3A_241, %ge3A_244 : i32
                  %convert_element_type3A_246 = arith.extui %ge3A_245 : i1 to i32
                  %cond3A_247 = arith.constant 0 : i32
                  %cond3A_248 = arith.cmpi ne, %convert_element_type3A_246, %cond3A_247 : i32
                  scf.if %cond3A_248 {
                    %dma_wait3A_289 = arith.constant 0 : i32
                    %dma_wait3A_290 = arith.constant 0 : i32
                    %dma_wait3A_291 = tpu.memref_slice %arg14[%dma_wait3A_289, %dma_wait3A_290] : memref<8x64xf32, #tpu.memory_space<vmem>> -> memref<1x64xf32, #tpu.memory_space<vmem>>
                    %dma_wait3A_292 = arith.constant 0 : i32
                    %dma_wait3A_293 = arith.constant 0 : i32
                    %dma_wait3A_294 = tpu.memref_slice %arg5[%dma_wait3A_292, %dma_wait3A_293] : memref<49152x64xf32, #tpu.memory_space<hbm>> -> memref<1x64xf32, #tpu.memory_space<hbm>>
                    %dma_wait3A_295 = arith.constant 0 : i32
                    %dma_wait3A_296 = arith.constant 0 : i32
                    %dma_wait3A_297 = tpu.memref_slice %arg5[%dma_wait3A_295, %dma_wait3A_296] : memref<49152x64xf32, #tpu.memory_space<hbm>> -> memref<1x64xf32, #tpu.memory_space<hbm>>
                    %dma_wait3A_298 = arith.constant 0 : i32
                    %dma_wait3A_299 = arith.constant 0 : i32
                    %dma_wait3A_300 = tpu.memref_slice %arg14[%dma_wait3A_298, %dma_wait3A_299] : memref<8x64xf32, #tpu.memory_space<vmem>> -> memref<1x64xf32, #tpu.memory_space<vmem>>
                    tpu.wait_dma2 semaphore(%arg17 : memref<!tpu.dma_semaphore, #tpu.memory_space<semaphore_mem>>) src(%dma_wait3A_300 : memref<1x64xf32, #tpu.memory_space<vmem>>) dst(%dma_wait3A_297 : memref<1x64xf32, #tpu.memory_space<hbm>>)
                  } else {
                  }
                  %add3A_249 = arith.constant 0 : i32
                  %add3A_250 = vector.broadcast %add3A_249 : i32 to vector<16xi32>
                  %add3A_251 = arith.addi %iota3A, %add3A_250 : vector<16xi32>
                  %gather3A = tpu.vector_load_idx %arg7[%broadcast_in_dim3A, %add3A_251, %broadcast_in_dim3A_238] : memref<2x64x512xf32, #tpu.memory_space<vmem>>[vector<16xi32>, vector<16xi32>, vector<16xi32>], vector<16xf32>,
                  %swap3A_252 = arith.index_cast %rem3A_243 : i32 to index
                  %swap3A_253 = arith.constant 0 : index
                  %swap3A_254 = tpu.vector_load %arg14[%swap3A_252, %swap3A_253] {strides = array<i32>} : memref<8x64xf32, #tpu.memory_space<vmem>>, vector<16xf32>,
                  tpu.vector_store %arg14[%swap3A_252, %swap3A_253], %gather3A {strides = array<i32>} : memref<8x64xf32, #tpu.memory_space<vmem>>, vector<16xf32>,
                  %add3A_255 = arith.constant 16 : i32
                  %add3A_256 = vector.broadcast %add3A_255 : i32 to vector<16xi32>
                  %add3A_257 = arith.addi %iota3A, %add3A_256 : vector<16xi32>
                  %gather3A_258 = tpu.vector_load_idx %arg7[%broadcast_in_dim3A, %add3A_257, %broadcast_in_dim3A_238] : memref<2x64x512xf32, #tpu.memory_space<vmem>>[vector<16xi32>, vector<16xi32>, vector<16xi32>], vector<16xf32>,
                  %swap3A_259 = arith.index_cast %rem3A_243 : i32 to index
                  %swap3A_260 = arith.constant 16 : index
                  %swap3A_261 = tpu.vector_load %arg14[%swap3A_259, %swap3A_260] {strides = array<i32>} : memref<8x64xf32, #tpu.memory_space<vmem>>, vector<16xf32>,
                  tpu.vector_store %arg14[%swap3A_259, %swap3A_260], %gather3A_258 {strides = array<i32>} : memref<8x64xf32, #tpu.memory_space<vmem>>, vector<16xf32>,
                  %add3A_262 = arith.constant 32 : i32
                  %add3A_263 = vector.broadcast %add3A_262 : i32 to vector<16xi32>
                  %add3A_264 = arith.addi %iota3A, %add3A_263 : vector<16xi32>
                  %gather3A_265 = tpu.vector_load_idx %arg7[%broadcast_in_dim3A, %add3A_264, %broadcast_in_dim3A_238] : memref<2x64x512xf32, #tpu.memory_space<vmem>>[vector<16xi32>, vector<16xi32>, vector<16xi32>], vector<16xf32>,
                  %swap3A_266 = arith.index_cast %rem3A_243 : i32 to index
                  %swap3A_267 = arith.constant 32 : index
                  %swap3A_268 = tpu.vector_load %arg14[%swap3A_266, %swap3A_267] {strides = array<i32>} : memref<8x64xf32, #tpu.memory_space<vmem>>, vector<16xf32>,
                  tpu.vector_store %arg14[%swap3A_266, %swap3A_267], %gather3A_265 {strides = array<i32>} : memref<8x64xf32, #tpu.memory_space<vmem>>, vector<16xf32>,
                  %add3A_269 = arith.constant 48 : i32
                  %add3A_270 = vector.broadcast %add3A_269 : i32 to vector<16xi32>
                  %add3A_271 = arith.addi %iota3A, %add3A_270 : vector<16xi32>
                  %gather3A_272 = tpu.vector_load_idx %arg7[%broadcast_in_dim3A, %add3A_271, %broadcast_in_dim3A_238] : memref<2x64x512xf32, #tpu.memory_space<vmem>>[vector<16xi32>, vector<16xi32>, vector<16xi32>], vector<16xf32>,
                  %swap3A_273 = arith.index_cast %rem3A_243 : i32 to index
                  %swap3A_274 = arith.constant 48 : index
                  %swap3A_275 = tpu.vector_load %arg14[%swap3A_273, %swap3A_274] {strides = array<i32>} : memref<8x64xf32, #tpu.memory_space<vmem>>, vector<16xf32>,
                  tpu.vector_store %arg14[%swap3A_273, %swap3A_274], %gather3A_272 {strides = array<i32>} : memref<8x64xf32, #tpu.memory_space<vmem>>, vector<16xf32>,
                  %dma_start3A_276 = arith.constant 0 : i32
                  %dma_start3A_277 = tpu.memref_slice %arg14[%rem3A_243, %dma_start3A_276] : memref<8x64xf32, #tpu.memory_space<vmem>> -> memref<1x64xf32, #tpu.memory_space<vmem>>
                  %dma_start3A_278 = arith.constant 0 : i32
                  %dma_start3A_279 = tpu.memref_slice %arg5[%squeeze3A_236, %dma_start3A_278] : memref<49152x64xf32, #tpu.memory_space<hbm>> -> memref<1x64xf32, #tpu.memory_space<hbm>>
                  %dma_start3A_280 = arith.constant 0 : i32
                  %dma_start3A_281 = tpu.memref_slice %arg5[%squeeze3A_236, %dma_start3A_280] : memref<49152x64xf32, #tpu.memory_space<hbm>> -> memref<1x64xf32, #tpu.memory_space<hbm>>
                  %dma_start3A_282 = arith.constant 0 : i32
                  %dma_start3A_283 = tpu.memref_slice %arg14[%rem3A_243, %dma_start3A_282] : memref<8x64xf32, #tpu.memory_space<vmem>> -> memref<1x64xf32, #tpu.memory_space<vmem>>
                  tpu.enqueue_dma source(%dma_start3A_283 : memref<1x64xf32, #tpu.memory_space<vmem>>) target(%dma_start3A_281 : memref<1x64xf32, #tpu.memory_space<hbm>>) target_semaphore(%arg17 : memref<!tpu.dma_semaphore, #tpu.memory_space<semaphore_mem>>)
                  %add3A_284 = arith.constant 1 : i32
                  %add3A_285 = arith.addi %get3A_241, %add3A_284 : i32
                  %swap3A_286 = arith.constant 2 : i32
                  %swap3A_287 = arith.index_cast %swap3A_286 : i32 to index
                  %swap3A_288 = memref.load %arg15[%swap3A_287] : memref<8xi32, #tpu.memory_space<smem>>
                  memref.store %add3A_285, %arg15[%swap3A_287] : memref<8xi32, #tpu.memory_space<smem>>
                }
                %while3A_227 = arith.constant 1 : i32
                scf.for %while3A_228 = %while3A_225 to %while3A_221 step %while3A_227  : i32 {
                  %get3A_229 = arith.index_cast %while3A_228 : i32 to index
                  %get3A_230 = tpu.vector_load %arg12[%get3A_229] {strides = array<i32>} : memref<32xi32, #tpu.memory_space<vmem>>, vector<16xi32>,
                  %slice3A_231 = vector.extract_strided_slice %get3A_230 {offsets = [0], sizes = [1], strides = [1]} : vector<16xi32> to vector<1xi32>
                  %squeeze3A_232 = vector.extract %slice3A_231[0] : i32 from vector<1xi32>
                  %get3A_233 = arith.index_cast %while3A_228 : i32 to index
                  %get3A_234 = tpu.vector_load %arg13[%get3A_233] {strides = array<i32>} : memref<32xi32, #tpu.memory_space<vmem>>, vector<16xi32>,
                  %slice3A_235 = vector.extract_strided_slice %get3A_234 {offsets = [0], sizes = [1], strides = [1]} : vector<16xi32> to vector<1xi32>
                  %squeeze3A_236 = vector.extract %slice3A_235[0] : i32 from vector<1xi32>
                  %sub3A_237 = arith.subi %squeeze3A_232, %mul3A_147 : i32
                  %broadcast_in_dim3A = vector.broadcast %rem3A_124 : i32 to vector<16xi32>
                  %broadcast_in_dim3A_238 = vector.broadcast %sub3A_237 : i32 to vector<16xi32>
                  %get3A_239 = arith.constant 2 : i32
                  %get3A_240 = arith.index_cast %get3A_239 : i32 to index
                  %get3A_241 = memref.load %arg15[%get3A_240] : memref<8xi32, #tpu.memory_space<smem>>
                  %rem3A_242 = arith.constant 8 : i32
                  %rem3A_243 = arith.remsi %get3A_241, %rem3A_242 : i32
                  %ge3A_244 = arith.constant 8 : i32
                  %ge3A_245 = arith.cmpi sge, %get3A_241, %ge3A_244 : i32
                  %convert_element_type3A_246 = arith.extui %ge3A_245 : i1 to i32
                  %cond3A_247 = arith.constant 0 : i32
                  %cond3A_248 = arith.cmpi ne, %convert_element_type3A_246, %cond3A_247 : i32
                  scf.if %cond3A_248 {
                    %dma_wait3A_289 = arith.constant 0 : i32
                    %dma_wait3A_290 = arith.constant 0 : i32
                    %dma_wait3A_291 = tpu.memref_slice %arg14[%dma_wait3A_289, %dma_wait3A_290] : memref<8x64xf32, #tpu.memory_space<vmem>> -> memref<1x64xf32, #tpu.memory_space<vmem>>
                    %dma_wait3A_292 = arith.constant 0 : i32
                    %dma_wait3A_293 = arith.constant 0 : i32
                    %dma_wait3A_294 = tpu.memref_slice %arg5[%dma_wait3A_292, %dma_wait3A_293] : memref<49152x64xf32, #tpu.memory_space<hbm>> -> memref<1x64xf32, #tpu.memory_space<hbm>>
                    %dma_wait3A_295 = arith.constant 0 : i32
                    %dma_wait3A_296 = arith.constant 0 : i32
                    %dma_wait3A_297 = tpu.memref_slice %arg5[%dma_wait3A_295, %dma_wait3A_296] : memref<49152x64xf32, #tpu.memory_space<hbm>> -> memref<1x64xf32, #tpu.memory_space<hbm>>
                    %dma_wait3A_298 = arith.constant 0 : i32
                    %dma_wait3A_299 = arith.constant 0 : i32
                    %dma_wait3A_300 = tpu.memref_slice %arg14[%dma_wait3A_298, %dma_wait3A_299] : memref<8x64xf32, #tpu.memory_space<vmem>> -> memref<1x64xf32, #tpu.memory_space<vmem>>
                    tpu.wait_dma2 semaphore(%arg17 : memref<!tpu.dma_semaphore, #tpu.memory_space<semaphore_mem>>) src(%dma_wait3A_300 : memref<1x64xf32, #tpu.memory_space<vmem>>) dst(%dma_wait3A_297 : memref<1x64xf32, #tpu.memory_space<hbm>>)
                  } else {
                  }
                  %add3A_249 = arith.constant 0 : i32
                  %add3A_250 = vector.broadcast %add3A_249 : i32 to vector<16xi32>
                  %add3A_251 = arith.addi %iota3A, %add3A_250 : vector<16xi32>
                  %gather3A = tpu.vector_load_idx %arg7[%broadcast_in_dim3A, %add3A_251, %broadcast_in_dim3A_238] : memref<2x64x512xf32, #tpu.memory_space<vmem>>[vector<16xi32>, vector<16xi32>, vector<16xi32>], vector<16xf32>,
                  %swap3A_252 = arith.index_cast %rem3A_243 : i32 to index
                  %swap3A_253 = arith.constant 0 : index
                  %swap3A_254 = tpu.vector_load %arg14[%swap3A_252, %swap3A_253] {strides = array<i32>} : memref<8x64xf32, #tpu.memory_space<vmem>>, vector<16xf32>,
                  tpu.vector_store %arg14[%swap3A_252, %swap3A_253], %gather3A {strides = array<i32>} : memref<8x64xf32, #tpu.memory_space<vmem>>, vector<16xf32>,
                  %add3A_255 = arith.constant 16 : i32
                  %add3A_256 = vector.broadcast %add3A_255 : i32 to vector<16xi32>
                  %add3A_257 = arith.addi %iota3A, %add3A_256 : vector<16xi32>
                  %gather3A_258 = tpu.vector_load_idx %arg7[%broadcast_in_dim3A, %add3A_257, %broadcast_in_dim3A_238] : memref<2x64x512xf32, #tpu.memory_space<vmem>>[vector<16xi32>, vector<16xi32>, vector<16xi32>], vector<16xf32>,
                  %swap3A_259 = arith.index_cast %rem3A_243 : i32 to index
                  %swap3A_260 = arith.constant 16 : index
                  %swap3A_261 = tpu.vector_load %arg14[%swap3A_259, %swap3A_260] {strides = array<i32>} : memref<8x64xf32, #tpu.memory_space<vmem>>, vector<16xf32>,
                  tpu.vector_store %arg14[%swap3A_259, %swap3A_260], %gather3A_258 {strides = array<i32>} : memref<8x64xf32, #tpu.memory_space<vmem>>, vector<16xf32>,
                  %add3A_262 = arith.constant 32 : i32
                  %add3A_263 = vector.broadcast %add3A_262 : i32 to vector<16xi32>
                  %add3A_264 = arith.addi %iota3A, %add3A_263 : vector<16xi32>
                  %gather3A_265 = tpu.vector_load_idx %arg7[%broadcast_in_dim3A, %add3A_264, %broadcast_in_dim3A_238] : memref<2x64x512xf32, #tpu.memory_space<vmem>>[vector<16xi32>, vector<16xi32>, vector<16xi32>], vector<16xf32>,
                  %swap3A_266 = arith.index_cast %rem3A_243 : i32 to index
                  %swap3A_267 = arith.constant 32 : index
                  %swap3A_268 = tpu.vector_load %arg14[%swap3A_266, %swap3A_267] {strides = array<i32>} : memref<8x64xf32, #tpu.memory_space<vmem>>, vector<16xf32>,
                  tpu.vector_store %arg14[%swap3A_266, %swap3A_267], %gather3A_265 {strides = array<i32>} : memref<8x64xf32, #tpu.memory_space<vmem>>, vector<16xf32>,
                  %add3A_269 = arith.constant 48 : i32
                  %add3A_270 = vector.broadcast %add3A_269 : i32 to vector<16xi32>
                  %add3A_271 = arith.addi %iota3A, %add3A_270 : vector<16xi32>
                  %gather3A_272 = tpu.vector_load_idx %arg7[%broadcast_in_dim3A, %add3A_271, %broadcast_in_dim3A_238] : memref<2x64x512xf32, #tpu.memory_space<vmem>>[vector<16xi32>, vector<16xi32>, vector<16xi32>], vector<16xf32>,
                  %swap3A_273 = arith.index_cast %rem3A_243 : i32 to index
                  %swap3A_274 = arith.constant 48 : index
                  %swap3A_275 = tpu.vector_load %arg14[%swap3A_273, %swap3A_274] {strides = array<i32>} : memref<8x64xf32, #tpu.memory_space<vmem>>, vector<16xf32>,
                  tpu.vector_store %arg14[%swap3A_273, %swap3A_274], %gather3A_272 {strides = array<i32>} : memref<8x64xf32, #tpu.memory_space<vmem>>, vector<16xf32>,
                  %dma_start3A_276 = arith.constant 0 : i32
                  %dma_start3A_277 = tpu.memref_slice %arg14[%rem3A_243, %dma_start3A_276] : memref<8x64xf32, #tpu.memory_space<vmem>> -> memref<1x64xf32, #tpu.memory_space<vmem>>
                  %dma_start3A_278 = arith.constant 0 : i32
                  %dma_start3A_279 = tpu.memref_slice %arg5[%squeeze3A_236, %dma_start3A_278] : memref<49152x64xf32, #tpu.memory_space<hbm>> -> memref<1x64xf32, #tpu.memory_space<hbm>>
                  %dma_start3A_280 = arith.constant 0 : i32
                  %dma_start3A_281 = tpu.memref_slice %arg5[%squeeze3A_236, %dma_start3A_280] : memref<49152x64xf32, #tpu.memory_space<hbm>> -> memref<1x64xf32, #tpu.memory_space<hbm>>
                  %dma_start3A_282 = arith.constant 0 : i32
                  %dma_start3A_283 = tpu.memref_slice %arg14[%rem3A_243, %dma_start3A_282] : memref<8x64xf32, #tpu.memory_space<vmem>> -> memref<1x64xf32, #tpu.memory_space<vmem>>
                  tpu.enqueue_dma source(%dma_start3A_283 : memref<1x64xf32, #tpu.memory_space<vmem>>) target(%dma_start3A_281 : memref<1x64xf32, #tpu.memory_space<hbm>>) target_semaphore(%arg17 : memref<!tpu.dma_semaphore, #tpu.memory_space<semaphore_mem>>)
                  %add3A_284 = arith.constant 1 : i32
                  %add3A_285 = arith.addi %get3A_241, %add3A_284 : i32
                  %swap3A_286 = arith.constant 2 : i32
                  %swap3A_287 = arith.index_cast %swap3A_286 : i32 to index
                  %swap3A_288 = memref.load %arg15[%swap3A_287] : memref<8xi32, #tpu.memory_space<smem>>
                  memref.store %add3A_285, %arg15[%swap3A_287] : memref<8xi32, #tpu.memory_space<smem>>
                }
              } else {
              }
            }
            %while3A_180 = arith.constant 1 : i32
            scf.for %while3A_181 = %while3A_178 to %while3A_174 step %while3A_180  : i32 {
              %mul3A_182 = arith.constant 16 : i32
              %mul3A_183 = arith.muli %while3A_181, %mul3A_182 : i32
              %get3A_184 = arith.index_cast %mul3A_183 : i32 to index
              %get3A_185 = tpu.vector_load %arg10[%get3A_184] {strides = array<i32>} : memref<2080xi32, #tpu.memory_space<vmem>>, vector<16xi32>,
              %mul3A_186 = arith.constant 16 : i32
              %mul3A_187 = arith.muli %while3A_181, %mul3A_186 : i32
              %get3A_188 = arith.index_cast %mul3A_187 : i32 to index
              %get3A_189 = tpu.vector_load %arg11[%get3A_188] {strides = array<i32>} : memref<2080xi32, #tpu.memory_space<vmem>>, vector<16xi32>,
              %mul3A_190 = arith.constant 16 : i32
              %mul3A_191 = arith.muli %while3A_181, %mul3A_190 : i32
              %add3A_192 = vector.broadcast %mul3A_191 : i32 to vector<16xi32>
              %add3A_193 = arith.addi %add3A_192, %iota3A : vector<16xi32>
              %lt3A_194 = vector.broadcast %get3A_167 : i32 to vector<16xi32>
              %lt3A_195 = arith.cmpi slt, %add3A_193, %lt3A_194 : vector<16xi32>
              %ge3A = vector.broadcast %mul3A_147 : i32 to vector<16xi32>
              %ge3A_196 = arith.cmpi sge, %get3A_185, %ge3A : vector<16xi32>
              %and3A_197 = arith.andi %lt3A_195, %ge3A_196 : vector<16xi1>
              %lt3A_198 = vector.broadcast %add3A_164 : i32 to vector<16xi32>
              %lt3A_199 = arith.cmpi slt, %get3A_185, %lt3A_198 : vector<16xi32>
              %and3A_200 = arith.andi %and3A_197, %lt3A_199 : vector<16xi1>
              %reduce_or3A = arith.constant 1.000000e+00 : f32
              %reduce_or3A_201 = arith.constant 0.000000e+00 : f32
              %reduce_or3A_202 = vector.broadcast %reduce_or3A : f32 to vector<16xf32>
              %reduce_or3A_203 = vector.broadcast %reduce_or3A_201 : f32 to vector<16xf32>
              %reduce_or3A_204 = arith.select %and3A_200, %reduce_or3A_202, %reduce_or3A_203 : vector<16xi1>, vector<16xf32>
              %reduce_or3A_205 = arith.constant true
              %reduce_or3A_206 = vector.broadcast %reduce_or3A_205 : i1 to vector<16xi1>
              %reduce_or3A_207 = tpu.scan <max>, %reduce_or3A_204 masked %reduce_or3A_206 : vector<16xf32>, vector<16xi1> -> vector<16xf32>
              %reduce_or3A_208 = vector.extract %reduce_or3A_207[15] : f32 from vector<16xf32>
              %reduce_or3A_209 = arith.constant 0.000000e+00 : f32
              %reduce_or3A_210 = arith.cmpf ogt, %reduce_or3A_208, %reduce_or3A_209 : f32
              %convert_element_type3A_211 = arith.extui %reduce_or3A_210 : i1 to i32
              %cond3A_212 = arith.constant 0 : i32
              %cond3A_213 = arith.cmpi ne, %convert_element_type3A_211, %cond3A_212 : i32
              scf.if %cond3A_213 {
                %all_reduce_population_count3A = tpu.all_reduce %and3A_200 {dim = 0 : i64, kind = #tpu.reduction_kind<sum>} : vector<16xi1> -> vector<16xi32>
                %slice3A = vector.extract_strided_slice %all_reduce_population_count3A {offsets = [0], sizes = [1], strides = [1]} : vector<16xi32> to vector<1xi32>
                %squeeze3A = vector.extract %slice3A[0] : i32 from vector<1xi32>
                %swap3A_214 = arith.constant 0 : index
                %swap3A_215 = tpu.vector_load %arg12[%swap3A_214] masked %and3A_200 {strides = array<i32>} : memref<32xi32, #tpu.memory_space<vmem>>, vector<16xi32>, vector<16xi1>
                tpu.vector_store %arg12[%swap3A_214], %get3A_185 masked %and3A_200 {strides = array<i32>} : memref<32xi32, #tpu.memory_space<vmem>>, vector<16xi32>, vector<16xi1>
                %swap3A_216 = arith.constant 0 : index
                %swap3A_217 = tpu.vector_load %arg13[%swap3A_216] masked %and3A_200 {strides = array<i32>} : memref<32xi32, #tpu.memory_space<vmem>>, vector<16xi32>, vector<16xi1>
                tpu.vector_store %arg13[%swap3A_216], %get3A_189 masked %and3A_200 {strides = array<i32>} : memref<32xi32, #tpu.memory_space<vmem>>, vector<16xi32>, vector<16xi1>
                %while3A_218 = arith.constant 0 : i32
                %while3A_219 = arith.constant 0 : i32
                %while3A_220 = arith.subi %squeeze3A, %while3A_219 : i32
                %while3A_221 = arith.addi %while3A_219, %while3A_220 : i32
                %while3A_222 = arith.constant 1 : i32
                %while3A_223 = arith.divsi %while3A_220, %while3A_222 : i32
                %while3A_224 = arith.muli %while3A_223, %while3A_222 : i32
                %while3A_225 = arith.addi %while3A_219, %while3A_224 : i32
                %while3A_226 = arith.constant 1 : i32
                scf.for %while3A_228 = %while3A_219 to %while3A_225 step %while3A_226  : i32 {
                  %get3A_229 = arith.index_cast %while3A_228 : i32 to index
                  %get3A_230 = tpu.vector_load %arg12[%get3A_229] {strides = array<i32>} : memref<32xi32, #tpu.memory_space<vmem>>, vector<16xi32>,
                  %slice3A_231 = vector.extract_strided_slice %get3A_230 {offsets = [0], sizes = [1], strides = [1]} : vector<16xi32> to vector<1xi32>
                  %squeeze3A_232 = vector.extract %slice3A_231[0] : i32 from vector<1xi32>
                  %get3A_233 = arith.index_cast %while3A_228 : i32 to index
                  %get3A_234 = tpu.vector_load %arg13[%get3A_233] {strides = array<i32>} : memref<32xi32, #tpu.memory_space<vmem>>, vector<16xi32>,
                  %slice3A_235 = vector.extract_strided_slice %get3A_234 {offsets = [0], sizes = [1], strides = [1]} : vector<16xi32> to vector<1xi32>
                  %squeeze3A_236 = vector.extract %slice3A_235[0] : i32 from vector<1xi32>
                  %sub3A_237 = arith.subi %squeeze3A_232, %mul3A_147 : i32
                  %broadcast_in_dim3A = vector.broadcast %rem3A_124 : i32 to vector<16xi32>
                  %broadcast_in_dim3A_238 = vector.broadcast %sub3A_237 : i32 to vector<16xi32>
                  %get3A_239 = arith.constant 2 : i32
                  %get3A_240 = arith.index_cast %get3A_239 : i32 to index
                  %get3A_241 = memref.load %arg15[%get3A_240] : memref<8xi32, #tpu.memory_space<smem>>
                  %rem3A_242 = arith.constant 8 : i32
                  %rem3A_243 = arith.remsi %get3A_241, %rem3A_242 : i32
                  %ge3A_244 = arith.constant 8 : i32
                  %ge3A_245 = arith.cmpi sge, %get3A_241, %ge3A_244 : i32
                  %convert_element_type3A_246 = arith.extui %ge3A_245 : i1 to i32
                  %cond3A_247 = arith.constant 0 : i32
                  %cond3A_248 = arith.cmpi ne, %convert_element_type3A_246, %cond3A_247 : i32
                  scf.if %cond3A_248 {
                    %dma_wait3A_289 = arith.constant 0 : i32
                    %dma_wait3A_290 = arith.constant 0 : i32
                    %dma_wait3A_291 = tpu.memref_slice %arg14[%dma_wait3A_289, %dma_wait3A_290] : memref<8x64xf32, #tpu.memory_space<vmem>> -> memref<1x64xf32, #tpu.memory_space<vmem>>
                    %dma_wait3A_292 = arith.constant 0 : i32
                    %dma_wait3A_293 = arith.constant 0 : i32
                    %dma_wait3A_294 = tpu.memref_slice %arg5[%dma_wait3A_292, %dma_wait3A_293] : memref<49152x64xf32, #tpu.memory_space<hbm>> -> memref<1x64xf32, #tpu.memory_space<hbm>>
                    %dma_wait3A_295 = arith.constant 0 : i32
                    %dma_wait3A_296 = arith.constant 0 : i32
                    %dma_wait3A_297 = tpu.memref_slice %arg5[%dma_wait3A_295, %dma_wait3A_296] : memref<49152x64xf32, #tpu.memory_space<hbm>> -> memref<1x64xf32, #tpu.memory_space<hbm>>
                    %dma_wait3A_298 = arith.constant 0 : i32
                    %dma_wait3A_299 = arith.constant 0 : i32
                    %dma_wait3A_300 = tpu.memref_slice %arg14[%dma_wait3A_298, %dma_wait3A_299] : memref<8x64xf32, #tpu.memory_space<vmem>> -> memref<1x64xf32, #tpu.memory_space<vmem>>
                    tpu.wait_dma2 semaphore(%arg17 : memref<!tpu.dma_semaphore, #tpu.memory_space<semaphore_mem>>) src(%dma_wait3A_300 : memref<1x64xf32, #tpu.memory_space<vmem>>) dst(%dma_wait3A_297 : memref<1x64xf32, #tpu.memory_space<hbm>>)
                  } else {
                  }
                  %add3A_249 = arith.constant 0 : i32
                  %add3A_250 = vector.broadcast %add3A_249 : i32 to vector<16xi32>
                  %add3A_251 = arith.addi %iota3A, %add3A_250 : vector<16xi32>
                  %gather3A = tpu.vector_load_idx %arg7[%broadcast_in_dim3A, %add3A_251, %broadcast_in_dim3A_238] : memref<2x64x512xf32, #tpu.memory_space<vmem>>[vector<16xi32>, vector<16xi32>, vector<16xi32>], vector<16xf32>,
                  %swap3A_252 = arith.index_cast %rem3A_243 : i32 to index
                  %swap3A_253 = arith.constant 0 : index
                  %swap3A_254 = tpu.vector_load %arg14[%swap3A_252, %swap3A_253] {strides = array<i32>} : memref<8x64xf32, #tpu.memory_space<vmem>>, vector<16xf32>,
                  tpu.vector_store %arg14[%swap3A_252, %swap3A_253], %gather3A {strides = array<i32>} : memref<8x64xf32, #tpu.memory_space<vmem>>, vector<16xf32>,
                  %add3A_255 = arith.constant 16 : i32
                  %add3A_256 = vector.broadcast %add3A_255 : i32 to vector<16xi32>
                  %add3A_257 = arith.addi %iota3A, %add3A_256 : vector<16xi32>
                  %gather3A_258 = tpu.vector_load_idx %arg7[%broadcast_in_dim3A, %add3A_257, %broadcast_in_dim3A_238] : memref<2x64x512xf32, #tpu.memory_space<vmem>>[vector<16xi32>, vector<16xi32>, vector<16xi32>], vector<16xf32>,
                  %swap3A_259 = arith.index_cast %rem3A_243 : i32 to index
                  %swap3A_260 = arith.constant 16 : index
                  %swap3A_261 = tpu.vector_load %arg14[%swap3A_259, %swap3A_260] {strides = array<i32>} : memref<8x64xf32, #tpu.memory_space<vmem>>, vector<16xf32>,
                  tpu.vector_store %arg14[%swap3A_259, %swap3A_260], %gather3A_258 {strides = array<i32>} : memref<8x64xf32, #tpu.memory_space<vmem>>, vector<16xf32>,
                  %add3A_262 = arith.constant 32 : i32
                  %add3A_263 = vector.broadcast %add3A_262 : i32 to vector<16xi32>
                  %add3A_264 = arith.addi %iota3A, %add3A_263 : vector<16xi32>
                  %gather3A_265 = tpu.vector_load_idx %arg7[%broadcast_in_dim3A, %add3A_264, %broadcast_in_dim3A_238] : memref<2x64x512xf32, #tpu.memory_space<vmem>>[vector<16xi32>, vector<16xi32>, vector<16xi32>], vector<16xf32>,
                  %swap3A_266 = arith.index_cast %rem3A_243 : i32 to index
                  %swap3A_267 = arith.constant 32 : index
                  %swap3A_268 = tpu.vector_load %arg14[%swap3A_266, %swap3A_267] {strides = array<i32>} : memref<8x64xf32, #tpu.memory_space<vmem>>, vector<16xf32>,
                  tpu.vector_store %arg14[%swap3A_266, %swap3A_267], %gather3A_265 {strides = array<i32>} : memref<8x64xf32, #tpu.memory_space<vmem>>, vector<16xf32>,
                  %add3A_269 = arith.constant 48 : i32
                  %add3A_270 = vector.broadcast %add3A_269 : i32 to vector<16xi32>
                  %add3A_271 = arith.addi %iota3A, %add3A_270 : vector<16xi32>
                  %gather3A_272 = tpu.vector_load_idx %arg7[%broadcast_in_dim3A, %add3A_271, %broadcast_in_dim3A_238] : memref<2x64x512xf32, #tpu.memory_space<vmem>>[vector<16xi32>, vector<16xi32>, vector<16xi32>], vector<16xf32>,
                  %swap3A_273 = arith.index_cast %rem3A_243 : i32 to index
                  %swap3A_274 = arith.constant 48 : index
                  %swap3A_275 = tpu.vector_load %arg14[%swap3A_273, %swap3A_274] {strides = array<i32>} : memref<8x64xf32, #tpu.memory_space<vmem>>, vector<16xf32>,
                  tpu.vector_store %arg14[%swap3A_273, %swap3A_274], %gather3A_272 {strides = array<i32>} : memref<8x64xf32, #tpu.memory_space<vmem>>, vector<16xf32>,
                  %dma_start3A_276 = arith.constant 0 : i32
                  %dma_start3A_277 = tpu.memref_slice %arg14[%rem3A_243, %dma_start3A_276] : memref<8x64xf32, #tpu.memory_space<vmem>> -> memref<1x64xf32, #tpu.memory_space<vmem>>
                  %dma_start3A_278 = arith.constant 0 : i32
                  %dma_start3A_279 = tpu.memref_slice %arg5[%squeeze3A_236, %dma_start3A_278] : memref<49152x64xf32, #tpu.memory_space<hbm>> -> memref<1x64xf32, #tpu.memory_space<hbm>>
                  %dma_start3A_280 = arith.constant 0 : i32
                  %dma_start3A_281 = tpu.memref_slice %arg5[%squeeze3A_236, %dma_start3A_280] : memref<49152x64xf32, #tpu.memory_space<hbm>> -> memref<1x64xf32, #tpu.memory_space<hbm>>
                  %dma_start3A_282 = arith.constant 0 : i32
                  %dma_start3A_283 = tpu.memref_slice %arg14[%rem3A_243, %dma_start3A_282] : memref<8x64xf32, #tpu.memory_space<vmem>> -> memref<1x64xf32, #tpu.memory_space<vmem>>
                  tpu.enqueue_dma source(%dma_start3A_283 : memref<1x64xf32, #tpu.memory_space<vmem>>) target(%dma_start3A_281 : memref<1x64xf32, #tpu.memory_space<hbm>>) target_semaphore(%arg17 : memref<!tpu.dma_semaphore, #tpu.memory_space<semaphore_mem>>)
                  %add3A_284 = arith.constant 1 : i32
                  %add3A_285 = arith.addi %get3A_241, %add3A_284 : i32
                  %swap3A_286 = arith.constant 2 : i32
                  %swap3A_287 = arith.index_cast %swap3A_286 : i32 to index
                  %swap3A_288 = memref.load %arg15[%swap3A_287] : memref<8xi32, #tpu.memory_space<smem>>
                  memref.store %add3A_285, %arg15[%swap3A_287] : memref<8xi32, #tpu.memory_space<smem>>
                }
                %while3A_227 = arith.constant 1 : i32
                scf.for %while3A_228 = %while3A_225 to %while3A_221 step %while3A_227  : i32 {
                  %get3A_229 = arith.index_cast %while3A_228 : i32 to index
                  %get3A_230 = tpu.vector_load %arg12[%get3A_229] {strides = array<i32>} : memref<32xi32, #tpu.memory_space<vmem>>, vector<16xi32>,
                  %slice3A_231 = vector.extract_strided_slice %get3A_230 {offsets = [0], sizes = [1], strides = [1]} : vector<16xi32> to vector<1xi32>
                  %squeeze3A_232 = vector.extract %slice3A_231[0] : i32 from vector<1xi32>
                  %get3A_233 = arith.index_cast %while3A_228 : i32 to index
                  %get3A_234 = tpu.vector_load %arg13[%get3A_233] {strides = array<i32>} : memref<32xi32, #tpu.memory_space<vmem>>, vector<16xi32>,
                  %slice3A_235 = vector.extract_strided_slice %get3A_234 {offsets = [0], sizes = [1], strides = [1]} : vector<16xi32> to vector<1xi32>
                  %squeeze3A_236 = vector.extract %slice3A_235[0] : i32 from vector<1xi32>
                  %sub3A_237 = arith.subi %squeeze3A_232, %mul3A_147 : i32
                  %broadcast_in_dim3A = vector.broadcast %rem3A_124 : i32 to vector<16xi32>
                  %broadcast_in_dim3A_238 = vector.broadcast %sub3A_237 : i32 to vector<16xi32>
                  %get3A_239 = arith.constant 2 : i32
                  %get3A_240 = arith.index_cast %get3A_239 : i32 to index
                  %get3A_241 = memref.load %arg15[%get3A_240] : memref<8xi32, #tpu.memory_space<smem>>
                  %rem3A_242 = arith.constant 8 : i32
                  %rem3A_243 = arith.remsi %get3A_241, %rem3A_242 : i32
                  %ge3A_244 = arith.constant 8 : i32
                  %ge3A_245 = arith.cmpi sge, %get3A_241, %ge3A_244 : i32
                  %convert_element_type3A_246 = arith.extui %ge3A_245 : i1 to i32
                  %cond3A_247 = arith.constant 0 : i32
                  %cond3A_248 = arith.cmpi ne, %convert_element_type3A_246, %cond3A_247 : i32
                  scf.if %cond3A_248 {
                    %dma_wait3A_289 = arith.constant 0 : i32
                    %dma_wait3A_290 = arith.constant 0 : i32
                    %dma_wait3A_291 = tpu.memref_slice %arg14[%dma_wait3A_289, %dma_wait3A_290] : memref<8x64xf32, #tpu.memory_space<vmem>> -> memref<1x64xf32, #tpu.memory_space<vmem>>
                    %dma_wait3A_292 = arith.constant 0 : i32
                    %dma_wait3A_293 = arith.constant 0 : i32
                    %dma_wait3A_294 = tpu.memref_slice %arg5[%dma_wait3A_292, %dma_wait3A_293] : memref<49152x64xf32, #tpu.memory_space<hbm>> -> memref<1x64xf32, #tpu.memory_space<hbm>>
                    %dma_wait3A_295 = arith.constant 0 : i32
                    %dma_wait3A_296 = arith.constant 0 : i32
                    %dma_wait3A_297 = tpu.memref_slice %arg5[%dma_wait3A_295, %dma_wait3A_296] : memref<49152x64xf32, #tpu.memory_space<hbm>> -> memref<1x64xf32, #tpu.memory_space<hbm>>
                    %dma_wait3A_298 = arith.constant 0 : i32
                    %dma_wait3A_299 = arith.constant 0 : i32
                    %dma_wait3A_300 = tpu.memref_slice %arg14[%dma_wait3A_298, %dma_wait3A_299] : memref<8x64xf32, #tpu.memory_space<vmem>> -> memref<1x64xf32, #tpu.memory_space<vmem>>
                    tpu.wait_dma2 semaphore(%arg17 : memref<!tpu.dma_semaphore, #tpu.memory_space<semaphore_mem>>) src(%dma_wait3A_300 : memref<1x64xf32, #tpu.memory_space<vmem>>) dst(%dma_wait3A_297 : memref<1x64xf32, #tpu.memory_space<hbm>>)
                  } else {
                  }
                  %add3A_249 = arith.constant 0 : i32
                  %add3A_250 = vector.broadcast %add3A_249 : i32 to vector<16xi32>
                  %add3A_251 = arith.addi %iota3A, %add3A_250 : vector<16xi32>
                  %gather3A = tpu.vector_load_idx %arg7[%broadcast_in_dim3A, %add3A_251, %broadcast_in_dim3A_238] : memref<2x64x512xf32, #tpu.memory_space<vmem>>[vector<16xi32>, vector<16xi32>, vector<16xi32>], vector<16xf32>,
                  %swap3A_252 = arith.index_cast %rem3A_243 : i32 to index
                  %swap3A_253 = arith.constant 0 : index
                  %swap3A_254 = tpu.vector_load %arg14[%swap3A_252, %swap3A_253] {strides = array<i32>} : memref<8x64xf32, #tpu.memory_space<vmem>>, vector<16xf32>,
                  tpu.vector_store %arg14[%swap3A_252, %swap3A_253], %gather3A {strides = array<i32>} : memref<8x64xf32, #tpu.memory_space<vmem>>, vector<16xf32>,
                  %add3A_255 = arith.constant 16 : i32
                  %add3A_256 = vector.broadcast %add3A_255 : i32 to vector<16xi32>
                  %add3A_257 = arith.addi %iota3A, %add3A_256 : vector<16xi32>
                  %gather3A_258 = tpu.vector_load_idx %arg7[%broadcast_in_dim3A, %add3A_257, %broadcast_in_dim3A_238] : memref<2x64x512xf32, #tpu.memory_space<vmem>>[vector<16xi32>, vector<16xi32>, vector<16xi32>], vector<16xf32>,
                  %swap3A_259 = arith.index_cast %rem3A_243 : i32 to index
                  %swap3A_260 = arith.constant 16 : index
                  %swap3A_261 = tpu.vector_load %arg14[%swap3A_259, %swap3A_260] {strides = array<i32>} : memref<8x64xf32, #tpu.memory_space<vmem>>, vector<16xf32>,
                  tpu.vector_store %arg14[%swap3A_259, %swap3A_260], %gather3A_258 {strides = array<i32>} : memref<8x64xf32, #tpu.memory_space<vmem>>, vector<16xf32>,
                  %add3A_262 = arith.constant 32 : i32
                  %add3A_263 = vector.broadcast %add3A_262 : i32 to vector<16xi32>
                  %add3A_264 = arith.addi %iota3A, %add3A_263 : vector<16xi32>
                  %gather3A_265 = tpu.vector_load_idx %arg7[%broadcast_in_dim3A, %add3A_264, %broadcast_in_dim3A_238] : memref<2x64x512xf32, #tpu.memory_space<vmem>>[vector<16xi32>, vector<16xi32>, vector<16xi32>], vector<16xf32>,
                  %swap3A_266 = arith.index_cast %rem3A_243 : i32 to index
                  %swap3A_267 = arith.constant 32 : index
                  %swap3A_268 = tpu.vector_load %arg14[%swap3A_266, %swap3A_267] {strides = array<i32>} : memref<8x64xf32, #tpu.memory_space<vmem>>, vector<16xf32>,
                  tpu.vector_store %arg14[%swap3A_266, %swap3A_267], %gather3A_265 {strides = array<i32>} : memref<8x64xf32, #tpu.memory_space<vmem>>, vector<16xf32>,
                  %add3A_269 = arith.constant 48 : i32
                  %add3A_270 = vector.broadcast %add3A_269 : i32 to vector<16xi32>
                  %add3A_271 = arith.addi %iota3A, %add3A_270 : vector<16xi32>
                  %gather3A_272 = tpu.vector_load_idx %arg7[%broadcast_in_dim3A, %add3A_271, %broadcast_in_dim3A_238] : memref<2x64x512xf32, #tpu.memory_space<vmem>>[vector<16xi32>, vector<16xi32>, vector<16xi32>], vector<16xf32>,
                  %swap3A_273 = arith.index_cast %rem3A_243 : i32 to index
                  %swap3A_274 = arith.constant 48 : index
                  %swap3A_275 = tpu.vector_load %arg14[%swap3A_273, %swap3A_274] {strides = array<i32>} : memref<8x64xf32, #tpu.memory_space<vmem>>, vector<16xf32>,
                  tpu.vector_store %arg14[%swap3A_273, %swap3A_274], %gather3A_272 {strides = array<i32>} : memref<8x64xf32, #tpu.memory_space<vmem>>, vector<16xf32>,
                  %dma_start3A_276 = arith.constant 0 : i32
                  %dma_start3A_277 = tpu.memref_slice %arg14[%rem3A_243, %dma_start3A_276] : memref<8x64xf32, #tpu.memory_space<vmem>> -> memref<1x64xf32, #tpu.memory_space<vmem>>
                  %dma_start3A_278 = arith.constant 0 : i32
                  %dma_start3A_279 = tpu.memref_slice %arg5[%squeeze3A_236, %dma_start3A_278] : memref<49152x64xf32, #tpu.memory_space<hbm>> -> memref<1x64xf32, #tpu.memory_space<hbm>>
                  %dma_start3A_280 = arith.constant 0 : i32
                  %dma_start3A_281 = tpu.memref_slice %arg5[%squeeze3A_236, %dma_start3A_280] : memref<49152x64xf32, #tpu.memory_space<hbm>> -> memref<1x64xf32, #tpu.memory_space<hbm>>
                  %dma_start3A_282 = arith.constant 0 : i32
                  %dma_start3A_283 = tpu.memref_slice %arg14[%rem3A_243, %dma_start3A_282] : memref<8x64xf32, #tpu.memory_space<vmem>> -> memref<1x64xf32, #tpu.memory_space<vmem>>
                  tpu.enqueue_dma source(%dma_start3A_283 : memref<1x64xf32, #tpu.memory_space<vmem>>) target(%dma_start3A_281 : memref<1x64xf32, #tpu.memory_space<hbm>>) target_semaphore(%arg17 : memref<!tpu.dma_semaphore, #tpu.memory_space<semaphore_mem>>)
                  %add3A_284 = arith.constant 1 : i32
                  %add3A_285 = arith.addi %get3A_241, %add3A_284 : i32
                  %swap3A_286 = arith.constant 2 : i32
                  %swap3A_287 = arith.index_cast %swap3A_286 : i32 to index
                  %swap3A_288 = memref.load %arg15[%swap3A_287] : memref<8xi32, #tpu.memory_space<smem>>
                  memref.store %add3A_285, %arg15[%swap3A_287] : memref<8xi32, #tpu.memory_space<smem>>
                }
              } else {
              }
            }
          } else {
          }
          %ne3A = arith.constant 0 : i32
          %ne3A_153 = arith.cmpi ne, %get3A_71, %ne3A : i32
          %convert_element_type3A_154 = arith.extui %ne3A_153 : i1 to i32
          %cond3A_155 = arith.constant 0 : i32
          %cond3A_156 = arith.cmpi ne, %convert_element_type3A_154, %cond3A_155 : i32
          scf.if %cond3A_156 {
            %add3A_163 = arith.constant 512 : i32
            %add3A_164 = arith.addi %mul3A_147, %add3A_163 : i32
            %scan3A_165 = arith.constant 0 : i32
            %scan3A_166 = arith.constant 0 : i32
            %scan3A_167 = arith.constant 3072 : i32
            %scan3A_168 = arith.addi %scan3A_166, %scan3A_167 : i32
            %scan3A_169 = arith.constant 1 : i32
            scf.for %scan3A_171 = %scan3A_166 to %scan3A_168 step %scan3A_169  : i32 {
              %div3A = arith.constant 8 : i32
              %div3A_172 = arith.divsi %scan3A_171, %div3A : i32
              %rem3A_173 = arith.constant 8 : i32
              %rem3A_174 = arith.remsi %scan3A_171, %rem3A_173 : i32
              %mul3A_175 = arith.constant 16 : i32
              %mul3A_176 = arith.muli %rem3A_174, %mul3A_175 : i32
              %get3A_177 = arith.index_cast %div3A_172 : i32 to index
              %get3A_178 = arith.index_cast %mul3A_176 : i32 to index
              %get3A_179 = tpu.vector_load %arg6[%get3A_177, %get3A_178] {strides = array<i32>} : memref<384x128xi32, #tpu.memory_space<vmem>>, vector<16xi32>,
              %ge3A = vector.broadcast %mul3A_147 : i32 to vector<16xi32>
              %ge3A_180 = arith.cmpi sge, %get3A_179, %ge3A : vector<16xi32>
              %lt3A_181 = vector.broadcast %add3A_164 : i32 to vector<16xi32>
              %lt3A_182 = arith.cmpi slt, %get3A_179, %lt3A_181 : vector<16xi32>
              %and3A_183 = arith.andi %ge3A_180, %lt3A_182 : vector<16xi1>
              %reduce_or3A = arith.constant 1.000000e+00 : f32
              %reduce_or3A_184 = arith.constant 0.000000e+00 : f32
              %reduce_or3A_185 = vector.broadcast %reduce_or3A : f32 to vector<16xf32>
              %reduce_or3A_186 = vector.broadcast %reduce_or3A_184 : f32 to vector<16xf32>
              %reduce_or3A_187 = arith.select %and3A_183, %reduce_or3A_185, %reduce_or3A_186 : vector<16xi1>, vector<16xf32>
              %reduce_or3A_188 = arith.constant true
              %reduce_or3A_189 = vector.broadcast %reduce_or3A_188 : i1 to vector<16xi1>
              %reduce_or3A_190 = tpu.scan <max>, %reduce_or3A_187 masked %reduce_or3A_189 : vector<16xf32>, vector<16xi1> -> vector<16xf32>
              %reduce_or3A_191 = vector.extract %reduce_or3A_190[15] : f32 from vector<16xf32>
              %reduce_or3A_192 = arith.constant 0.000000e+00 : f32
              %reduce_or3A_193 = arith.cmpf ogt, %reduce_or3A_191, %reduce_or3A_192 : f32
              %convert_element_type3A_194 = arith.extui %reduce_or3A_193 : i1 to i32
              %cond3A_195 = arith.constant 0 : i32
              %cond3A_196 = arith.cmpi ne, %convert_element_type3A_194, %cond3A_195 : i32
              scf.if %cond3A_196 {
                %all_reduce_population_count3A = tpu.all_reduce %and3A_183 {dim = 0 : i64, kind = #tpu.reduction_kind<sum>} : vector<16xi1> -> vector<16xi32>
                %slice3A = vector.extract_strided_slice %all_reduce_population_count3A {offsets = [0], sizes = [1], strides = [1]} : vector<16xi32> to vector<1xi32>
                %squeeze3A = vector.extract %slice3A[0] : i32 from vector<1xi32>
                %swap3A_197 = arith.constant 0 : index
                %swap3A_198 = tpu.vector_load %arg12[%swap3A_197] masked %and3A_183 {strides = array<i32>} : memref<32xi32, #tpu.memory_space<vmem>>, vector<16xi32>, vector<16xi1>
                tpu.vector_store %arg12[%swap3A_197], %get3A_179 masked %and3A_183 {strides = array<i32>} : memref<32xi32, #tpu.memory_space<vmem>>, vector<16xi32>, vector<16xi1>
                %mul3A_199 = arith.constant 16 : i32
                %mul3A_200 = arith.muli %scan3A_171, %mul3A_199 : i32
                %add3A_201 = vector.broadcast %mul3A_200 : i32 to vector<16xi32>
                %add3A_202 = arith.addi %add3A_201, %iota3A : vector<16xi32>
                %swap3A_203 = arith.constant 0 : index
                %swap3A_204 = tpu.vector_load %arg13[%swap3A_203] masked %and3A_183 {strides = array<i32>} : memref<32xi32, #tpu.memory_space<vmem>>, vector<16xi32>, vector<16xi1>
                tpu.vector_store %arg13[%swap3A_203], %add3A_202 masked %and3A_183 {strides = array<i32>} : memref<32xi32, #tpu.memory_space<vmem>>, vector<16xi32>, vector<16xi1>
                %while3A_205 = arith.constant 0 : i32
                %while3A_206 = arith.constant 0 : i32
                %while3A_207 = arith.subi %squeeze3A, %while3A_206 : i32
                %while3A_208 = arith.addi %while3A_206, %while3A_207 : i32
                %while3A_209 = arith.constant 1 : i32
                %while3A_210 = arith.divsi %while3A_207, %while3A_209 : i32
                %while3A_211 = arith.muli %while3A_210, %while3A_209 : i32
                %while3A_212 = arith.addi %while3A_206, %while3A_211 : i32
                %while3A_213 = arith.constant 1 : i32
                scf.for %while3A_215 = %while3A_206 to %while3A_212 step %while3A_213  : i32 {
                  %get3A_216 = arith.index_cast %while3A_215 : i32 to index
                  %get3A_217 = tpu.vector_load %arg12[%get3A_216] {strides = array<i32>} : memref<32xi32, #tpu.memory_space<vmem>>, vector<16xi32>,
                  %slice3A_218 = vector.extract_strided_slice %get3A_217 {offsets = [0], sizes = [1], strides = [1]} : vector<16xi32> to vector<1xi32>
                  %squeeze3A_219 = vector.extract %slice3A_218[0] : i32 from vector<1xi32>
                  %get3A_220 = arith.index_cast %while3A_215 : i32 to index
                  %get3A_221 = tpu.vector_load %arg13[%get3A_220] {strides = array<i32>} : memref<32xi32, #tpu.memory_space<vmem>>, vector<16xi32>,
                  %slice3A_222 = vector.extract_strided_slice %get3A_221 {offsets = [0], sizes = [1], strides = [1]} : vector<16xi32> to vector<1xi32>
                  %squeeze3A_223 = vector.extract %slice3A_222[0] : i32 from vector<1xi32>
                  %sub3A_224 = arith.subi %squeeze3A_219, %mul3A_147 : i32
                  %broadcast_in_dim3A = vector.broadcast %rem3A_124 : i32 to vector<16xi32>
                  %broadcast_in_dim3A_225 = vector.broadcast %sub3A_224 : i32 to vector<16xi32>
                  %get3A_226 = arith.constant 2 : i32
                  %get3A_227 = arith.index_cast %get3A_226 : i32 to index
                  %get3A_228 = memref.load %arg15[%get3A_227] : memref<8xi32, #tpu.memory_space<smem>>
                  %rem3A_229 = arith.constant 8 : i32
                  %rem3A_230 = arith.remsi %get3A_228, %rem3A_229 : i32
                  %ge3A_231 = arith.constant 8 : i32
                  %ge3A_232 = arith.cmpi sge, %get3A_228, %ge3A_231 : i32
                  %convert_element_type3A_233 = arith.extui %ge3A_232 : i1 to i32
                  %cond3A_234 = arith.constant 0 : i32
                  %cond3A_235 = arith.cmpi ne, %convert_element_type3A_233, %cond3A_234 : i32
                  scf.if %cond3A_235 {
                    %dma_wait3A_276 = arith.constant 0 : i32
                    %dma_wait3A_277 = arith.constant 0 : i32
                    %dma_wait3A_278 = tpu.memref_slice %arg14[%dma_wait3A_276, %dma_wait3A_277] : memref<8x64xf32, #tpu.memory_space<vmem>> -> memref<1x64xf32, #tpu.memory_space<vmem>>
                    %dma_wait3A_279 = arith.constant 0 : i32
                    %dma_wait3A_280 = arith.constant 0 : i32
                    %dma_wait3A_281 = tpu.memref_slice %arg5[%dma_wait3A_279, %dma_wait3A_280] : memref<49152x64xf32, #tpu.memory_space<hbm>> -> memref<1x64xf32, #tpu.memory_space<hbm>>
                    %dma_wait3A_282 = arith.constant 0 : i32
                    %dma_wait3A_283 = arith.constant 0 : i32
                    %dma_wait3A_284 = tpu.memref_slice %arg5[%dma_wait3A_282, %dma_wait3A_283] : memref<49152x64xf32, #tpu.memory_space<hbm>> -> memref<1x64xf32, #tpu.memory_space<hbm>>
                    %dma_wait3A_285 = arith.constant 0 : i32
                    %dma_wait3A_286 = arith.constant 0 : i32
                    %dma_wait3A_287 = tpu.memref_slice %arg14[%dma_wait3A_285, %dma_wait3A_286] : memref<8x64xf32, #tpu.memory_space<vmem>> -> memref<1x64xf32, #tpu.memory_space<vmem>>
                    tpu.wait_dma2 semaphore(%arg17 : memref<!tpu.dma_semaphore, #tpu.memory_space<semaphore_mem>>) src(%dma_wait3A_287 : memref<1x64xf32, #tpu.memory_space<vmem>>) dst(%dma_wait3A_284 : memref<1x64xf32, #tpu.memory_space<hbm>>)
                  } else {
                  }
                  %add3A_236 = arith.constant 0 : i32
                  %add3A_237 = vector.broadcast %add3A_236 : i32 to vector<16xi32>
                  %add3A_238 = arith.addi %iota3A, %add3A_237 : vector<16xi32>
                  %gather3A = tpu.vector_load_idx %arg7[%broadcast_in_dim3A, %add3A_238, %broadcast_in_dim3A_225] : memref<2x64x512xf32, #tpu.memory_space<vmem>>[vector<16xi32>, vector<16xi32>, vector<16xi32>], vector<16xf32>,
                  %swap3A_239 = arith.index_cast %rem3A_230 : i32 to index
                  %swap3A_240 = arith.constant 0 : index
                  %swap3A_241 = tpu.vector_load %arg14[%swap3A_239, %swap3A_240] {strides = array<i32>} : memref<8x64xf32, #tpu.memory_space<vmem>>, vector<16xf32>,
                  tpu.vector_store %arg14[%swap3A_239, %swap3A_240], %gather3A {strides = array<i32>} : memref<8x64xf32, #tpu.memory_space<vmem>>, vector<16xf32>,
                  %add3A_242 = arith.constant 16 : i32
                  %add3A_243 = vector.broadcast %add3A_242 : i32 to vector<16xi32>
                  %add3A_244 = arith.addi %iota3A, %add3A_243 : vector<16xi32>
                  %gather3A_245 = tpu.vector_load_idx %arg7[%broadcast_in_dim3A, %add3A_244, %broadcast_in_dim3A_225] : memref<2x64x512xf32, #tpu.memory_space<vmem>>[vector<16xi32>, vector<16xi32>, vector<16xi32>], vector<16xf32>,
                  %swap3A_246 = arith.index_cast %rem3A_230 : i32 to index
                  %swap3A_247 = arith.constant 16 : index
                  %swap3A_248 = tpu.vector_load %arg14[%swap3A_246, %swap3A_247] {strides = array<i32>} : memref<8x64xf32, #tpu.memory_space<vmem>>, vector<16xf32>,
                  tpu.vector_store %arg14[%swap3A_246, %swap3A_247], %gather3A_245 {strides = array<i32>} : memref<8x64xf32, #tpu.memory_space<vmem>>, vector<16xf32>,
                  %add3A_249 = arith.constant 32 : i32
                  %add3A_250 = vector.broadcast %add3A_249 : i32 to vector<16xi32>
                  %add3A_251 = arith.addi %iota3A, %add3A_250 : vector<16xi32>
                  %gather3A_252 = tpu.vector_load_idx %arg7[%broadcast_in_dim3A, %add3A_251, %broadcast_in_dim3A_225] : memref<2x64x512xf32, #tpu.memory_space<vmem>>[vector<16xi32>, vector<16xi32>, vector<16xi32>], vector<16xf32>,
                  %swap3A_253 = arith.index_cast %rem3A_230 : i32 to index
                  %swap3A_254 = arith.constant 32 : index
                  %swap3A_255 = tpu.vector_load %arg14[%swap3A_253, %swap3A_254] {strides = array<i32>} : memref<8x64xf32, #tpu.memory_space<vmem>>, vector<16xf32>,
                  tpu.vector_store %arg14[%swap3A_253, %swap3A_254], %gather3A_252 {strides = array<i32>} : memref<8x64xf32, #tpu.memory_space<vmem>>, vector<16xf32>,
                  %add3A_256 = arith.constant 48 : i32
                  %add3A_257 = vector.broadcast %add3A_256 : i32 to vector<16xi32>
                  %add3A_258 = arith.addi %iota3A, %add3A_257 : vector<16xi32>
                  %gather3A_259 = tpu.vector_load_idx %arg7[%broadcast_in_dim3A, %add3A_258, %broadcast_in_dim3A_225] : memref<2x64x512xf32, #tpu.memory_space<vmem>>[vector<16xi32>, vector<16xi32>, vector<16xi32>], vector<16xf32>,
                  %swap3A_260 = arith.index_cast %rem3A_230 : i32 to index
                  %swap3A_261 = arith.constant 48 : index
                  %swap3A_262 = tpu.vector_load %arg14[%swap3A_260, %swap3A_261] {strides = array<i32>} : memref<8x64xf32, #tpu.memory_space<vmem>>, vector<16xf32>,
                  tpu.vector_store %arg14[%swap3A_260, %swap3A_261], %gather3A_259 {strides = array<i32>} : memref<8x64xf32, #tpu.memory_space<vmem>>, vector<16xf32>,
                  %dma_start3A_263 = arith.constant 0 : i32
                  %dma_start3A_264 = tpu.memref_slice %arg14[%rem3A_230, %dma_start3A_263] : memref<8x64xf32, #tpu.memory_space<vmem>> -> memref<1x64xf32, #tpu.memory_space<vmem>>
                  %dma_start3A_265 = arith.constant 0 : i32
                  %dma_start3A_266 = tpu.memref_slice %arg5[%squeeze3A_223, %dma_start3A_265] : memref<49152x64xf32, #tpu.memory_space<hbm>> -> memref<1x64xf32, #tpu.memory_space<hbm>>
                  %dma_start3A_267 = arith.constant 0 : i32
                  %dma_start3A_268 = tpu.memref_slice %arg5[%squeeze3A_223, %dma_start3A_267] : memref<49152x64xf32, #tpu.memory_space<hbm>> -> memref<1x64xf32, #tpu.memory_space<hbm>>
                  %dma_start3A_269 = arith.constant 0 : i32
                  %dma_start3A_270 = tpu.memref_slice %arg14[%rem3A_230, %dma_start3A_269] : memref<8x64xf32, #tpu.memory_space<vmem>> -> memref<1x64xf32, #tpu.memory_space<vmem>>
                  tpu.enqueue_dma source(%dma_start3A_270 : memref<1x64xf32, #tpu.memory_space<vmem>>) target(%dma_start3A_268 : memref<1x64xf32, #tpu.memory_space<hbm>>) target_semaphore(%arg17 : memref<!tpu.dma_semaphore, #tpu.memory_space<semaphore_mem>>)
                  %add3A_271 = arith.constant 1 : i32
                  %add3A_272 = arith.addi %get3A_228, %add3A_271 : i32
                  %swap3A_273 = arith.constant 2 : i32
                  %swap3A_274 = arith.index_cast %swap3A_273 : i32 to index
                  %swap3A_275 = memref.load %arg15[%swap3A_274] : memref<8xi32, #tpu.memory_space<smem>>
                  memref.store %add3A_272, %arg15[%swap3A_274] : memref<8xi32, #tpu.memory_space<smem>>
                }
                %while3A_214 = arith.constant 1 : i32
                scf.for %while3A_215 = %while3A_212 to %while3A_208 step %while3A_214  : i32 {
                  %get3A_216 = arith.index_cast %while3A_215 : i32 to index
                  %get3A_217 = tpu.vector_load %arg12[%get3A_216] {strides = array<i32>} : memref<32xi32, #tpu.memory_space<vmem>>, vector<16xi32>,
                  %slice3A_218 = vector.extract_strided_slice %get3A_217 {offsets = [0], sizes = [1], strides = [1]} : vector<16xi32> to vector<1xi32>
                  %squeeze3A_219 = vector.extract %slice3A_218[0] : i32 from vector<1xi32>
                  %get3A_220 = arith.index_cast %while3A_215 : i32 to index
                  %get3A_221 = tpu.vector_load %arg13[%get3A_220] {strides = array<i32>} : memref<32xi32, #tpu.memory_space<vmem>>, vector<16xi32>,
                  %slice3A_222 = vector.extract_strided_slice %get3A_221 {offsets = [0], sizes = [1], strides = [1]} : vector<16xi32> to vector<1xi32>
                  %squeeze3A_223 = vector.extract %slice3A_222[0] : i32 from vector<1xi32>
                  %sub3A_224 = arith.subi %squeeze3A_219, %mul3A_147 : i32
                  %broadcast_in_dim3A = vector.broadcast %rem3A_124 : i32 to vector<16xi32>
                  %broadcast_in_dim3A_225 = vector.broadcast %sub3A_224 : i32 to vector<16xi32>
                  %get3A_226 = arith.constant 2 : i32
                  %get3A_227 = arith.index_cast %get3A_226 : i32 to index
                  %get3A_228 = memref.load %arg15[%get3A_227] : memref<8xi32, #tpu.memory_space<smem>>
                  %rem3A_229 = arith.constant 8 : i32
                  %rem3A_230 = arith.remsi %get3A_228, %rem3A_229 : i32
                  %ge3A_231 = arith.constant 8 : i32
                  %ge3A_232 = arith.cmpi sge, %get3A_228, %ge3A_231 : i32
                  %convert_element_type3A_233 = arith.extui %ge3A_232 : i1 to i32
                  %cond3A_234 = arith.constant 0 : i32
                  %cond3A_235 = arith.cmpi ne, %convert_element_type3A_233, %cond3A_234 : i32
                  scf.if %cond3A_235 {
                    %dma_wait3A_276 = arith.constant 0 : i32
                    %dma_wait3A_277 = arith.constant 0 : i32
                    %dma_wait3A_278 = tpu.memref_slice %arg14[%dma_wait3A_276, %dma_wait3A_277] : memref<8x64xf32, #tpu.memory_space<vmem>> -> memref<1x64xf32, #tpu.memory_space<vmem>>
                    %dma_wait3A_279 = arith.constant 0 : i32
                    %dma_wait3A_280 = arith.constant 0 : i32
                    %dma_wait3A_281 = tpu.memref_slice %arg5[%dma_wait3A_279, %dma_wait3A_280] : memref<49152x64xf32, #tpu.memory_space<hbm>> -> memref<1x64xf32, #tpu.memory_space<hbm>>
                    %dma_wait3A_282 = arith.constant 0 : i32
                    %dma_wait3A_283 = arith.constant 0 : i32
                    %dma_wait3A_284 = tpu.memref_slice %arg5[%dma_wait3A_282, %dma_wait3A_283] : memref<49152x64xf32, #tpu.memory_space<hbm>> -> memref<1x64xf32, #tpu.memory_space<hbm>>
                    %dma_wait3A_285 = arith.constant 0 : i32
                    %dma_wait3A_286 = arith.constant 0 : i32
                    %dma_wait3A_287 = tpu.memref_slice %arg14[%dma_wait3A_285, %dma_wait3A_286] : memref<8x64xf32, #tpu.memory_space<vmem>> -> memref<1x64xf32, #tpu.memory_space<vmem>>
                    tpu.wait_dma2 semaphore(%arg17 : memref<!tpu.dma_semaphore, #tpu.memory_space<semaphore_mem>>) src(%dma_wait3A_287 : memref<1x64xf32, #tpu.memory_space<vmem>>) dst(%dma_wait3A_284 : memref<1x64xf32, #tpu.memory_space<hbm>>)
                  } else {
                  }
                  %add3A_236 = arith.constant 0 : i32
                  %add3A_237 = vector.broadcast %add3A_236 : i32 to vector<16xi32>
                  %add3A_238 = arith.addi %iota3A, %add3A_237 : vector<16xi32>
                  %gather3A = tpu.vector_load_idx %arg7[%broadcast_in_dim3A, %add3A_238, %broadcast_in_dim3A_225] : memref<2x64x512xf32, #tpu.memory_space<vmem>>[vector<16xi32>, vector<16xi32>, vector<16xi32>], vector<16xf32>,
                  %swap3A_239 = arith.index_cast %rem3A_230 : i32 to index
                  %swap3A_240 = arith.constant 0 : index
                  %swap3A_241 = tpu.vector_load %arg14[%swap3A_239, %swap3A_240] {strides = array<i32>} : memref<8x64xf32, #tpu.memory_space<vmem>>, vector<16xf32>,
                  tpu.vector_store %arg14[%swap3A_239, %swap3A_240], %gather3A {strides = array<i32>} : memref<8x64xf32, #tpu.memory_space<vmem>>, vector<16xf32>,
                  %add3A_242 = arith.constant 16 : i32
                  %add3A_243 = vector.broadcast %add3A_242 : i32 to vector<16xi32>
                  %add3A_244 = arith.addi %iota3A, %add3A_243 : vector<16xi32>
                  %gather3A_245 = tpu.vector_load_idx %arg7[%broadcast_in_dim3A, %add3A_244, %broadcast_in_dim3A_225] : memref<2x64x512xf32, #tpu.memory_space<vmem>>[vector<16xi32>, vector<16xi32>, vector<16xi32>], vector<16xf32>,
                  %swap3A_246 = arith.index_cast %rem3A_230 : i32 to index
                  %swap3A_247 = arith.constant 16 : index
                  %swap3A_248 = tpu.vector_load %arg14[%swap3A_246, %swap3A_247] {strides = array<i32>} : memref<8x64xf32, #tpu.memory_space<vmem>>, vector<16xf32>,
                  tpu.vector_store %arg14[%swap3A_246, %swap3A_247], %gather3A_245 {strides = array<i32>} : memref<8x64xf32, #tpu.memory_space<vmem>>, vector<16xf32>,
                  %add3A_249 = arith.constant 32 : i32
                  %add3A_250 = vector.broadcast %add3A_249 : i32 to vector<16xi32>
                  %add3A_251 = arith.addi %iota3A, %add3A_250 : vector<16xi32>
                  %gather3A_252 = tpu.vector_load_idx %arg7[%broadcast_in_dim3A, %add3A_251, %broadcast_in_dim3A_225] : memref<2x64x512xf32, #tpu.memory_space<vmem>>[vector<16xi32>, vector<16xi32>, vector<16xi32>], vector<16xf32>,
                  %swap3A_253 = arith.index_cast %rem3A_230 : i32 to index
                  %swap3A_254 = arith.constant 32 : index
                  %swap3A_255 = tpu.vector_load %arg14[%swap3A_253, %swap3A_254] {strides = array<i32>} : memref<8x64xf32, #tpu.memory_space<vmem>>, vector<16xf32>,
                  tpu.vector_store %arg14[%swap3A_253, %swap3A_254], %gather3A_252 {strides = array<i32>} : memref<8x64xf32, #tpu.memory_space<vmem>>, vector<16xf32>,
                  %add3A_256 = arith.constant 48 : i32
                  %add3A_257 = vector.broadcast %add3A_256 : i32 to vector<16xi32>
                  %add3A_258 = arith.addi %iota3A, %add3A_257 : vector<16xi32>
                  %gather3A_259 = tpu.vector_load_idx %arg7[%broadcast_in_dim3A, %add3A_258, %broadcast_in_dim3A_225] : memref<2x64x512xf32, #tpu.memory_space<vmem>>[vector<16xi32>, vector<16xi32>, vector<16xi32>], vector<16xf32>,
                  %swap3A_260 = arith.index_cast %rem3A_230 : i32 to index
                  %swap3A_261 = arith.constant 48 : index
                  %swap3A_262 = tpu.vector_load %arg14[%swap3A_260, %swap3A_261] {strides = array<i32>} : memref<8x64xf32, #tpu.memory_space<vmem>>, vector<16xf32>,
                  tpu.vector_store %arg14[%swap3A_260, %swap3A_261], %gather3A_259 {strides = array<i32>} : memref<8x64xf32, #tpu.memory_space<vmem>>, vector<16xf32>,
                  %dma_start3A_263 = arith.constant 0 : i32
                  %dma_start3A_264 = tpu.memref_slice %arg14[%rem3A_230, %dma_start3A_263] : memref<8x64xf32, #tpu.memory_space<vmem>> -> memref<1x64xf32, #tpu.memory_space<vmem>>
                  %dma_start3A_265 = arith.constant 0 : i32
                  %dma_start3A_266 = tpu.memref_slice %arg5[%squeeze3A_223, %dma_start3A_265] : memref<49152x64xf32, #tpu.memory_space<hbm>> -> memref<1x64xf32, #tpu.memory_space<hbm>>
                  %dma_start3A_267 = arith.constant 0 : i32
                  %dma_start3A_268 = tpu.memref_slice %arg5[%squeeze3A_223, %dma_start3A_267] : memref<49152x64xf32, #tpu.memory_space<hbm>> -> memref<1x64xf32, #tpu.memory_space<hbm>>
                  %dma_start3A_269 = arith.constant 0 : i32
                  %dma_start3A_270 = tpu.memref_slice %arg14[%rem3A_230, %dma_start3A_269] : memref<8x64xf32, #tpu.memory_space<vmem>> -> memref<1x64xf32, #tpu.memory_space<vmem>>
                  tpu.enqueue_dma source(%dma_start3A_270 : memref<1x64xf32, #tpu.memory_space<vmem>>) target(%dma_start3A_268 : memref<1x64xf32, #tpu.memory_space<hbm>>) target_semaphore(%arg17 : memref<!tpu.dma_semaphore, #tpu.memory_space<semaphore_mem>>)
                  %add3A_271 = arith.constant 1 : i32
                  %add3A_272 = arith.addi %get3A_228, %add3A_271 : i32
                  %swap3A_273 = arith.constant 2 : i32
                  %swap3A_274 = arith.index_cast %swap3A_273 : i32 to index
                  %swap3A_275 = memref.load %arg15[%swap3A_274] : memref<8xi32, #tpu.memory_space<smem>>
                  memref.store %add3A_272, %arg15[%swap3A_274] : memref<8xi32, #tpu.memory_space<smem>>
                }
              } else {
              }
            }
            %scan3A_170 = arith.constant 3072 : i32
          } else {
          }
          %add3A_157 = arith.constant 2 : i32
          %add3A_158 = arith.addi %add3A_123, %add3A_157 : i32
          %lt3A_159 = arith.cmpi slt, %add3A_158, %select_n3A_53 : i32
          %convert_element_type3A_160 = arith.extui %lt3A_159 : i1 to i32
          %cond3A_161 = arith.constant 0 : i32
          %cond3A_162 = arith.cmpi ne, %convert_element_type3A_160, %cond3A_161 : i32
          scf.if %cond3A_162 {
            %add3A_163 = arith.constant 2 : i32
            %add3A_164 = arith.addi %add3A_123, %add3A_163 : i32
            %mul3A_165 = arith.constant 61 : i32
            %mul3A_166 = arith.muli %add3A, %mul3A_165 : i32
            %add3A_167 = arith.addi %mul3A_166, %add3A_164 : i32
            %mul3A_168 = arith.constant 512 : i32
            %mul3A_169 = arith.muli %add3A_167, %mul3A_168 : i32
            %dma_start3A_170 = arith.constant 0 : i32
            %dma_start3A_171 = arith.constant 0 : i32
            %dma_start3A_172 = tpu.memref_slice %arg7[%rem3A_124, %dma_start3A_170, %dma_start3A_171] : memref<2x64x512xf32, #tpu.memory_space<vmem>> -> memref<1x64x512xf32, #tpu.memory_space<vmem>>
            %dma_start3A_173 = tpu.memref_squeeze %dma_start3A_172 : memref<1x64x512xf32, #tpu.memory_space<vmem>> -> memref<64x512xf32, #tpu.memory_space<vmem>>
            %dma_start3A_174 = arith.constant 0 : i32
            %dma_start3A_175 = tpu.memref_slice %arg3[%dma_start3A_174, %mul3A_169] : memref<64x1000000xf32, #tpu.memory_space<hbm>> -> memref<64x512xf32, #tpu.memory_space<hbm>>
            %dma_start3A_176 = tpu.memref_slice %arg16[%rem3A_124] : memref<2x!tpu.dma_semaphore, #tpu.memory_space<semaphore_mem>> -> memref<1x!tpu.dma_semaphore, #tpu.memory_space<semaphore_mem>>
            %dma_start3A_177 = tpu.memref_squeeze %dma_start3A_176 : memref<1x!tpu.dma_semaphore, #tpu.memory_space<semaphore_mem>> -> memref<!tpu.dma_semaphore, #tpu.memory_space<semaphore_mem>>
            %dma_start3A_178 = arith.constant 0 : i32
            %dma_start3A_179 = arith.constant 0 : i32
            %dma_start3A_180 = tpu.memref_slice %arg7[%rem3A_124, %dma_start3A_178, %dma_start3A_179] : memref<2x64x512xf32, #tpu.memory_space<vmem>> -> memref<1x64x512xf32, #tpu.memory_space<vmem>>
            %dma_start3A_181 = tpu.memref_squeeze %dma_start3A_180 : memref<1x64x512xf32, #tpu.memory_space<vmem>> -> memref<64x512xf32, #tpu.memory_space<vmem>>
            %dma_start3A_182 = arith.constant 0 : i32
            %dma_start3A_183 = tpu.memref_slice %arg3[%dma_start3A_182, %mul3A_169] : memref<64x1000000xf32, #tpu.memory_space<hbm>> -> memref<64x512xf32, #tpu.memory_space<hbm>>
            tpu.enqueue_dma source(%dma_start3A_183 : memref<64x512xf32, #tpu.memory_space<hbm>>) target(%dma_start3A_181 : memref<64x512xf32, #tpu.memory_space<vmem>>) target_semaphore(%dma_start3A_177 : memref<!tpu.dma_semaphore, #tpu.memory_space<semaphore_mem>>)
          } else {
          }
        } else {
        }
      }
      %scan3A_119 = arith.constant 8 : i32
    }
    %scan3A_77 = arith.constant 8 : i32
    %convert_element_type3A = arith.extui %eq3A_1 : i1 to i32
    %cond3A = arith.constant 0 : i32
    %cond3A_78 = arith.cmpi ne, %convert_element_type3A, %cond3A : i32
    scf.if %cond3A_78 {
      %run_scoped3A = arith.constant 0 : i32
      "tpu.region"() ({
        %run_scoped3A_104 = tpu.sem_alloc : memref<!tpu.dma_semaphore, #tpu.memory_space<semaphore_mem>>
        %dma_start3A_105 = arith.constant 0 : i32
        %dma_start3A_106 = arith.constant 0 : i32
        %dma_start3A_107 = tpu.memref_slice %arg7[%run_scoped3A, %dma_start3A_105, %dma_start3A_106] : memref<2x64x512xf32, #tpu.memory_space<vmem>> -> memref<1x64x512xf32, #tpu.memory_space<vmem>>
        %dma_start3A_108 = tpu.memref_squeeze %dma_start3A_107 : memref<1x64x512xf32, #tpu.memory_space<vmem>> -> memref<64x512xf32, #tpu.memory_space<vmem>>
        %dma_start3A_109 = arith.constant 0 : i32
        %dma_start3A_110 = arith.constant 0 : i32
        %dma_start3A_111 = tpu.memref_slice %arg7[%run_scoped3A, %dma_start3A_109, %dma_start3A_110] : memref<2x64x512xf32, #tpu.memory_space<vmem>> -> memref<1x64x512xf32, #tpu.memory_space<vmem>>
        %dma_start3A_112 = tpu.memref_squeeze %dma_start3A_111 : memref<1x64x512xf32, #tpu.memory_space<vmem>> -> memref<64x512xf32, #tpu.memory_space<vmem>>
        tpu.enqueue_dma source(%arg4 : memref<64x512xf32, #tpu.memory_space<hbm>>) target(%dma_start3A_112 : memref<64x512xf32, #tpu.memory_space<vmem>>) target_semaphore(%run_scoped3A_104 : memref<!tpu.dma_semaphore, #tpu.memory_space<semaphore_mem>>)
        %dma_wait3A = arith.constant 0 : i32
        %dma_wait3A_113 = arith.constant 0 : i32
        %dma_wait3A_114 = tpu.memref_slice %arg7[%run_scoped3A, %dma_wait3A, %dma_wait3A_113] : memref<2x64x512xf32, #tpu.memory_space<vmem>> -> memref<1x64x512xf32, #tpu.memory_space<vmem>>
        %dma_wait3A_115 = tpu.memref_squeeze %dma_wait3A_114 : memref<1x64x512xf32, #tpu.memory_space<vmem>> -> memref<64x512xf32, #tpu.memory_space<vmem>>
        %dma_wait3A_116 = arith.constant 0 : i32
        %dma_wait3A_117 = arith.constant 0 : i32
        %dma_wait3A_118 = tpu.memref_slice %arg7[%run_scoped3A, %dma_wait3A_116, %dma_wait3A_117] : memref<2x64x512xf32, #tpu.memory_space<vmem>> -> memref<1x64x512xf32, #tpu.memory_space<vmem>>
        %dma_wait3A_119 = tpu.memref_squeeze %dma_wait3A_118 : memref<1x64x512xf32, #tpu.memory_space<vmem>> -> memref<64x512xf32, #tpu.memory_space<vmem>>
        tpu.wait_dma2 semaphore(%run_scoped3A_104 : memref<!tpu.dma_semaphore, #tpu.memory_space<semaphore_mem>>) src(%arg4 : memref<64x512xf32, #tpu.memory_space<hbm>>) dst(%dma_wait3A_119 : memref<64x512xf32, #tpu.memory_space<vmem>>)
        tpu.yield
      }) : () -> ()
      %get3A_92 = arith.constant 1 : i32
      %get3A_93 = arith.index_cast %get3A_92 : i32 to index
      %get3A_94 = memref.load %arg15[%get3A_93] : memref<8xi32, #tpu.memory_space<smem>>
      %eq3A_95 = arith.constant 0 : i32
      %eq3A_96 = arith.cmpi eq, %get3A_94, %eq3A_95 : i32
      %convert_element_type3A_97 = arith.extui %eq3A_96 : i1 to i32
      %cond3A_98 = arith.constant 0 : i32
      %cond3A_99 = arith.cmpi ne, %convert_element_type3A_97, %cond3A_98 : i32
      scf.if %cond3A_99 {
        %swap3A_104 = arith.constant 0 : i32
        %swap3A_105 = arith.constant 3 : i32
        %swap3A_106 = arith.index_cast %swap3A_105 : i32 to index
        %swap3A_107 = memref.load %arg15[%swap3A_106] : memref<8xi32, #tpu.memory_space<smem>>
        memref.store %swap3A_104, %arg15[%swap3A_106] : memref<8xi32, #tpu.memory_space<smem>>
        %swap3A_108 = arith.constant 0 : i32
        %swap3A_109 = arith.constant 3 : i32
        %swap3A_110 = arith.index_cast %swap3A_109 : i32 to index
        %swap3A_111 = memref.load %arg15[%swap3A_110] : memref<8xi32, #tpu.memory_space<smem>>
        memref.store %swap3A_108, %arg15[%swap3A_110] : memref<8xi32, #tpu.memory_space<smem>>
        %get3A_112 = arith.constant 0 : i32
        %get3A_113 = arith.index_cast %get3A_112 : i32 to index
        %get3A_114 = memref.load %arg15[%get3A_113] : memref<8xi32, #tpu.memory_space<smem>>
        %add3A_115 = arith.constant 15 : i32
        %add3A_116 = arith.addi %get3A_114, %add3A_115 : i32
        %div3A = arith.constant 16 : i32
        %div3A_117 = arith.divsi %add3A_116, %div3A : i32
        %while3A_118 = arith.constant 0 : i32
        %while3A_119 = arith.constant 0 : i32
        %while3A_120 = arith.subi %div3A_117, %while3A_119 : i32
        %while3A_121 = arith.addi %while3A_119, %while3A_120 : i32
        %while3A_122 = arith.constant 1 : i32
        %while3A_123 = arith.divsi %while3A_120, %while3A_122 : i32
        %while3A_124 = arith.muli %while3A_123, %while3A_122 : i32
        %while3A_125 = arith.addi %while3A_119, %while3A_124 : i32
        %while3A_126 = arith.constant 1 : i32
        scf.for %while3A_145 = %while3A_119 to %while3A_125 step %while3A_126  : i32 {
          %mul3A_146 = arith.constant 16 : i32
          %mul3A_147 = arith.muli %while3A_145, %mul3A_146 : i32
          %get3A_148 = arith.index_cast %mul3A_147 : i32 to index
          %get3A_149 = tpu.vector_load %arg8[%get3A_148] {strides = array<i32>} : memref<2048xi32, #tpu.memory_space<vmem>>, vector<16xi32>,
          %mul3A_150 = arith.constant 16 : i32
          %mul3A_151 = arith.muli %while3A_145, %mul3A_150 : i32
          %get3A_152 = arith.index_cast %mul3A_151 : i32 to index
          %get3A_153 = tpu.vector_load %arg9[%get3A_152] {strides = array<i32>} : memref<2048xi32, #tpu.memory_space<vmem>>, vector<16xi32>,
          %mul3A_154 = arith.constant 16 : i32
          %mul3A_155 = arith.muli %while3A_145, %mul3A_154 : i32
          %add3A_156 = vector.broadcast %mul3A_155 : i32 to vector<16xi32>
          %add3A_157 = arith.addi %add3A_156, %iota3A : vector<16xi32>
          %lt3A = vector.broadcast %get3A_114 : i32 to vector<16xi32>
          %lt3A_158 = arith.cmpi slt, %add3A_157, %lt3A : vector<16xi32>
          %ge3A = arith.constant 999936 : i32
          %ge3A_159 = vector.broadcast %ge3A : i32 to vector<16xi32>
          %ge3A_160 = arith.cmpi sge, %get3A_149, %ge3A_159 : vector<16xi32>
          %and3A = arith.andi %lt3A_158, %ge3A_160 : vector<16xi1>
          %lt3A_161 = arith.constant 1000000 : i32
          %lt3A_162 = vector.broadcast %lt3A_161 : i32 to vector<16xi32>
          %lt3A_163 = arith.cmpi slt, %get3A_149, %lt3A_162 : vector<16xi32>
          %and3A_164 = arith.andi %and3A, %lt3A_163 : vector<16xi1>
          %reduce_or3A = arith.constant 1.000000e+00 : f32
          %reduce_or3A_165 = arith.constant 0.000000e+00 : f32
          %reduce_or3A_166 = vector.broadcast %reduce_or3A : f32 to vector<16xf32>
          %reduce_or3A_167 = vector.broadcast %reduce_or3A_165 : f32 to vector<16xf32>
          %reduce_or3A_168 = arith.select %and3A_164, %reduce_or3A_166, %reduce_or3A_167 : vector<16xi1>, vector<16xf32>
          %reduce_or3A_169 = arith.constant true
          %reduce_or3A_170 = vector.broadcast %reduce_or3A_169 : i1 to vector<16xi1>
          %reduce_or3A_171 = tpu.scan <max>, %reduce_or3A_168 masked %reduce_or3A_170 : vector<16xf32>, vector<16xi1> -> vector<16xf32>
          %reduce_or3A_172 = vector.extract %reduce_or3A_171[15] : f32 from vector<16xf32>
          %reduce_or3A_173 = arith.constant 0.000000e+00 : f32
          %reduce_or3A_174 = arith.cmpf ogt, %reduce_or3A_172, %reduce_or3A_173 : f32
          %convert_element_type3A_175 = arith.extui %reduce_or3A_174 : i1 to i32
          %cond3A_176 = arith.constant 0 : i32
          %cond3A_177 = arith.cmpi ne, %convert_element_type3A_175, %cond3A_176 : i32
          scf.if %cond3A_177 {
            %all_reduce_population_count3A = tpu.all_reduce %and3A_164 {dim = 0 : i64, kind = #tpu.reduction_kind<sum>} : vector<16xi1> -> vector<16xi32>
            %slice3A = vector.extract_strided_slice %all_reduce_population_count3A {offsets = [0], sizes = [1], strides = [1]} : vector<16xi32> to vector<1xi32>
            %squeeze3A = vector.extract %slice3A[0] : i32 from vector<1xi32>
            %get3A_178 = arith.constant 3 : i32
            %get3A_179 = arith.index_cast %get3A_178 : i32 to index
            %get3A_180 = memref.load %arg15[%get3A_179] : memref<8xi32, #tpu.memory_space<smem>>
            %swap3A_181 = arith.index_cast %get3A_180 : i32 to index
            %swap3A_182 = tpu.vector_load %arg10[%swap3A_181] masked %and3A_164 {strides = array<i32>} : memref<2080xi32, #tpu.memory_space<vmem>>, vector<16xi32>, vector<16xi1>
            tpu.vector_store %arg10[%swap3A_181], %get3A_149 masked %and3A_164 {strides = array<i32>} : memref<2080xi32, #tpu.memory_space<vmem>>, vector<16xi32>, vector<16xi1>
            %swap3A_183 = arith.index_cast %get3A_180 : i32 to index
            %swap3A_184 = tpu.vector_load %arg11[%swap3A_183] masked %and3A_164 {strides = array<i32>} : memref<2080xi32, #tpu.memory_space<vmem>>, vector<16xi32>, vector<16xi1>
            tpu.vector_store %arg11[%swap3A_183], %get3A_153 masked %and3A_164 {strides = array<i32>} : memref<2080xi32, #tpu.memory_space<vmem>>, vector<16xi32>, vector<16xi1>
            %add3A_185 = arith.addi %get3A_180, %squeeze3A : i32
            %swap3A_186 = arith.constant 3 : i32
            %swap3A_187 = arith.index_cast %swap3A_186 : i32 to index
            %swap3A_188 = memref.load %arg15[%swap3A_187] : memref<8xi32, #tpu.memory_space<smem>>
            memref.store %add3A_185, %arg15[%swap3A_187] : memref<8xi32, #tpu.memory_space<smem>>
          } else {
          }
        }
        %while3A_127 = arith.constant 1 : i32
        scf.for %while3A_145 = %while3A_125 to %while3A_121 step %while3A_127  : i32 {
          %mul3A_146 = arith.constant 16 : i32
          %mul3A_147 = arith.muli %while3A_145, %mul3A_146 : i32
          %get3A_148 = arith.index_cast %mul3A_147 : i32 to index
          %get3A_149 = tpu.vector_load %arg8[%get3A_148] {strides = array<i32>} : memref<2048xi32, #tpu.memory_space<vmem>>, vector<16xi32>,
          %mul3A_150 = arith.constant 16 : i32
          %mul3A_151 = arith.muli %while3A_145, %mul3A_150 : i32
          %get3A_152 = arith.index_cast %mul3A_151 : i32 to index
          %get3A_153 = tpu.vector_load %arg9[%get3A_152] {strides = array<i32>} : memref<2048xi32, #tpu.memory_space<vmem>>, vector<16xi32>,
          %mul3A_154 = arith.constant 16 : i32
          %mul3A_155 = arith.muli %while3A_145, %mul3A_154 : i32
          %add3A_156 = vector.broadcast %mul3A_155 : i32 to vector<16xi32>
          %add3A_157 = arith.addi %add3A_156, %iota3A : vector<16xi32>
          %lt3A = vector.broadcast %get3A_114 : i32 to vector<16xi32>
          %lt3A_158 = arith.cmpi slt, %add3A_157, %lt3A : vector<16xi32>
          %ge3A = arith.constant 999936 : i32
          %ge3A_159 = vector.broadcast %ge3A : i32 to vector<16xi32>
          %ge3A_160 = arith.cmpi sge, %get3A_149, %ge3A_159 : vector<16xi32>
          %and3A = arith.andi %lt3A_158, %ge3A_160 : vector<16xi1>
          %lt3A_161 = arith.constant 1000000 : i32
          %lt3A_162 = vector.broadcast %lt3A_161 : i32 to vector<16xi32>
          %lt3A_163 = arith.cmpi slt, %get3A_149, %lt3A_162 : vector<16xi32>
          %and3A_164 = arith.andi %and3A, %lt3A_163 : vector<16xi1>
          %reduce_or3A = arith.constant 1.000000e+00 : f32
          %reduce_or3A_165 = arith.constant 0.000000e+00 : f32
          %reduce_or3A_166 = vector.broadcast %reduce_or3A : f32 to vector<16xf32>
          %reduce_or3A_167 = vector.broadcast %reduce_or3A_165 : f32 to vector<16xf32>
          %reduce_or3A_168 = arith.select %and3A_164, %reduce_or3A_166, %reduce_or3A_167 : vector<16xi1>, vector<16xf32>
          %reduce_or3A_169 = arith.constant true
          %reduce_or3A_170 = vector.broadcast %reduce_or3A_169 : i1 to vector<16xi1>
          %reduce_or3A_171 = tpu.scan <max>, %reduce_or3A_168 masked %reduce_or3A_170 : vector<16xf32>, vector<16xi1> -> vector<16xf32>
          %reduce_or3A_172 = vector.extract %reduce_or3A_171[15] : f32 from vector<16xf32>
          %reduce_or3A_173 = arith.constant 0.000000e+00 : f32
          %reduce_or3A_174 = arith.cmpf ogt, %reduce_or3A_172, %reduce_or3A_173 : f32
          %convert_element_type3A_175 = arith.extui %reduce_or3A_174 : i1 to i32
          %cond3A_176 = arith.constant 0 : i32
          %cond3A_177 = arith.cmpi ne, %convert_element_type3A_175, %cond3A_176 : i32
          scf.if %cond3A_177 {
            %all_reduce_population_count3A = tpu.all_reduce %and3A_164 {dim = 0 : i64, kind = #tpu.reduction_kind<sum>} : vector<16xi1> -> vector<16xi32>
            %slice3A = vector.extract_strided_slice %all_reduce_population_count3A {offsets = [0], sizes = [1], strides = [1]} : vector<16xi32> to vector<1xi32>
            %squeeze3A = vector.extract %slice3A[0] : i32 from vector<1xi32>
            %get3A_178 = arith.constant 3 : i32
            %get3A_179 = arith.index_cast %get3A_178 : i32 to index
            %get3A_180 = memref.load %arg15[%get3A_179] : memref<8xi32, #tpu.memory_space<smem>>
            %swap3A_181 = arith.index_cast %get3A_180 : i32 to index
            %swap3A_182 = tpu.vector_load %arg10[%swap3A_181] masked %and3A_164 {strides = array<i32>} : memref<2080xi32, #tpu.memory_space<vmem>>, vector<16xi32>, vector<16xi1>
            tpu.vector_store %arg10[%swap3A_181], %get3A_149 masked %and3A_164 {strides = array<i32>} : memref<2080xi32, #tpu.memory_space<vmem>>, vector<16xi32>, vector<16xi1>
            %swap3A_183 = arith.index_cast %get3A_180 : i32 to index
            %swap3A_184 = tpu.vector_load %arg11[%swap3A_183] masked %and3A_164 {strides = array<i32>} : memref<2080xi32, #tpu.memory_space<vmem>>, vector<16xi32>, vector<16xi1>
            tpu.vector_store %arg11[%swap3A_183], %get3A_153 masked %and3A_164 {strides = array<i32>} : memref<2080xi32, #tpu.memory_space<vmem>>, vector<16xi32>, vector<16xi1>
            %add3A_185 = arith.addi %get3A_180, %squeeze3A : i32
            %swap3A_186 = arith.constant 3 : i32
            %swap3A_187 = arith.index_cast %swap3A_186 : i32 to index
            %swap3A_188 = memref.load %arg15[%swap3A_187] : memref<8xi32, #tpu.memory_space<smem>>
            memref.store %add3A_185, %arg15[%swap3A_187] : memref<8xi32, #tpu.memory_space<smem>>
          } else {
          }
        }
        %get3A_128 = arith.constant 3 : i32
        %get3A_129 = arith.index_cast %get3A_128 : i32 to index
        %get3A_130 = memref.load %arg15[%get3A_129] : memref<8xi32, #tpu.memory_space<smem>>
        %add3A_131 = arith.constant 15 : i32
        %add3A_132 = arith.addi %get3A_130, %add3A_131 : i32
        %div3A_133 = arith.constant 16 : i32
        %div3A_134 = arith.divsi %add3A_132, %div3A_133 : i32
        %while3A_135 = arith.constant 0 : i32
        %while3A_136 = arith.constant 0 : i32
        %while3A_137 = arith.subi %div3A_134, %while3A_136 : i32
        %while3A_138 = arith.addi %while3A_136, %while3A_137 : i32
        %while3A_139 = arith.constant 1 : i32
        %while3A_140 = arith.divsi %while3A_137, %while3A_139 : i32
        %while3A_141 = arith.muli %while3A_140, %while3A_139 : i32
        %while3A_142 = arith.addi %while3A_136, %while3A_141 : i32
        %while3A_143 = arith.constant 1 : i32
        scf.for %while3A_145 = %while3A_136 to %while3A_142 step %while3A_143  : i32 {
          %mul3A_146 = arith.constant 16 : i32
          %mul3A_147 = arith.muli %while3A_145, %mul3A_146 : i32
          %get3A_148 = arith.index_cast %mul3A_147 : i32 to index
          %get3A_149 = tpu.vector_load %arg10[%get3A_148] {strides = array<i32>} : memref<2080xi32, #tpu.memory_space<vmem>>, vector<16xi32>,
          %mul3A_150 = arith.constant 16 : i32
          %mul3A_151 = arith.muli %while3A_145, %mul3A_150 : i32
          %get3A_152 = arith.index_cast %mul3A_151 : i32 to index
          %get3A_153 = tpu.vector_load %arg11[%get3A_152] {strides = array<i32>} : memref<2080xi32, #tpu.memory_space<vmem>>, vector<16xi32>,
          %mul3A_154 = arith.constant 16 : i32
          %mul3A_155 = arith.muli %while3A_145, %mul3A_154 : i32
          %add3A_156 = vector.broadcast %mul3A_155 : i32 to vector<16xi32>
          %add3A_157 = arith.addi %add3A_156, %iota3A : vector<16xi32>
          %lt3A = vector.broadcast %get3A_130 : i32 to vector<16xi32>
          %lt3A_158 = arith.cmpi slt, %add3A_157, %lt3A : vector<16xi32>
          %ge3A = arith.constant 999936 : i32
          %ge3A_159 = vector.broadcast %ge3A : i32 to vector<16xi32>
          %ge3A_160 = arith.cmpi sge, %get3A_149, %ge3A_159 : vector<16xi32>
          %and3A = arith.andi %lt3A_158, %ge3A_160 : vector<16xi1>
          %lt3A_161 = arith.constant 1000000 : i32
          %lt3A_162 = vector.broadcast %lt3A_161 : i32 to vector<16xi32>
          %lt3A_163 = arith.cmpi slt, %get3A_149, %lt3A_162 : vector<16xi32>
          %and3A_164 = arith.andi %and3A, %lt3A_163 : vector<16xi1>
          %reduce_or3A = arith.constant 1.000000e+00 : f32
          %reduce_or3A_165 = arith.constant 0.000000e+00 : f32
          %reduce_or3A_166 = vector.broadcast %reduce_or3A : f32 to vector<16xf32>
          %reduce_or3A_167 = vector.broadcast %reduce_or3A_165 : f32 to vector<16xf32>
          %reduce_or3A_168 = arith.select %and3A_164, %reduce_or3A_166, %reduce_or3A_167 : vector<16xi1>, vector<16xf32>
          %reduce_or3A_169 = arith.constant true
          %reduce_or3A_170 = vector.broadcast %reduce_or3A_169 : i1 to vector<16xi1>
          %reduce_or3A_171 = tpu.scan <max>, %reduce_or3A_168 masked %reduce_or3A_170 : vector<16xf32>, vector<16xi1> -> vector<16xf32>
          %reduce_or3A_172 = vector.extract %reduce_or3A_171[15] : f32 from vector<16xf32>
          %reduce_or3A_173 = arith.constant 0.000000e+00 : f32
          %reduce_or3A_174 = arith.cmpf ogt, %reduce_or3A_172, %reduce_or3A_173 : f32
          %convert_element_type3A_175 = arith.extui %reduce_or3A_174 : i1 to i32
          %cond3A_176 = arith.constant 0 : i32
          %cond3A_177 = arith.cmpi ne, %convert_element_type3A_175, %cond3A_176 : i32
          scf.if %cond3A_177 {
            %all_reduce_population_count3A = tpu.all_reduce %and3A_164 {dim = 0 : i64, kind = #tpu.reduction_kind<sum>} : vector<16xi1> -> vector<16xi32>
            %slice3A = vector.extract_strided_slice %all_reduce_population_count3A {offsets = [0], sizes = [1], strides = [1]} : vector<16xi32> to vector<1xi32>
            %squeeze3A = vector.extract %slice3A[0] : i32 from vector<1xi32>
            %swap3A_178 = arith.constant 0 : index
            %swap3A_179 = tpu.vector_load %arg12[%swap3A_178] masked %and3A_164 {strides = array<i32>} : memref<32xi32, #tpu.memory_space<vmem>>, vector<16xi32>, vector<16xi1>
            tpu.vector_store %arg12[%swap3A_178], %get3A_149 masked %and3A_164 {strides = array<i32>} : memref<32xi32, #tpu.memory_space<vmem>>, vector<16xi32>, vector<16xi1>
            %swap3A_180 = arith.constant 0 : index
            %swap3A_181 = tpu.vector_load %arg13[%swap3A_180] masked %and3A_164 {strides = array<i32>} : memref<32xi32, #tpu.memory_space<vmem>>, vector<16xi32>, vector<16xi1>
            tpu.vector_store %arg13[%swap3A_180], %get3A_153 masked %and3A_164 {strides = array<i32>} : memref<32xi32, #tpu.memory_space<vmem>>, vector<16xi32>, vector<16xi1>
            %while3A_182 = arith.constant 0 : i32
            %while3A_183 = arith.constant 0 : i32
            %while3A_184 = arith.subi %squeeze3A, %while3A_183 : i32
            %while3A_185 = arith.addi %while3A_183, %while3A_184 : i32
            %while3A_186 = arith.constant 1 : i32
            %while3A_187 = arith.divsi %while3A_184, %while3A_186 : i32
            %while3A_188 = arith.muli %while3A_187, %while3A_186 : i32
            %while3A_189 = arith.addi %while3A_183, %while3A_188 : i32
            %while3A_190 = arith.constant 1 : i32
            scf.for %while3A_192 = %while3A_183 to %while3A_189 step %while3A_190  : i32 {
              %get3A_193 = arith.index_cast %while3A_192 : i32 to index
              %get3A_194 = tpu.vector_load %arg12[%get3A_193] {strides = array<i32>} : memref<32xi32, #tpu.memory_space<vmem>>, vector<16xi32>,
              %slice3A_195 = vector.extract_strided_slice %get3A_194 {offsets = [0], sizes = [1], strides = [1]} : vector<16xi32> to vector<1xi32>
              %squeeze3A_196 = vector.extract %slice3A_195[0] : i32 from vector<1xi32>
              %get3A_197 = arith.index_cast %while3A_192 : i32 to index
              %get3A_198 = tpu.vector_load %arg13[%get3A_197] {strides = array<i32>} : memref<32xi32, #tpu.memory_space<vmem>>, vector<16xi32>,
              %slice3A_199 = vector.extract_strided_slice %get3A_198 {offsets = [0], sizes = [1], strides = [1]} : vector<16xi32> to vector<1xi32>
              %squeeze3A_200 = vector.extract %slice3A_199[0] : i32 from vector<1xi32>
              %sub3A = arith.constant 999936 : i32
              %sub3A_201 = arith.subi %squeeze3A_196, %sub3A : i32
              %broadcast_in_dim3A = arith.constant 0 : i32
              %broadcast_in_dim3A_202 = vector.broadcast %broadcast_in_dim3A : i32 to vector<16xi32>
              %broadcast_in_dim3A_203 = vector.broadcast %sub3A_201 : i32 to vector<16xi32>
              %get3A_204 = arith.constant 2 : i32
              %get3A_205 = arith.index_cast %get3A_204 : i32 to index
              %get3A_206 = memref.load %arg15[%get3A_205] : memref<8xi32, #tpu.memory_space<smem>>
              %rem3A = arith.constant 8 : i32
              %rem3A_207 = arith.remsi %get3A_206, %rem3A : i32
              %ge3A_208 = arith.constant 8 : i32
              %ge3A_209 = arith.cmpi sge, %get3A_206, %ge3A_208 : i32
              %convert_element_type3A_210 = arith.extui %ge3A_209 : i1 to i32
              %cond3A_211 = arith.constant 0 : i32
              %cond3A_212 = arith.cmpi ne, %convert_element_type3A_210, %cond3A_211 : i32
              scf.if %cond3A_212 {
                %dma_wait3A = arith.constant 0 : i32
                %dma_wait3A_253 = arith.constant 0 : i32
                %dma_wait3A_254 = tpu.memref_slice %arg14[%dma_wait3A, %dma_wait3A_253] : memref<8x64xf32, #tpu.memory_space<vmem>> -> memref<1x64xf32, #tpu.memory_space<vmem>>
                %dma_wait3A_255 = arith.constant 0 : i32
                %dma_wait3A_256 = arith.constant 0 : i32
                %dma_wait3A_257 = tpu.memref_slice %arg5[%dma_wait3A_255, %dma_wait3A_256] : memref<49152x64xf32, #tpu.memory_space<hbm>> -> memref<1x64xf32, #tpu.memory_space<hbm>>
                %dma_wait3A_258 = arith.constant 0 : i32
                %dma_wait3A_259 = arith.constant 0 : i32
                %dma_wait3A_260 = tpu.memref_slice %arg5[%dma_wait3A_258, %dma_wait3A_259] : memref<49152x64xf32, #tpu.memory_space<hbm>> -> memref<1x64xf32, #tpu.memory_space<hbm>>
                %dma_wait3A_261 = arith.constant 0 : i32
                %dma_wait3A_262 = arith.constant 0 : i32
                %dma_wait3A_263 = tpu.memref_slice %arg14[%dma_wait3A_261, %dma_wait3A_262] : memref<8x64xf32, #tpu.memory_space<vmem>> -> memref<1x64xf32, #tpu.memory_space<vmem>>
                tpu.wait_dma2 semaphore(%arg17 : memref<!tpu.dma_semaphore, #tpu.memory_space<semaphore_mem>>) src(%dma_wait3A_263 : memref<1x64xf32, #tpu.memory_space<vmem>>) dst(%dma_wait3A_260 : memref<1x64xf32, #tpu.memory_space<hbm>>)
              } else {
              }
              %add3A_213 = arith.constant 0 : i32
              %add3A_214 = vector.broadcast %add3A_213 : i32 to vector<16xi32>
              %add3A_215 = arith.addi %iota3A, %add3A_214 : vector<16xi32>
              %gather3A = tpu.vector_load_idx %arg7[%broadcast_in_dim3A_202, %add3A_215, %broadcast_in_dim3A_203] : memref<2x64x512xf32, #tpu.memory_space<vmem>>[vector<16xi32>, vector<16xi32>, vector<16xi32>], vector<16xf32>,
              %swap3A_216 = arith.index_cast %rem3A_207 : i32 to index
              %swap3A_217 = arith.constant 0 : index
              %swap3A_218 = tpu.vector_load %arg14[%swap3A_216, %swap3A_217] {strides = array<i32>} : memref<8x64xf32, #tpu.memory_space<vmem>>, vector<16xf32>,
              tpu.vector_store %arg14[%swap3A_216, %swap3A_217], %gather3A {strides = array<i32>} : memref<8x64xf32, #tpu.memory_space<vmem>>, vector<16xf32>,
              %add3A_219 = arith.constant 16 : i32
              %add3A_220 = vector.broadcast %add3A_219 : i32 to vector<16xi32>
              %add3A_221 = arith.addi %iota3A, %add3A_220 : vector<16xi32>
              %gather3A_222 = tpu.vector_load_idx %arg7[%broadcast_in_dim3A_202, %add3A_221, %broadcast_in_dim3A_203] : memref<2x64x512xf32, #tpu.memory_space<vmem>>[vector<16xi32>, vector<16xi32>, vector<16xi32>], vector<16xf32>,
              %swap3A_223 = arith.index_cast %rem3A_207 : i32 to index
              %swap3A_224 = arith.constant 16 : index
              %swap3A_225 = tpu.vector_load %arg14[%swap3A_223, %swap3A_224] {strides = array<i32>} : memref<8x64xf32, #tpu.memory_space<vmem>>, vector<16xf32>,
              tpu.vector_store %arg14[%swap3A_223, %swap3A_224], %gather3A_222 {strides = array<i32>} : memref<8x64xf32, #tpu.memory_space<vmem>>, vector<16xf32>,
              %add3A_226 = arith.constant 32 : i32
              %add3A_227 = vector.broadcast %add3A_226 : i32 to vector<16xi32>
              %add3A_228 = arith.addi %iota3A, %add3A_227 : vector<16xi32>
              %gather3A_229 = tpu.vector_load_idx %arg7[%broadcast_in_dim3A_202, %add3A_228, %broadcast_in_dim3A_203] : memref<2x64x512xf32, #tpu.memory_space<vmem>>[vector<16xi32>, vector<16xi32>, vector<16xi32>], vector<16xf32>,
              %swap3A_230 = arith.index_cast %rem3A_207 : i32 to index
              %swap3A_231 = arith.constant 32 : index
              %swap3A_232 = tpu.vector_load %arg14[%swap3A_230, %swap3A_231] {strides = array<i32>} : memref<8x64xf32, #tpu.memory_space<vmem>>, vector<16xf32>,
              tpu.vector_store %arg14[%swap3A_230, %swap3A_231], %gather3A_229 {strides = array<i32>} : memref<8x64xf32, #tpu.memory_space<vmem>>, vector<16xf32>,
              %add3A_233 = arith.constant 48 : i32
              %add3A_234 = vector.broadcast %add3A_233 : i32 to vector<16xi32>
              %add3A_235 = arith.addi %iota3A, %add3A_234 : vector<16xi32>
              %gather3A_236 = tpu.vector_load_idx %arg7[%broadcast_in_dim3A_202, %add3A_235, %broadcast_in_dim3A_203] : memref<2x64x512xf32, #tpu.memory_space<vmem>>[vector<16xi32>, vector<16xi32>, vector<16xi32>], vector<16xf32>,
              %swap3A_237 = arith.index_cast %rem3A_207 : i32 to index
              %swap3A_238 = arith.constant 48 : index
              %swap3A_239 = tpu.vector_load %arg14[%swap3A_237, %swap3A_238] {strides = array<i32>} : memref<8x64xf32, #tpu.memory_space<vmem>>, vector<16xf32>,
              tpu.vector_store %arg14[%swap3A_237, %swap3A_238], %gather3A_236 {strides = array<i32>} : memref<8x64xf32, #tpu.memory_space<vmem>>, vector<16xf32>,
              %dma_start3A_240 = arith.constant 0 : i32
              %dma_start3A_241 = tpu.memref_slice %arg14[%rem3A_207, %dma_start3A_240] : memref<8x64xf32, #tpu.memory_space<vmem>> -> memref<1x64xf32, #tpu.memory_space<vmem>>
              %dma_start3A_242 = arith.constant 0 : i32
              %dma_start3A_243 = tpu.memref_slice %arg5[%squeeze3A_200, %dma_start3A_242] : memref<49152x64xf32, #tpu.memory_space<hbm>> -> memref<1x64xf32, #tpu.memory_space<hbm>>
              %dma_start3A_244 = arith.constant 0 : i32
              %dma_start3A_245 = tpu.memref_slice %arg5[%squeeze3A_200, %dma_start3A_244] : memref<49152x64xf32, #tpu.memory_space<hbm>> -> memref<1x64xf32, #tpu.memory_space<hbm>>
              %dma_start3A_246 = arith.constant 0 : i32
              %dma_start3A_247 = tpu.memref_slice %arg14[%rem3A_207, %dma_start3A_246] : memref<8x64xf32, #tpu.memory_space<vmem>> -> memref<1x64xf32, #tpu.memory_space<vmem>>
              tpu.enqueue_dma source(%dma_start3A_247 : memref<1x64xf32, #tpu.memory_space<vmem>>) target(%dma_start3A_245 : memref<1x64xf32, #tpu.memory_space<hbm>>) target_semaphore(%arg17 : memref<!tpu.dma_semaphore, #tpu.memory_space<semaphore_mem>>)
              %add3A_248 = arith.constant 1 : i32
              %add3A_249 = arith.addi %get3A_206, %add3A_248 : i32
              %swap3A_250 = arith.constant 2 : i32
              %swap3A_251 = arith.index_cast %swap3A_250 : i32 to index
              %swap3A_252 = memref.load %arg15[%swap3A_251] : memref<8xi32, #tpu.memory_space<smem>>
              memref.store %add3A_249, %arg15[%swap3A_251] : memref<8xi32, #tpu.memory_space<smem>>
            }
            %while3A_191 = arith.constant 1 : i32
            scf.for %while3A_192 = %while3A_189 to %while3A_185 step %while3A_191  : i32 {
              %get3A_193 = arith.index_cast %while3A_192 : i32 to index
              %get3A_194 = tpu.vector_load %arg12[%get3A_193] {strides = array<i32>} : memref<32xi32, #tpu.memory_space<vmem>>, vector<16xi32>,
              %slice3A_195 = vector.extract_strided_slice %get3A_194 {offsets = [0], sizes = [1], strides = [1]} : vector<16xi32> to vector<1xi32>
              %squeeze3A_196 = vector.extract %slice3A_195[0] : i32 from vector<1xi32>
              %get3A_197 = arith.index_cast %while3A_192 : i32 to index
              %get3A_198 = tpu.vector_load %arg13[%get3A_197] {strides = array<i32>} : memref<32xi32, #tpu.memory_space<vmem>>, vector<16xi32>,
              %slice3A_199 = vector.extract_strided_slice %get3A_198 {offsets = [0], sizes = [1], strides = [1]} : vector<16xi32> to vector<1xi32>
              %squeeze3A_200 = vector.extract %slice3A_199[0] : i32 from vector<1xi32>
              %sub3A = arith.constant 999936 : i32
              %sub3A_201 = arith.subi %squeeze3A_196, %sub3A : i32
              %broadcast_in_dim3A = arith.constant 0 : i32
              %broadcast_in_dim3A_202 = vector.broadcast %broadcast_in_dim3A : i32 to vector<16xi32>
              %broadcast_in_dim3A_203 = vector.broadcast %sub3A_201 : i32 to vector<16xi32>
              %get3A_204 = arith.constant 2 : i32
              %get3A_205 = arith.index_cast %get3A_204 : i32 to index
              %get3A_206 = memref.load %arg15[%get3A_205] : memref<8xi32, #tpu.memory_space<smem>>
              %rem3A = arith.constant 8 : i32
              %rem3A_207 = arith.remsi %get3A_206, %rem3A : i32
              %ge3A_208 = arith.constant 8 : i32
              %ge3A_209 = arith.cmpi sge, %get3A_206, %ge3A_208 : i32
              %convert_element_type3A_210 = arith.extui %ge3A_209 : i1 to i32
              %cond3A_211 = arith.constant 0 : i32
              %cond3A_212 = arith.cmpi ne, %convert_element_type3A_210, %cond3A_211 : i32
              scf.if %cond3A_212 {
                %dma_wait3A = arith.constant 0 : i32
                %dma_wait3A_253 = arith.constant 0 : i32
                %dma_wait3A_254 = tpu.memref_slice %arg14[%dma_wait3A, %dma_wait3A_253] : memref<8x64xf32, #tpu.memory_space<vmem>> -> memref<1x64xf32, #tpu.memory_space<vmem>>
                %dma_wait3A_255 = arith.constant 0 : i32
                %dma_wait3A_256 = arith.constant 0 : i32
                %dma_wait3A_257 = tpu.memref_slice %arg5[%dma_wait3A_255, %dma_wait3A_256] : memref<49152x64xf32, #tpu.memory_space<hbm>> -> memref<1x64xf32, #tpu.memory_space<hbm>>
                %dma_wait3A_258 = arith.constant 0 : i32
                %dma_wait3A_259 = arith.constant 0 : i32
                %dma_wait3A_260 = tpu.memref_slice %arg5[%dma_wait3A_258, %dma_wait3A_259] : memref<49152x64xf32, #tpu.memory_space<hbm>> -> memref<1x64xf32, #tpu.memory_space<hbm>>
                %dma_wait3A_261 = arith.constant 0 : i32
                %dma_wait3A_262 = arith.constant 0 : i32
                %dma_wait3A_263 = tpu.memref_slice %arg14[%dma_wait3A_261, %dma_wait3A_262] : memref<8x64xf32, #tpu.memory_space<vmem>> -> memref<1x64xf32, #tpu.memory_space<vmem>>
                tpu.wait_dma2 semaphore(%arg17 : memref<!tpu.dma_semaphore, #tpu.memory_space<semaphore_mem>>) src(%dma_wait3A_263 : memref<1x64xf32, #tpu.memory_space<vmem>>) dst(%dma_wait3A_260 : memref<1x64xf32, #tpu.memory_space<hbm>>)
              } else {
              }
              %add3A_213 = arith.constant 0 : i32
              %add3A_214 = vector.broadcast %add3A_213 : i32 to vector<16xi32>
              %add3A_215 = arith.addi %iota3A, %add3A_214 : vector<16xi32>
              %gather3A = tpu.vector_load_idx %arg7[%broadcast_in_dim3A_202, %add3A_215, %broadcast_in_dim3A_203] : memref<2x64x512xf32, #tpu.memory_space<vmem>>[vector<16xi32>, vector<16xi32>, vector<16xi32>], vector<16xf32>,
              %swap3A_216 = arith.index_cast %rem3A_207 : i32 to index
              %swap3A_217 = arith.constant 0 : index
              %swap3A_218 = tpu.vector_load %arg14[%swap3A_216, %swap3A_217] {strides = array<i32>} : memref<8x64xf32, #tpu.memory_space<vmem>>, vector<16xf32>,
              tpu.vector_store %arg14[%swap3A_216, %swap3A_217], %gather3A {strides = array<i32>} : memref<8x64xf32, #tpu.memory_space<vmem>>, vector<16xf32>,
              %add3A_219 = arith.constant 16 : i32
              %add3A_220 = vector.broadcast %add3A_219 : i32 to vector<16xi32>
              %add3A_221 = arith.addi %iota3A, %add3A_220 : vector<16xi32>
              %gather3A_222 = tpu.vector_load_idx %arg7[%broadcast_in_dim3A_202, %add3A_221, %broadcast_in_dim3A_203] : memref<2x64x512xf32, #tpu.memory_space<vmem>>[vector<16xi32>, vector<16xi32>, vector<16xi32>], vector<16xf32>,
              %swap3A_223 = arith.index_cast %rem3A_207 : i32 to index
              %swap3A_224 = arith.constant 16 : index
              %swap3A_225 = tpu.vector_load %arg14[%swap3A_223, %swap3A_224] {strides = array<i32>} : memref<8x64xf32, #tpu.memory_space<vmem>>, vector<16xf32>,
              tpu.vector_store %arg14[%swap3A_223, %swap3A_224], %gather3A_222 {strides = array<i32>} : memref<8x64xf32, #tpu.memory_space<vmem>>, vector<16xf32>,
              %add3A_226 = arith.constant 32 : i32
              %add3A_227 = vector.broadcast %add3A_226 : i32 to vector<16xi32>
              %add3A_228 = arith.addi %iota3A, %add3A_227 : vector<16xi32>
              %gather3A_229 = tpu.vector_load_idx %arg7[%broadcast_in_dim3A_202, %add3A_228, %broadcast_in_dim3A_203] : memref<2x64x512xf32, #tpu.memory_space<vmem>>[vector<16xi32>, vector<16xi32>, vector<16xi32>], vector<16xf32>,
              %swap3A_230 = arith.index_cast %rem3A_207 : i32 to index
              %swap3A_231 = arith.constant 32 : index
              %swap3A_232 = tpu.vector_load %arg14[%swap3A_230, %swap3A_231] {strides = array<i32>} : memref<8x64xf32, #tpu.memory_space<vmem>>, vector<16xf32>,
              tpu.vector_store %arg14[%swap3A_230, %swap3A_231], %gather3A_229 {strides = array<i32>} : memref<8x64xf32, #tpu.memory_space<vmem>>, vector<16xf32>,
              %add3A_233 = arith.constant 48 : i32
              %add3A_234 = vector.broadcast %add3A_233 : i32 to vector<16xi32>
              %add3A_235 = arith.addi %iota3A, %add3A_234 : vector<16xi32>
              %gather3A_236 = tpu.vector_load_idx %arg7[%broadcast_in_dim3A_202, %add3A_235, %broadcast_in_dim3A_203] : memref<2x64x512xf32, #tpu.memory_space<vmem>>[vector<16xi32>, vector<16xi32>, vector<16xi32>], vector<16xf32>,
              %swap3A_237 = arith.index_cast %rem3A_207 : i32 to index
              %swap3A_238 = arith.constant 48 : index
              %swap3A_239 = tpu.vector_load %arg14[%swap3A_237, %swap3A_238] {strides = array<i32>} : memref<8x64xf32, #tpu.memory_space<vmem>>, vector<16xf32>,
              tpu.vector_store %arg14[%swap3A_237, %swap3A_238], %gather3A_236 {strides = array<i32>} : memref<8x64xf32, #tpu.memory_space<vmem>>, vector<16xf32>,
              %dma_start3A_240 = arith.constant 0 : i32
              %dma_start3A_241 = tpu.memref_slice %arg14[%rem3A_207, %dma_start3A_240] : memref<8x64xf32, #tpu.memory_space<vmem>> -> memref<1x64xf32, #tpu.memory_space<vmem>>
              %dma_start3A_242 = arith.constant 0 : i32
              %dma_start3A_243 = tpu.memref_slice %arg5[%squeeze3A_200, %dma_start3A_242] : memref<49152x64xf32, #tpu.memory_space<hbm>> -> memref<1x64xf32, #tpu.memory_space<hbm>>
              %dma_start3A_244 = arith.constant 0 : i32
              %dma_start3A_245 = tpu.memref_slice %arg5[%squeeze3A_200, %dma_start3A_244] : memref<49152x64xf32, #tpu.memory_space<hbm>> -> memref<1x64xf32, #tpu.memory_space<hbm>>
              %dma_start3A_246 = arith.constant 0 : i32
              %dma_start3A_247 = tpu.memref_slice %arg14[%rem3A_207, %dma_start3A_246] : memref<8x64xf32, #tpu.memory_space<vmem>> -> memref<1x64xf32, #tpu.memory_space<vmem>>
              tpu.enqueue_dma source(%dma_start3A_247 : memref<1x64xf32, #tpu.memory_space<vmem>>) target(%dma_start3A_245 : memref<1x64xf32, #tpu.memory_space<hbm>>) target_semaphore(%arg17 : memref<!tpu.dma_semaphore, #tpu.memory_space<semaphore_mem>>)
              %add3A_248 = arith.constant 1 : i32
              %add3A_249 = arith.addi %get3A_206, %add3A_248 : i32
              %swap3A_250 = arith.constant 2 : i32
              %swap3A_251 = arith.index_cast %swap3A_250 : i32 to index
              %swap3A_252 = memref.load %arg15[%swap3A_251] : memref<8xi32, #tpu.memory_space<smem>>
              memref.store %add3A_249, %arg15[%swap3A_251] : memref<8xi32, #tpu.memory_space<smem>>
            }
          } else {
          }
        }
        %while3A_144 = arith.constant 1 : i32
        scf.for %while3A_145 = %while3A_142 to %while3A_138 step %while3A_144  : i32 {
          %mul3A_146 = arith.constant 16 : i32
          %mul3A_147 = arith.muli %while3A_145, %mul3A_146 : i32
          %get3A_148 = arith.index_cast %mul3A_147 : i32 to index
          %get3A_149 = tpu.vector_load %arg10[%get3A_148] {strides = array<i32>} : memref<2080xi32, #tpu.memory_space<vmem>>, vector<16xi32>,
          %mul3A_150 = arith.constant 16 : i32
          %mul3A_151 = arith.muli %while3A_145, %mul3A_150 : i32
          %get3A_152 = arith.index_cast %mul3A_151 : i32 to index
          %get3A_153 = tpu.vector_load %arg11[%get3A_152] {strides = array<i32>} : memref<2080xi32, #tpu.memory_space<vmem>>, vector<16xi32>,
          %mul3A_154 = arith.constant 16 : i32
          %mul3A_155 = arith.muli %while3A_145, %mul3A_154 : i32
          %add3A_156 = vector.broadcast %mul3A_155 : i32 to vector<16xi32>
          %add3A_157 = arith.addi %add3A_156, %iota3A : vector<16xi32>
          %lt3A = vector.broadcast %get3A_130 : i32 to vector<16xi32>
          %lt3A_158 = arith.cmpi slt, %add3A_157, %lt3A : vector<16xi32>
          %ge3A = arith.constant 999936 : i32
          %ge3A_159 = vector.broadcast %ge3A : i32 to vector<16xi32>
          %ge3A_160 = arith.cmpi sge, %get3A_149, %ge3A_159 : vector<16xi32>
          %and3A = arith.andi %lt3A_158, %ge3A_160 : vector<16xi1>
          %lt3A_161 = arith.constant 1000000 : i32
          %lt3A_162 = vector.broadcast %lt3A_161 : i32 to vector<16xi32>
          %lt3A_163 = arith.cmpi slt, %get3A_149, %lt3A_162 : vector<16xi32>
          %and3A_164 = arith.andi %and3A, %lt3A_163 : vector<16xi1>
          %reduce_or3A = arith.constant 1.000000e+00 : f32
          %reduce_or3A_165 = arith.constant 0.000000e+00 : f32
          %reduce_or3A_166 = vector.broadcast %reduce_or3A : f32 to vector<16xf32>
          %reduce_or3A_167 = vector.broadcast %reduce_or3A_165 : f32 to vector<16xf32>
          %reduce_or3A_168 = arith.select %and3A_164, %reduce_or3A_166, %reduce_or3A_167 : vector<16xi1>, vector<16xf32>
          %reduce_or3A_169 = arith.constant true
          %reduce_or3A_170 = vector.broadcast %reduce_or3A_169 : i1 to vector<16xi1>
          %reduce_or3A_171 = tpu.scan <max>, %reduce_or3A_168 masked %reduce_or3A_170 : vector<16xf32>, vector<16xi1> -> vector<16xf32>
          %reduce_or3A_172 = vector.extract %reduce_or3A_171[15] : f32 from vector<16xf32>
          %reduce_or3A_173 = arith.constant 0.000000e+00 : f32
          %reduce_or3A_174 = arith.cmpf ogt, %reduce_or3A_172, %reduce_or3A_173 : f32
          %convert_element_type3A_175 = arith.extui %reduce_or3A_174 : i1 to i32
          %cond3A_176 = arith.constant 0 : i32
          %cond3A_177 = arith.cmpi ne, %convert_element_type3A_175, %cond3A_176 : i32
          scf.if %cond3A_177 {
            %all_reduce_population_count3A = tpu.all_reduce %and3A_164 {dim = 0 : i64, kind = #tpu.reduction_kind<sum>} : vector<16xi1> -> vector<16xi32>
            %slice3A = vector.extract_strided_slice %all_reduce_population_count3A {offsets = [0], sizes = [1], strides = [1]} : vector<16xi32> to vector<1xi32>
            %squeeze3A = vector.extract %slice3A[0] : i32 from vector<1xi32>
            %swap3A_178 = arith.constant 0 : index
            %swap3A_179 = tpu.vector_load %arg12[%swap3A_178] masked %and3A_164 {strides = array<i32>} : memref<32xi32, #tpu.memory_space<vmem>>, vector<16xi32>, vector<16xi1>
            tpu.vector_store %arg12[%swap3A_178], %get3A_149 masked %and3A_164 {strides = array<i32>} : memref<32xi32, #tpu.memory_space<vmem>>, vector<16xi32>, vector<16xi1>
            %swap3A_180 = arith.constant 0 : index
            %swap3A_181 = tpu.vector_load %arg13[%swap3A_180] masked %and3A_164 {strides = array<i32>} : memref<32xi32, #tpu.memory_space<vmem>>, vector<16xi32>, vector<16xi1>
            tpu.vector_store %arg13[%swap3A_180], %get3A_153 masked %and3A_164 {strides = array<i32>} : memref<32xi32, #tpu.memory_space<vmem>>, vector<16xi32>, vector<16xi1>
            %while3A_182 = arith.constant 0 : i32
            %while3A_183 = arith.constant 0 : i32
            %while3A_184 = arith.subi %squeeze3A, %while3A_183 : i32
            %while3A_185 = arith.addi %while3A_183, %while3A_184 : i32
            %while3A_186 = arith.constant 1 : i32
            %while3A_187 = arith.divsi %while3A_184, %while3A_186 : i32
            %while3A_188 = arith.muli %while3A_187, %while3A_186 : i32
            %while3A_189 = arith.addi %while3A_183, %while3A_188 : i32
            %while3A_190 = arith.constant 1 : i32
            scf.for %while3A_192 = %while3A_183 to %while3A_189 step %while3A_190  : i32 {
              %get3A_193 = arith.index_cast %while3A_192 : i32 to index
              %get3A_194 = tpu.vector_load %arg12[%get3A_193] {strides = array<i32>} : memref<32xi32, #tpu.memory_space<vmem>>, vector<16xi32>,
              %slice3A_195 = vector.extract_strided_slice %get3A_194 {offsets = [0], sizes = [1], strides = [1]} : vector<16xi32> to vector<1xi32>
              %squeeze3A_196 = vector.extract %slice3A_195[0] : i32 from vector<1xi32>
              %get3A_197 = arith.index_cast %while3A_192 : i32 to index
              %get3A_198 = tpu.vector_load %arg13[%get3A_197] {strides = array<i32>} : memref<32xi32, #tpu.memory_space<vmem>>, vector<16xi32>,
              %slice3A_199 = vector.extract_strided_slice %get3A_198 {offsets = [0], sizes = [1], strides = [1]} : vector<16xi32> to vector<1xi32>
              %squeeze3A_200 = vector.extract %slice3A_199[0] : i32 from vector<1xi32>
              %sub3A = arith.constant 999936 : i32
              %sub3A_201 = arith.subi %squeeze3A_196, %sub3A : i32
              %broadcast_in_dim3A = arith.constant 0 : i32
              %broadcast_in_dim3A_202 = vector.broadcast %broadcast_in_dim3A : i32 to vector<16xi32>
              %broadcast_in_dim3A_203 = vector.broadcast %sub3A_201 : i32 to vector<16xi32>
              %get3A_204 = arith.constant 2 : i32
              %get3A_205 = arith.index_cast %get3A_204 : i32 to index
              %get3A_206 = memref.load %arg15[%get3A_205] : memref<8xi32, #tpu.memory_space<smem>>
              %rem3A = arith.constant 8 : i32
              %rem3A_207 = arith.remsi %get3A_206, %rem3A : i32
              %ge3A_208 = arith.constant 8 : i32
              %ge3A_209 = arith.cmpi sge, %get3A_206, %ge3A_208 : i32
              %convert_element_type3A_210 = arith.extui %ge3A_209 : i1 to i32
              %cond3A_211 = arith.constant 0 : i32
              %cond3A_212 = arith.cmpi ne, %convert_element_type3A_210, %cond3A_211 : i32
              scf.if %cond3A_212 {
                %dma_wait3A = arith.constant 0 : i32
                %dma_wait3A_253 = arith.constant 0 : i32
                %dma_wait3A_254 = tpu.memref_slice %arg14[%dma_wait3A, %dma_wait3A_253] : memref<8x64xf32, #tpu.memory_space<vmem>> -> memref<1x64xf32, #tpu.memory_space<vmem>>
                %dma_wait3A_255 = arith.constant 0 : i32
                %dma_wait3A_256 = arith.constant 0 : i32
                %dma_wait3A_257 = tpu.memref_slice %arg5[%dma_wait3A_255, %dma_wait3A_256] : memref<49152x64xf32, #tpu.memory_space<hbm>> -> memref<1x64xf32, #tpu.memory_space<hbm>>
                %dma_wait3A_258 = arith.constant 0 : i32
                %dma_wait3A_259 = arith.constant 0 : i32
                %dma_wait3A_260 = tpu.memref_slice %arg5[%dma_wait3A_258, %dma_wait3A_259] : memref<49152x64xf32, #tpu.memory_space<hbm>> -> memref<1x64xf32, #tpu.memory_space<hbm>>
                %dma_wait3A_261 = arith.constant 0 : i32
                %dma_wait3A_262 = arith.constant 0 : i32
                %dma_wait3A_263 = tpu.memref_slice %arg14[%dma_wait3A_261, %dma_wait3A_262] : memref<8x64xf32, #tpu.memory_space<vmem>> -> memref<1x64xf32, #tpu.memory_space<vmem>>
                tpu.wait_dma2 semaphore(%arg17 : memref<!tpu.dma_semaphore, #tpu.memory_space<semaphore_mem>>) src(%dma_wait3A_263 : memref<1x64xf32, #tpu.memory_space<vmem>>) dst(%dma_wait3A_260 : memref<1x64xf32, #tpu.memory_space<hbm>>)
              } else {
              }
              %add3A_213 = arith.constant 0 : i32
              %add3A_214 = vector.broadcast %add3A_213 : i32 to vector<16xi32>
              %add3A_215 = arith.addi %iota3A, %add3A_214 : vector<16xi32>
              %gather3A = tpu.vector_load_idx %arg7[%broadcast_in_dim3A_202, %add3A_215, %broadcast_in_dim3A_203] : memref<2x64x512xf32, #tpu.memory_space<vmem>>[vector<16xi32>, vector<16xi32>, vector<16xi32>], vector<16xf32>,
              %swap3A_216 = arith.index_cast %rem3A_207 : i32 to index
              %swap3A_217 = arith.constant 0 : index
              %swap3A_218 = tpu.vector_load %arg14[%swap3A_216, %swap3A_217] {strides = array<i32>} : memref<8x64xf32, #tpu.memory_space<vmem>>, vector<16xf32>,
              tpu.vector_store %arg14[%swap3A_216, %swap3A_217], %gather3A {strides = array<i32>} : memref<8x64xf32, #tpu.memory_space<vmem>>, vector<16xf32>,
              %add3A_219 = arith.constant 16 : i32
              %add3A_220 = vector.broadcast %add3A_219 : i32 to vector<16xi32>
              %add3A_221 = arith.addi %iota3A, %add3A_220 : vector<16xi32>
              %gather3A_222 = tpu.vector_load_idx %arg7[%broadcast_in_dim3A_202, %add3A_221, %broadcast_in_dim3A_203] : memref<2x64x512xf32, #tpu.memory_space<vmem>>[vector<16xi32>, vector<16xi32>, vector<16xi32>], vector<16xf32>,
              %swap3A_223 = arith.index_cast %rem3A_207 : i32 to index
              %swap3A_224 = arith.constant 16 : index
              %swap3A_225 = tpu.vector_load %arg14[%swap3A_223, %swap3A_224] {strides = array<i32>} : memref<8x64xf32, #tpu.memory_space<vmem>>, vector<16xf32>,
              tpu.vector_store %arg14[%swap3A_223, %swap3A_224], %gather3A_222 {strides = array<i32>} : memref<8x64xf32, #tpu.memory_space<vmem>>, vector<16xf32>,
              %add3A_226 = arith.constant 32 : i32
              %add3A_227 = vector.broadcast %add3A_226 : i32 to vector<16xi32>
              %add3A_228 = arith.addi %iota3A, %add3A_227 : vector<16xi32>
              %gather3A_229 = tpu.vector_load_idx %arg7[%broadcast_in_dim3A_202, %add3A_228, %broadcast_in_dim3A_203] : memref<2x64x512xf32, #tpu.memory_space<vmem>>[vector<16xi32>, vector<16xi32>, vector<16xi32>], vector<16xf32>,
              %swap3A_230 = arith.index_cast %rem3A_207 : i32 to index
              %swap3A_231 = arith.constant 32 : index
              %swap3A_232 = tpu.vector_load %arg14[%swap3A_230, %swap3A_231] {strides = array<i32>} : memref<8x64xf32, #tpu.memory_space<vmem>>, vector<16xf32>,
              tpu.vector_store %arg14[%swap3A_230, %swap3A_231], %gather3A_229 {strides = array<i32>} : memref<8x64xf32, #tpu.memory_space<vmem>>, vector<16xf32>,
              %add3A_233 = arith.constant 48 : i32
              %add3A_234 = vector.broadcast %add3A_233 : i32 to vector<16xi32>
              %add3A_235 = arith.addi %iota3A, %add3A_234 : vector<16xi32>
              %gather3A_236 = tpu.vector_load_idx %arg7[%broadcast_in_dim3A_202, %add3A_235, %broadcast_in_dim3A_203] : memref<2x64x512xf32, #tpu.memory_space<vmem>>[vector<16xi32>, vector<16xi32>, vector<16xi32>], vector<16xf32>,
              %swap3A_237 = arith.index_cast %rem3A_207 : i32 to index
              %swap3A_238 = arith.constant 48 : index
              %swap3A_239 = tpu.vector_load %arg14[%swap3A_237, %swap3A_238] {strides = array<i32>} : memref<8x64xf32, #tpu.memory_space<vmem>>, vector<16xf32>,
              tpu.vector_store %arg14[%swap3A_237, %swap3A_238], %gather3A_236 {strides = array<i32>} : memref<8x64xf32, #tpu.memory_space<vmem>>, vector<16xf32>,
              %dma_start3A_240 = arith.constant 0 : i32
              %dma_start3A_241 = tpu.memref_slice %arg14[%rem3A_207, %dma_start3A_240] : memref<8x64xf32, #tpu.memory_space<vmem>> -> memref<1x64xf32, #tpu.memory_space<vmem>>
              %dma_start3A_242 = arith.constant 0 : i32
              %dma_start3A_243 = tpu.memref_slice %arg5[%squeeze3A_200, %dma_start3A_242] : memref<49152x64xf32, #tpu.memory_space<hbm>> -> memref<1x64xf32, #tpu.memory_space<hbm>>
              %dma_start3A_244 = arith.constant 0 : i32
              %dma_start3A_245 = tpu.memref_slice %arg5[%squeeze3A_200, %dma_start3A_244] : memref<49152x64xf32, #tpu.memory_space<hbm>> -> memref<1x64xf32, #tpu.memory_space<hbm>>
              %dma_start3A_246 = arith.constant 0 : i32
              %dma_start3A_247 = tpu.memref_slice %arg14[%rem3A_207, %dma_start3A_246] : memref<8x64xf32, #tpu.memory_space<vmem>> -> memref<1x64xf32, #tpu.memory_space<vmem>>
              tpu.enqueue_dma source(%dma_start3A_247 : memref<1x64xf32, #tpu.memory_space<vmem>>) target(%dma_start3A_245 : memref<1x64xf32, #tpu.memory_space<hbm>>) target_semaphore(%arg17 : memref<!tpu.dma_semaphore, #tpu.memory_space<semaphore_mem>>)
              %add3A_248 = arith.constant 1 : i32
              %add3A_249 = arith.addi %get3A_206, %add3A_248 : i32
              %swap3A_250 = arith.constant 2 : i32
              %swap3A_251 = arith.index_cast %swap3A_250 : i32 to index
              %swap3A_252 = memref.load %arg15[%swap3A_251] : memref<8xi32, #tpu.memory_space<smem>>
              memref.store %add3A_249, %arg15[%swap3A_251] : memref<8xi32, #tpu.memory_space<smem>>
            }
            %while3A_191 = arith.constant 1 : i32
            scf.for %while3A_192 = %while3A_189 to %while3A_185 step %while3A_191  : i32 {
              %get3A_193 = arith.index_cast %while3A_192 : i32 to index
              %get3A_194 = tpu.vector_load %arg12[%get3A_193] {strides = array<i32>} : memref<32xi32, #tpu.memory_space<vmem>>, vector<16xi32>,
              %slice3A_195 = vector.extract_strided_slice %get3A_194 {offsets = [0], sizes = [1], strides = [1]} : vector<16xi32> to vector<1xi32>
              %squeeze3A_196 = vector.extract %slice3A_195[0] : i32 from vector<1xi32>
              %get3A_197 = arith.index_cast %while3A_192 : i32 to index
              %get3A_198 = tpu.vector_load %arg13[%get3A_197] {strides = array<i32>} : memref<32xi32, #tpu.memory_space<vmem>>, vector<16xi32>,
              %slice3A_199 = vector.extract_strided_slice %get3A_198 {offsets = [0], sizes = [1], strides = [1]} : vector<16xi32> to vector<1xi32>
              %squeeze3A_200 = vector.extract %slice3A_199[0] : i32 from vector<1xi32>
              %sub3A = arith.constant 999936 : i32
              %sub3A_201 = arith.subi %squeeze3A_196, %sub3A : i32
              %broadcast_in_dim3A = arith.constant 0 : i32
              %broadcast_in_dim3A_202 = vector.broadcast %broadcast_in_dim3A : i32 to vector<16xi32>
              %broadcast_in_dim3A_203 = vector.broadcast %sub3A_201 : i32 to vector<16xi32>
              %get3A_204 = arith.constant 2 : i32
              %get3A_205 = arith.index_cast %get3A_204 : i32 to index
              %get3A_206 = memref.load %arg15[%get3A_205] : memref<8xi32, #tpu.memory_space<smem>>
              %rem3A = arith.constant 8 : i32
              %rem3A_207 = arith.remsi %get3A_206, %rem3A : i32
              %ge3A_208 = arith.constant 8 : i32
              %ge3A_209 = arith.cmpi sge, %get3A_206, %ge3A_208 : i32
              %convert_element_type3A_210 = arith.extui %ge3A_209 : i1 to i32
              %cond3A_211 = arith.constant 0 : i32
              %cond3A_212 = arith.cmpi ne, %convert_element_type3A_210, %cond3A_211 : i32
              scf.if %cond3A_212 {
                %dma_wait3A = arith.constant 0 : i32
                %dma_wait3A_253 = arith.constant 0 : i32
                %dma_wait3A_254 = tpu.memref_slice %arg14[%dma_wait3A, %dma_wait3A_253] : memref<8x64xf32, #tpu.memory_space<vmem>> -> memref<1x64xf32, #tpu.memory_space<vmem>>
                %dma_wait3A_255 = arith.constant 0 : i32
                %dma_wait3A_256 = arith.constant 0 : i32
                %dma_wait3A_257 = tpu.memref_slice %arg5[%dma_wait3A_255, %dma_wait3A_256] : memref<49152x64xf32, #tpu.memory_space<hbm>> -> memref<1x64xf32, #tpu.memory_space<hbm>>
                %dma_wait3A_258 = arith.constant 0 : i32
                %dma_wait3A_259 = arith.constant 0 : i32
                %dma_wait3A_260 = tpu.memref_slice %arg5[%dma_wait3A_258, %dma_wait3A_259] : memref<49152x64xf32, #tpu.memory_space<hbm>> -> memref<1x64xf32, #tpu.memory_space<hbm>>
                %dma_wait3A_261 = arith.constant 0 : i32
                %dma_wait3A_262 = arith.constant 0 : i32
                %dma_wait3A_263 = tpu.memref_slice %arg14[%dma_wait3A_261, %dma_wait3A_262] : memref<8x64xf32, #tpu.memory_space<vmem>> -> memref<1x64xf32, #tpu.memory_space<vmem>>
                tpu.wait_dma2 semaphore(%arg17 : memref<!tpu.dma_semaphore, #tpu.memory_space<semaphore_mem>>) src(%dma_wait3A_263 : memref<1x64xf32, #tpu.memory_space<vmem>>) dst(%dma_wait3A_260 : memref<1x64xf32, #tpu.memory_space<hbm>>)
              } else {
              }
              %add3A_213 = arith.constant 0 : i32
              %add3A_214 = vector.broadcast %add3A_213 : i32 to vector<16xi32>
              %add3A_215 = arith.addi %iota3A, %add3A_214 : vector<16xi32>
              %gather3A = tpu.vector_load_idx %arg7[%broadcast_in_dim3A_202, %add3A_215, %broadcast_in_dim3A_203] : memref<2x64x512xf32, #tpu.memory_space<vmem>>[vector<16xi32>, vector<16xi32>, vector<16xi32>], vector<16xf32>,
              %swap3A_216 = arith.index_cast %rem3A_207 : i32 to index
              %swap3A_217 = arith.constant 0 : index
              %swap3A_218 = tpu.vector_load %arg14[%swap3A_216, %swap3A_217] {strides = array<i32>} : memref<8x64xf32, #tpu.memory_space<vmem>>, vector<16xf32>,
              tpu.vector_store %arg14[%swap3A_216, %swap3A_217], %gather3A {strides = array<i32>} : memref<8x64xf32, #tpu.memory_space<vmem>>, vector<16xf32>,
              %add3A_219 = arith.constant 16 : i32
              %add3A_220 = vector.broadcast %add3A_219 : i32 to vector<16xi32>
              %add3A_221 = arith.addi %iota3A, %add3A_220 : vector<16xi32>
              %gather3A_222 = tpu.vector_load_idx %arg7[%broadcast_in_dim3A_202, %add3A_221, %broadcast_in_dim3A_203] : memref<2x64x512xf32, #tpu.memory_space<vmem>>[vector<16xi32>, vector<16xi32>, vector<16xi32>], vector<16xf32>,
              %swap3A_223 = arith.index_cast %rem3A_207 : i32 to index
              %swap3A_224 = arith.constant 16 : index
              %swap3A_225 = tpu.vector_load %arg14[%swap3A_223, %swap3A_224] {strides = array<i32>} : memref<8x64xf32, #tpu.memory_space<vmem>>, vector<16xf32>,
              tpu.vector_store %arg14[%swap3A_223, %swap3A_224], %gather3A_222 {strides = array<i32>} : memref<8x64xf32, #tpu.memory_space<vmem>>, vector<16xf32>,
              %add3A_226 = arith.constant 32 : i32
              %add3A_227 = vector.broadcast %add3A_226 : i32 to vector<16xi32>
              %add3A_228 = arith.addi %iota3A, %add3A_227 : vector<16xi32>
              %gather3A_229 = tpu.vector_load_idx %arg7[%broadcast_in_dim3A_202, %add3A_228, %broadcast_in_dim3A_203] : memref<2x64x512xf32, #tpu.memory_space<vmem>>[vector<16xi32>, vector<16xi32>, vector<16xi32>], vector<16xf32>,
              %swap3A_230 = arith.index_cast %rem3A_207 : i32 to index
              %swap3A_231 = arith.constant 32 : index
              %swap3A_232 = tpu.vector_load %arg14[%swap3A_230, %swap3A_231] {strides = array<i32>} : memref<8x64xf32, #tpu.memory_space<vmem>>, vector<16xf32>,
              tpu.vector_store %arg14[%swap3A_230, %swap3A_231], %gather3A_229 {strides = array<i32>} : memref<8x64xf32, #tpu.memory_space<vmem>>, vector<16xf32>,
              %add3A_233 = arith.constant 48 : i32
              %add3A_234 = vector.broadcast %add3A_233 : i32 to vector<16xi32>
              %add3A_235 = arith.addi %iota3A, %add3A_234 : vector<16xi32>
              %gather3A_236 = tpu.vector_load_idx %arg7[%broadcast_in_dim3A_202, %add3A_235, %broadcast_in_dim3A_203] : memref<2x64x512xf32, #tpu.memory_space<vmem>>[vector<16xi32>, vector<16xi32>, vector<16xi32>], vector<16xf32>,
              %swap3A_237 = arith.index_cast %rem3A_207 : i32 to index
              %swap3A_238 = arith.constant 48 : index
              %swap3A_239 = tpu.vector_load %arg14[%swap3A_237, %swap3A_238] {strides = array<i32>} : memref<8x64xf32, #tpu.memory_space<vmem>>, vector<16xf32>,
              tpu.vector_store %arg14[%swap3A_237, %swap3A_238], %gather3A_236 {strides = array<i32>} : memref<8x64xf32, #tpu.memory_space<vmem>>, vector<16xf32>,
              %dma_start3A_240 = arith.constant 0 : i32
              %dma_start3A_241 = tpu.memref_slice %arg14[%rem3A_207, %dma_start3A_240] : memref<8x64xf32, #tpu.memory_space<vmem>> -> memref<1x64xf32, #tpu.memory_space<vmem>>
              %dma_start3A_242 = arith.constant 0 : i32
              %dma_start3A_243 = tpu.memref_slice %arg5[%squeeze3A_200, %dma_start3A_242] : memref<49152x64xf32, #tpu.memory_space<hbm>> -> memref<1x64xf32, #tpu.memory_space<hbm>>
              %dma_start3A_244 = arith.constant 0 : i32
              %dma_start3A_245 = tpu.memref_slice %arg5[%squeeze3A_200, %dma_start3A_244] : memref<49152x64xf32, #tpu.memory_space<hbm>> -> memref<1x64xf32, #tpu.memory_space<hbm>>
              %dma_start3A_246 = arith.constant 0 : i32
              %dma_start3A_247 = tpu.memref_slice %arg14[%rem3A_207, %dma_start3A_246] : memref<8x64xf32, #tpu.memory_space<vmem>> -> memref<1x64xf32, #tpu.memory_space<vmem>>
              tpu.enqueue_dma source(%dma_start3A_247 : memref<1x64xf32, #tpu.memory_space<vmem>>) target(%dma_start3A_245 : memref<1x64xf32, #tpu.memory_space<hbm>>) target_semaphore(%arg17 : memref<!tpu.dma_semaphore, #tpu.memory_space<semaphore_mem>>)
              %add3A_248 = arith.constant 1 : i32
              %add3A_249 = arith.addi %get3A_206, %add3A_248 : i32
              %swap3A_250 = arith.constant 2 : i32
              %swap3A_251 = arith.index_cast %swap3A_250 : i32 to index
              %swap3A_252 = memref.load %arg15[%swap3A_251] : memref<8xi32, #tpu.memory_space<smem>>
              memref.store %add3A_249, %arg15[%swap3A_251] : memref<8xi32, #tpu.memory_space<smem>>
            }
          } else {
          }
        }
      } else {
      }
      %ne3A = arith.constant 0 : i32
      %ne3A_100 = arith.cmpi ne, %get3A_94, %ne3A : i32
      %convert_element_type3A_101 = arith.extui %ne3A_100 : i1 to i32
      %cond3A_102 = arith.constant 0 : i32
      %cond3A_103 = arith.cmpi ne, %convert_element_type3A_101, %cond3A_102 : i32
      scf.if %cond3A_103 {
        %scan3A_104 = arith.constant 0 : i32
        %scan3A_105 = arith.constant 0 : i32
        %scan3A_106 = arith.constant 3072 : i32
        %scan3A_107 = arith.addi %scan3A_105, %scan3A_106 : i32
        %scan3A_108 = arith.constant 1 : i32
        scf.for %scan3A_110 = %scan3A_105 to %scan3A_107 step %scan3A_108  : i32 {
          %div3A = arith.constant 8 : i32
          %div3A_111 = arith.divsi %scan3A_110, %div3A : i32
          %rem3A = arith.constant 8 : i32
          %rem3A_112 = arith.remsi %scan3A_110, %rem3A : i32
          %mul3A_113 = arith.constant 16 : i32
          %mul3A_114 = arith.muli %rem3A_112, %mul3A_113 : i32
          %get3A_115 = arith.index_cast %div3A_111 : i32 to index
          %get3A_116 = arith.index_cast %mul3A_114 : i32 to index
          %get3A_117 = tpu.vector_load %arg6[%get3A_115, %get3A_116] {strides = array<i32>} : memref<384x128xi32, #tpu.memory_space<vmem>>, vector<16xi32>,
          %ge3A = arith.constant 999936 : i32
          %ge3A_118 = vector.broadcast %ge3A : i32 to vector<16xi32>
          %ge3A_119 = arith.cmpi sge, %get3A_117, %ge3A_118 : vector<16xi32>
          %lt3A = arith.constant 1000000 : i32
          %lt3A_120 = vector.broadcast %lt3A : i32 to vector<16xi32>
          %lt3A_121 = arith.cmpi slt, %get3A_117, %lt3A_120 : vector<16xi32>
          %and3A = arith.andi %ge3A_119, %lt3A_121 : vector<16xi1>
          %reduce_or3A = arith.constant 1.000000e+00 : f32
          %reduce_or3A_122 = arith.constant 0.000000e+00 : f32
          %reduce_or3A_123 = vector.broadcast %reduce_or3A : f32 to vector<16xf32>
          %reduce_or3A_124 = vector.broadcast %reduce_or3A_122 : f32 to vector<16xf32>
          %reduce_or3A_125 = arith.select %and3A, %reduce_or3A_123, %reduce_or3A_124 : vector<16xi1>, vector<16xf32>
          %reduce_or3A_126 = arith.constant true
          %reduce_or3A_127 = vector.broadcast %reduce_or3A_126 : i1 to vector<16xi1>
          %reduce_or3A_128 = tpu.scan <max>, %reduce_or3A_125 masked %reduce_or3A_127 : vector<16xf32>, vector<16xi1> -> vector<16xf32>
          %reduce_or3A_129 = vector.extract %reduce_or3A_128[15] : f32 from vector<16xf32>
          %reduce_or3A_130 = arith.constant 0.000000e+00 : f32
          %reduce_or3A_131 = arith.cmpf ogt, %reduce_or3A_129, %reduce_or3A_130 : f32
          %convert_element_type3A_132 = arith.extui %reduce_or3A_131 : i1 to i32
          %cond3A_133 = arith.constant 0 : i32
          %cond3A_134 = arith.cmpi ne, %convert_element_type3A_132, %cond3A_133 : i32
          scf.if %cond3A_134 {
            %all_reduce_population_count3A = tpu.all_reduce %and3A {dim = 0 : i64, kind = #tpu.reduction_kind<sum>} : vector<16xi1> -> vector<16xi32>
            %slice3A = vector.extract_strided_slice %all_reduce_population_count3A {offsets = [0], sizes = [1], strides = [1]} : vector<16xi32> to vector<1xi32>
            %squeeze3A = vector.extract %slice3A[0] : i32 from vector<1xi32>
            %swap3A_135 = arith.constant 0 : index
            %swap3A_136 = tpu.vector_load %arg12[%swap3A_135] masked %and3A {strides = array<i32>} : memref<32xi32, #tpu.memory_space<vmem>>, vector<16xi32>, vector<16xi1>
            tpu.vector_store %arg12[%swap3A_135], %get3A_117 masked %and3A {strides = array<i32>} : memref<32xi32, #tpu.memory_space<vmem>>, vector<16xi32>, vector<16xi1>
            %mul3A_137 = arith.constant 16 : i32
            %mul3A_138 = arith.muli %scan3A_110, %mul3A_137 : i32
            %add3A_139 = vector.broadcast %mul3A_138 : i32 to vector<16xi32>
            %add3A_140 = arith.addi %add3A_139, %iota3A : vector<16xi32>
            %swap3A_141 = arith.constant 0 : index
            %swap3A_142 = tpu.vector_load %arg13[%swap3A_141] masked %and3A {strides = array<i32>} : memref<32xi32, #tpu.memory_space<vmem>>, vector<16xi32>, vector<16xi1>
            tpu.vector_store %arg13[%swap3A_141], %add3A_140 masked %and3A {strides = array<i32>} : memref<32xi32, #tpu.memory_space<vmem>>, vector<16xi32>, vector<16xi1>
            %while3A_143 = arith.constant 0 : i32
            %while3A_144 = arith.constant 0 : i32
            %while3A_145 = arith.subi %squeeze3A, %while3A_144 : i32
            %while3A_146 = arith.addi %while3A_144, %while3A_145 : i32
            %while3A_147 = arith.constant 1 : i32
            %while3A_148 = arith.divsi %while3A_145, %while3A_147 : i32
            %while3A_149 = arith.muli %while3A_148, %while3A_147 : i32
            %while3A_150 = arith.addi %while3A_144, %while3A_149 : i32
            %while3A_151 = arith.constant 1 : i32
            scf.for %while3A_153 = %while3A_144 to %while3A_150 step %while3A_151  : i32 {
              %get3A_154 = arith.index_cast %while3A_153 : i32 to index
              %get3A_155 = tpu.vector_load %arg12[%get3A_154] {strides = array<i32>} : memref<32xi32, #tpu.memory_space<vmem>>, vector<16xi32>,
              %slice3A_156 = vector.extract_strided_slice %get3A_155 {offsets = [0], sizes = [1], strides = [1]} : vector<16xi32> to vector<1xi32>
              %squeeze3A_157 = vector.extract %slice3A_156[0] : i32 from vector<1xi32>
              %get3A_158 = arith.index_cast %while3A_153 : i32 to index
              %get3A_159 = tpu.vector_load %arg13[%get3A_158] {strides = array<i32>} : memref<32xi32, #tpu.memory_space<vmem>>, vector<16xi32>,
              %slice3A_160 = vector.extract_strided_slice %get3A_159 {offsets = [0], sizes = [1], strides = [1]} : vector<16xi32> to vector<1xi32>
              %squeeze3A_161 = vector.extract %slice3A_160[0] : i32 from vector<1xi32>
              %sub3A = arith.constant 999936 : i32
              %sub3A_162 = arith.subi %squeeze3A_157, %sub3A : i32
              %broadcast_in_dim3A = arith.constant 0 : i32
              %broadcast_in_dim3A_163 = vector.broadcast %broadcast_in_dim3A : i32 to vector<16xi32>
              %broadcast_in_dim3A_164 = vector.broadcast %sub3A_162 : i32 to vector<16xi32>
              %get3A_165 = arith.constant 2 : i32
              %get3A_166 = arith.index_cast %get3A_165 : i32 to index
              %get3A_167 = memref.load %arg15[%get3A_166] : memref<8xi32, #tpu.memory_space<smem>>
              %rem3A_168 = arith.constant 8 : i32
              %rem3A_169 = arith.remsi %get3A_167, %rem3A_168 : i32
              %ge3A_170 = arith.constant 8 : i32
              %ge3A_171 = arith.cmpi sge, %get3A_167, %ge3A_170 : i32
              %convert_element_type3A_172 = arith.extui %ge3A_171 : i1 to i32
              %cond3A_173 = arith.constant 0 : i32
              %cond3A_174 = arith.cmpi ne, %convert_element_type3A_172, %cond3A_173 : i32
              scf.if %cond3A_174 {
                %dma_wait3A = arith.constant 0 : i32
                %dma_wait3A_215 = arith.constant 0 : i32
                %dma_wait3A_216 = tpu.memref_slice %arg14[%dma_wait3A, %dma_wait3A_215] : memref<8x64xf32, #tpu.memory_space<vmem>> -> memref<1x64xf32, #tpu.memory_space<vmem>>
                %dma_wait3A_217 = arith.constant 0 : i32
                %dma_wait3A_218 = arith.constant 0 : i32
                %dma_wait3A_219 = tpu.memref_slice %arg5[%dma_wait3A_217, %dma_wait3A_218] : memref<49152x64xf32, #tpu.memory_space<hbm>> -> memref<1x64xf32, #tpu.memory_space<hbm>>
                %dma_wait3A_220 = arith.constant 0 : i32
                %dma_wait3A_221 = arith.constant 0 : i32
                %dma_wait3A_222 = tpu.memref_slice %arg5[%dma_wait3A_220, %dma_wait3A_221] : memref<49152x64xf32, #tpu.memory_space<hbm>> -> memref<1x64xf32, #tpu.memory_space<hbm>>
                %dma_wait3A_223 = arith.constant 0 : i32
                %dma_wait3A_224 = arith.constant 0 : i32
                %dma_wait3A_225 = tpu.memref_slice %arg14[%dma_wait3A_223, %dma_wait3A_224] : memref<8x64xf32, #tpu.memory_space<vmem>> -> memref<1x64xf32, #tpu.memory_space<vmem>>
                tpu.wait_dma2 semaphore(%arg17 : memref<!tpu.dma_semaphore, #tpu.memory_space<semaphore_mem>>) src(%dma_wait3A_225 : memref<1x64xf32, #tpu.memory_space<vmem>>) dst(%dma_wait3A_222 : memref<1x64xf32, #tpu.memory_space<hbm>>)
              } else {
              }
              %add3A_175 = arith.constant 0 : i32
              %add3A_176 = vector.broadcast %add3A_175 : i32 to vector<16xi32>
              %add3A_177 = arith.addi %iota3A, %add3A_176 : vector<16xi32>
              %gather3A = tpu.vector_load_idx %arg7[%broadcast_in_dim3A_163, %add3A_177, %broadcast_in_dim3A_164] : memref<2x64x512xf32, #tpu.memory_space<vmem>>[vector<16xi32>, vector<16xi32>, vector<16xi32>], vector<16xf32>,
              %swap3A_178 = arith.index_cast %rem3A_169 : i32 to index
              %swap3A_179 = arith.constant 0 : index
              %swap3A_180 = tpu.vector_load %arg14[%swap3A_178, %swap3A_179] {strides = array<i32>} : memref<8x64xf32, #tpu.memory_space<vmem>>, vector<16xf32>,
              tpu.vector_store %arg14[%swap3A_178, %swap3A_179], %gather3A {strides = array<i32>} : memref<8x64xf32, #tpu.memory_space<vmem>>, vector<16xf32>,
              %add3A_181 = arith.constant 16 : i32
              %add3A_182 = vector.broadcast %add3A_181 : i32 to vector<16xi32>
              %add3A_183 = arith.addi %iota3A, %add3A_182 : vector<16xi32>
              %gather3A_184 = tpu.vector_load_idx %arg7[%broadcast_in_dim3A_163, %add3A_183, %broadcast_in_dim3A_164] : memref<2x64x512xf32, #tpu.memory_space<vmem>>[vector<16xi32>, vector<16xi32>, vector<16xi32>], vector<16xf32>,
              %swap3A_185 = arith.index_cast %rem3A_169 : i32 to index
              %swap3A_186 = arith.constant 16 : index
              %swap3A_187 = tpu.vector_load %arg14[%swap3A_185, %swap3A_186] {strides = array<i32>} : memref<8x64xf32, #tpu.memory_space<vmem>>, vector<16xf32>,
              tpu.vector_store %arg14[%swap3A_185, %swap3A_186], %gather3A_184 {strides = array<i32>} : memref<8x64xf32, #tpu.memory_space<vmem>>, vector<16xf32>,
              %add3A_188 = arith.constant 32 : i32
              %add3A_189 = vector.broadcast %add3A_188 : i32 to vector<16xi32>
              %add3A_190 = arith.addi %iota3A, %add3A_189 : vector<16xi32>
              %gather3A_191 = tpu.vector_load_idx %arg7[%broadcast_in_dim3A_163, %add3A_190, %broadcast_in_dim3A_164] : memref<2x64x512xf32, #tpu.memory_space<vmem>>[vector<16xi32>, vector<16xi32>, vector<16xi32>], vector<16xf32>,
              %swap3A_192 = arith.index_cast %rem3A_169 : i32 to index
              %swap3A_193 = arith.constant 32 : index
              %swap3A_194 = tpu.vector_load %arg14[%swap3A_192, %swap3A_193] {strides = array<i32>} : memref<8x64xf32, #tpu.memory_space<vmem>>, vector<16xf32>,
              tpu.vector_store %arg14[%swap3A_192, %swap3A_193], %gather3A_191 {strides = array<i32>} : memref<8x64xf32, #tpu.memory_space<vmem>>, vector<16xf32>,
              %add3A_195 = arith.constant 48 : i32
              %add3A_196 = vector.broadcast %add3A_195 : i32 to vector<16xi32>
              %add3A_197 = arith.addi %iota3A, %add3A_196 : vector<16xi32>
              %gather3A_198 = tpu.vector_load_idx %arg7[%broadcast_in_dim3A_163, %add3A_197, %broadcast_in_dim3A_164] : memref<2x64x512xf32, #tpu.memory_space<vmem>>[vector<16xi32>, vector<16xi32>, vector<16xi32>], vector<16xf32>,
              %swap3A_199 = arith.index_cast %rem3A_169 : i32 to index
              %swap3A_200 = arith.constant 48 : index
              %swap3A_201 = tpu.vector_load %arg14[%swap3A_199, %swap3A_200] {strides = array<i32>} : memref<8x64xf32, #tpu.memory_space<vmem>>, vector<16xf32>,
              tpu.vector_store %arg14[%swap3A_199, %swap3A_200], %gather3A_198 {strides = array<i32>} : memref<8x64xf32, #tpu.memory_space<vmem>>, vector<16xf32>,
              %dma_start3A_202 = arith.constant 0 : i32
              %dma_start3A_203 = tpu.memref_slice %arg14[%rem3A_169, %dma_start3A_202] : memref<8x64xf32, #tpu.memory_space<vmem>> -> memref<1x64xf32, #tpu.memory_space<vmem>>
              %dma_start3A_204 = arith.constant 0 : i32
              %dma_start3A_205 = tpu.memref_slice %arg5[%squeeze3A_161, %dma_start3A_204] : memref<49152x64xf32, #tpu.memory_space<hbm>> -> memref<1x64xf32, #tpu.memory_space<hbm>>
              %dma_start3A_206 = arith.constant 0 : i32
              %dma_start3A_207 = tpu.memref_slice %arg5[%squeeze3A_161, %dma_start3A_206] : memref<49152x64xf32, #tpu.memory_space<hbm>> -> memref<1x64xf32, #tpu.memory_space<hbm>>
              %dma_start3A_208 = arith.constant 0 : i32
              %dma_start3A_209 = tpu.memref_slice %arg14[%rem3A_169, %dma_start3A_208] : memref<8x64xf32, #tpu.memory_space<vmem>> -> memref<1x64xf32, #tpu.memory_space<vmem>>
              tpu.enqueue_dma source(%dma_start3A_209 : memref<1x64xf32, #tpu.memory_space<vmem>>) target(%dma_start3A_207 : memref<1x64xf32, #tpu.memory_space<hbm>>) target_semaphore(%arg17 : memref<!tpu.dma_semaphore, #tpu.memory_space<semaphore_mem>>)
              %add3A_210 = arith.constant 1 : i32
              %add3A_211 = arith.addi %get3A_167, %add3A_210 : i32
              %swap3A_212 = arith.constant 2 : i32
              %swap3A_213 = arith.index_cast %swap3A_212 : i32 to index
              %swap3A_214 = memref.load %arg15[%swap3A_213] : memref<8xi32, #tpu.memory_space<smem>>
              memref.store %add3A_211, %arg15[%swap3A_213] : memref<8xi32, #tpu.memory_space<smem>>
            }
            %while3A_152 = arith.constant 1 : i32
            scf.for %while3A_153 = %while3A_150 to %while3A_146 step %while3A_152  : i32 {
              %get3A_154 = arith.index_cast %while3A_153 : i32 to index
              %get3A_155 = tpu.vector_load %arg12[%get3A_154] {strides = array<i32>} : memref<32xi32, #tpu.memory_space<vmem>>, vector<16xi32>,
              %slice3A_156 = vector.extract_strided_slice %get3A_155 {offsets = [0], sizes = [1], strides = [1]} : vector<16xi32> to vector<1xi32>
              %squeeze3A_157 = vector.extract %slice3A_156[0] : i32 from vector<1xi32>
              %get3A_158 = arith.index_cast %while3A_153 : i32 to index
              %get3A_159 = tpu.vector_load %arg13[%get3A_158] {strides = array<i32>} : memref<32xi32, #tpu.memory_space<vmem>>, vector<16xi32>,
              %slice3A_160 = vector.extract_strided_slice %get3A_159 {offsets = [0], sizes = [1], strides = [1]} : vector<16xi32> to vector<1xi32>
              %squeeze3A_161 = vector.extract %slice3A_160[0] : i32 from vector<1xi32>
              %sub3A = arith.constant 999936 : i32
              %sub3A_162 = arith.subi %squeeze3A_157, %sub3A : i32
              %broadcast_in_dim3A = arith.constant 0 : i32
              %broadcast_in_dim3A_163 = vector.broadcast %broadcast_in_dim3A : i32 to vector<16xi32>
              %broadcast_in_dim3A_164 = vector.broadcast %sub3A_162 : i32 to vector<16xi32>
              %get3A_165 = arith.constant 2 : i32
              %get3A_166 = arith.index_cast %get3A_165 : i32 to index
              %get3A_167 = memref.load %arg15[%get3A_166] : memref<8xi32, #tpu.memory_space<smem>>
              %rem3A_168 = arith.constant 8 : i32
              %rem3A_169 = arith.remsi %get3A_167, %rem3A_168 : i32
              %ge3A_170 = arith.constant 8 : i32
              %ge3A_171 = arith.cmpi sge, %get3A_167, %ge3A_170 : i32
              %convert_element_type3A_172 = arith.extui %ge3A_171 : i1 to i32
              %cond3A_173 = arith.constant 0 : i32
              %cond3A_174 = arith.cmpi ne, %convert_element_type3A_172, %cond3A_173 : i32
              scf.if %cond3A_174 {
                %dma_wait3A = arith.constant 0 : i32
                %dma_wait3A_215 = arith.constant 0 : i32
                %dma_wait3A_216 = tpu.memref_slice %arg14[%dma_wait3A, %dma_wait3A_215] : memref<8x64xf32, #tpu.memory_space<vmem>> -> memref<1x64xf32, #tpu.memory_space<vmem>>
                %dma_wait3A_217 = arith.constant 0 : i32
                %dma_wait3A_218 = arith.constant 0 : i32
                %dma_wait3A_219 = tpu.memref_slice %arg5[%dma_wait3A_217, %dma_wait3A_218] : memref<49152x64xf32, #tpu.memory_space<hbm>> -> memref<1x64xf32, #tpu.memory_space<hbm>>
                %dma_wait3A_220 = arith.constant 0 : i32
                %dma_wait3A_221 = arith.constant 0 : i32
                %dma_wait3A_222 = tpu.memref_slice %arg5[%dma_wait3A_220, %dma_wait3A_221] : memref<49152x64xf32, #tpu.memory_space<hbm>> -> memref<1x64xf32, #tpu.memory_space<hbm>>
                %dma_wait3A_223 = arith.constant 0 : i32
                %dma_wait3A_224 = arith.constant 0 : i32
                %dma_wait3A_225 = tpu.memref_slice %arg14[%dma_wait3A_223, %dma_wait3A_224] : memref<8x64xf32, #tpu.memory_space<vmem>> -> memref<1x64xf32, #tpu.memory_space<vmem>>
                tpu.wait_dma2 semaphore(%arg17 : memref<!tpu.dma_semaphore, #tpu.memory_space<semaphore_mem>>) src(%dma_wait3A_225 : memref<1x64xf32, #tpu.memory_space<vmem>>) dst(%dma_wait3A_222 : memref<1x64xf32, #tpu.memory_space<hbm>>)
              } else {
              }
              %add3A_175 = arith.constant 0 : i32
              %add3A_176 = vector.broadcast %add3A_175 : i32 to vector<16xi32>
              %add3A_177 = arith.addi %iota3A, %add3A_176 : vector<16xi32>
              %gather3A = tpu.vector_load_idx %arg7[%broadcast_in_dim3A_163, %add3A_177, %broadcast_in_dim3A_164] : memref<2x64x512xf32, #tpu.memory_space<vmem>>[vector<16xi32>, vector<16xi32>, vector<16xi32>], vector<16xf32>,
              %swap3A_178 = arith.index_cast %rem3A_169 : i32 to index
              %swap3A_179 = arith.constant 0 : index
              %swap3A_180 = tpu.vector_load %arg14[%swap3A_178, %swap3A_179] {strides = array<i32>} : memref<8x64xf32, #tpu.memory_space<vmem>>, vector<16xf32>,
              tpu.vector_store %arg14[%swap3A_178, %swap3A_179], %gather3A {strides = array<i32>} : memref<8x64xf32, #tpu.memory_space<vmem>>, vector<16xf32>,
              %add3A_181 = arith.constant 16 : i32
              %add3A_182 = vector.broadcast %add3A_181 : i32 to vector<16xi32>
              %add3A_183 = arith.addi %iota3A, %add3A_182 : vector<16xi32>
              %gather3A_184 = tpu.vector_load_idx %arg7[%broadcast_in_dim3A_163, %add3A_183, %broadcast_in_dim3A_164] : memref<2x64x512xf32, #tpu.memory_space<vmem>>[vector<16xi32>, vector<16xi32>, vector<16xi32>], vector<16xf32>,
              %swap3A_185 = arith.index_cast %rem3A_169 : i32 to index
              %swap3A_186 = arith.constant 16 : index
              %swap3A_187 = tpu.vector_load %arg14[%swap3A_185, %swap3A_186] {strides = array<i32>} : memref<8x64xf32, #tpu.memory_space<vmem>>, vector<16xf32>,
              tpu.vector_store %arg14[%swap3A_185, %swap3A_186], %gather3A_184 {strides = array<i32>} : memref<8x64xf32, #tpu.memory_space<vmem>>, vector<16xf32>,
              %add3A_188 = arith.constant 32 : i32
              %add3A_189 = vector.broadcast %add3A_188 : i32 to vector<16xi32>
              %add3A_190 = arith.addi %iota3A, %add3A_189 : vector<16xi32>
              %gather3A_191 = tpu.vector_load_idx %arg7[%broadcast_in_dim3A_163, %add3A_190, %broadcast_in_dim3A_164] : memref<2x64x512xf32, #tpu.memory_space<vmem>>[vector<16xi32>, vector<16xi32>, vector<16xi32>], vector<16xf32>,
              %swap3A_192 = arith.index_cast %rem3A_169 : i32 to index
              %swap3A_193 = arith.constant 32 : index
              %swap3A_194 = tpu.vector_load %arg14[%swap3A_192, %swap3A_193] {strides = array<i32>} : memref<8x64xf32, #tpu.memory_space<vmem>>, vector<16xf32>,
              tpu.vector_store %arg14[%swap3A_192, %swap3A_193], %gather3A_191 {strides = array<i32>} : memref<8x64xf32, #tpu.memory_space<vmem>>, vector<16xf32>,
              %add3A_195 = arith.constant 48 : i32
              %add3A_196 = vector.broadcast %add3A_195 : i32 to vector<16xi32>
              %add3A_197 = arith.addi %iota3A, %add3A_196 : vector<16xi32>
              %gather3A_198 = tpu.vector_load_idx %arg7[%broadcast_in_dim3A_163, %add3A_197, %broadcast_in_dim3A_164] : memref<2x64x512xf32, #tpu.memory_space<vmem>>[vector<16xi32>, vector<16xi32>, vector<16xi32>], vector<16xf32>,
              %swap3A_199 = arith.index_cast %rem3A_169 : i32 to index
              %swap3A_200 = arith.constant 48 : index
              %swap3A_201 = tpu.vector_load %arg14[%swap3A_199, %swap3A_200] {strides = array<i32>} : memref<8x64xf32, #tpu.memory_space<vmem>>, vector<16xf32>,
              tpu.vector_store %arg14[%swap3A_199, %swap3A_200], %gather3A_198 {strides = array<i32>} : memref<8x64xf32, #tpu.memory_space<vmem>>, vector<16xf32>,
              %dma_start3A_202 = arith.constant 0 : i32
              %dma_start3A_203 = tpu.memref_slice %arg14[%rem3A_169, %dma_start3A_202] : memref<8x64xf32, #tpu.memory_space<vmem>> -> memref<1x64xf32, #tpu.memory_space<vmem>>
              %dma_start3A_204 = arith.constant 0 : i32
              %dma_start3A_205 = tpu.memref_slice %arg5[%squeeze3A_161, %dma_start3A_204] : memref<49152x64xf32, #tpu.memory_space<hbm>> -> memref<1x64xf32, #tpu.memory_space<hbm>>
              %dma_start3A_206 = arith.constant 0 : i32
              %dma_start3A_207 = tpu.memref_slice %arg5[%squeeze3A_161, %dma_start3A_206] : memref<49152x64xf32, #tpu.memory_space<hbm>> -> memref<1x64xf32, #tpu.memory_space<hbm>>
              %dma_start3A_208 = arith.constant 0 : i32
              %dma_start3A_209 = tpu.memref_slice %arg14[%rem3A_169, %dma_start3A_208] : memref<8x64xf32, #tpu.memory_space<vmem>> -> memref<1x64xf32, #tpu.memory_space<vmem>>
              tpu.enqueue_dma source(%dma_start3A_209 : memref<1x64xf32, #tpu.memory_space<vmem>>) target(%dma_start3A_207 : memref<1x64xf32, #tpu.memory_space<hbm>>) target_semaphore(%arg17 : memref<!tpu.dma_semaphore, #tpu.memory_space<semaphore_mem>>)
              %add3A_210 = arith.constant 1 : i32
              %add3A_211 = arith.addi %get3A_167, %add3A_210 : i32
              %swap3A_212 = arith.constant 2 : i32
              %swap3A_213 = arith.index_cast %swap3A_212 : i32 to index
              %swap3A_214 = memref.load %arg15[%swap3A_213] : memref<8xi32, #tpu.memory_space<smem>>
              memref.store %add3A_211, %arg15[%swap3A_213] : memref<8xi32, #tpu.memory_space<smem>>
            }
          } else {
          }
        }
        %scan3A_109 = arith.constant 3072 : i32
      } else {
      }
    } else {
    }
    %get3A_79 = arith.constant 2 : i32
    %get3A_80 = arith.index_cast %get3A_79 : i32 to index
    %get3A_81 = memref.load %arg15[%get3A_80] : memref<8xi32, #tpu.memory_space<smem>>
    %min3A = arith.constant 8 : i32
    %min3A_82 = arith.minsi %get3A_81, %min3A : i32
    %while3A = arith.constant 0 : i32
    %while3A_83 = arith.constant 0 : i32
    %while3A_84 = arith.subi %min3A_82, %while3A_83 : i32
    %while3A_85 = arith.addi %while3A_83, %while3A_84 : i32
    %while3A_86 = arith.constant 1 : i32
    %while3A_87 = arith.divsi %while3A_84, %while3A_86 : i32
    %while3A_88 = arith.muli %while3A_87, %while3A_86 : i32
    %while3A_89 = arith.addi %while3A_83, %while3A_88 : i32
    %while3A_90 = arith.constant 1 : i32
    scf.for %while3A_92 = %while3A_83 to %while3A_89 step %while3A_90  : i32 {
      %dma_wait3A = arith.constant 0 : i32
      %dma_wait3A_93 = arith.constant 0 : i32
      %dma_wait3A_94 = tpu.memref_slice %arg14[%dma_wait3A, %dma_wait3A_93] : memref<8x64xf32, #tpu.memory_space<vmem>> -> memref<1x64xf32, #tpu.memory_space<vmem>>
      %dma_wait3A_95 = arith.constant 0 : i32
      %dma_wait3A_96 = arith.constant 0 : i32
      %dma_wait3A_97 = tpu.memref_slice %arg5[%dma_wait3A_95, %dma_wait3A_96] : memref<49152x64xf32, #tpu.memory_space<hbm>> -> memref<1x64xf32, #tpu.memory_space<hbm>>
      %dma_wait3A_98 = arith.constant 0 : i32
      %dma_wait3A_99 = arith.constant 0 : i32
      %dma_wait3A_100 = tpu.memref_slice %arg5[%dma_wait3A_98, %dma_wait3A_99] : memref<49152x64xf32, #tpu.memory_space<hbm>> -> memref<1x64xf32, #tpu.memory_space<hbm>>
      %dma_wait3A_101 = arith.constant 0 : i32
      %dma_wait3A_102 = arith.constant 0 : i32
      %dma_wait3A_103 = tpu.memref_slice %arg14[%dma_wait3A_101, %dma_wait3A_102] : memref<8x64xf32, #tpu.memory_space<vmem>> -> memref<1x64xf32, #tpu.memory_space<vmem>>
      tpu.wait_dma2 semaphore(%arg17 : memref<!tpu.dma_semaphore, #tpu.memory_space<semaphore_mem>>) src(%dma_wait3A_103 : memref<1x64xf32, #tpu.memory_space<vmem>>) dst(%dma_wait3A_100 : memref<1x64xf32, #tpu.memory_space<hbm>>)
    }
    %while3A_91 = arith.constant 1 : i32
    scf.for %while3A_92 = %while3A_89 to %while3A_85 step %while3A_91  : i32 {
      %dma_wait3A = arith.constant 0 : i32
      %dma_wait3A_93 = arith.constant 0 : i32
      %dma_wait3A_94 = tpu.memref_slice %arg14[%dma_wait3A, %dma_wait3A_93] : memref<8x64xf32, #tpu.memory_space<vmem>> -> memref<1x64xf32, #tpu.memory_space<vmem>>
      %dma_wait3A_95 = arith.constant 0 : i32
      %dma_wait3A_96 = arith.constant 0 : i32
      %dma_wait3A_97 = tpu.memref_slice %arg5[%dma_wait3A_95, %dma_wait3A_96] : memref<49152x64xf32, #tpu.memory_space<hbm>> -> memref<1x64xf32, #tpu.memory_space<hbm>>
      %dma_wait3A_98 = arith.constant 0 : i32
      %dma_wait3A_99 = arith.constant 0 : i32
      %dma_wait3A_100 = tpu.memref_slice %arg5[%dma_wait3A_98, %dma_wait3A_99] : memref<49152x64xf32, #tpu.memory_space<hbm>> -> memref<1x64xf32, #tpu.memory_space<hbm>>
      %dma_wait3A_101 = arith.constant 0 : i32
      %dma_wait3A_102 = arith.constant 0 : i32
      %dma_wait3A_103 = tpu.memref_slice %arg14[%dma_wait3A_101, %dma_wait3A_102] : memref<8x64xf32, #tpu.memory_space<vmem>> -> memref<1x64xf32, #tpu.memory_space<vmem>>
      tpu.wait_dma2 semaphore(%arg17 : memref<!tpu.dma_semaphore, #tpu.memory_space<semaphore_mem>>) src(%dma_wait3A_103 : memref<1x64xf32, #tpu.memory_space<vmem>>) dst(%dma_wait3A_100 : memref<1x64xf32, #tpu.memory_space<hbm>>)
    }
    return
  }
}

module attributes {stable_mosaic.version = 14 : i64} {
  func.func @_tc_body(%arg0: i32, %arg1: memref<1024x64xf32, #tpu.memory_space<vmem>>, %arg2: memref<1024x64xf32, #tpu.memory_space<vmem>>, %arg3: memref<1024x64xf32, #tpu.memory_space<vmem>>, %arg4: memref<1x1xf32, #tpu.memory_space<smem>>) attributes {dimension_semantics = [#tpu.dimension_semantics<arbitrary>], iteration_bounds = array<i64: 16>, scalar_prefetch = 0 : i64, scratch_operands = 0 : i64, tpu.core_type = #tpu.core_type<tc>, window_params = [{transform_indices = @transform_0, window_bounds = array<i64: 1024, 64>}, {transform_indices = @transform_1, window_bounds = array<i64: 1024, 64>}, {transform_indices = @transform_2, window_bounds = array<i64: 1024, 64>}, {transform_indices = @transform_3, window_bounds = array<i64: 1, 1>}]} {
    %get3A = arith.constant 0 : index
    %get3A_0 = arith.constant 0 : index
    %get3A_1 = vector.load %arg1[%get3A, %get3A_0] : memref<1024x64xf32, #tpu.memory_space<vmem>>, vector<1024x64xf32>
    %get3A_2 = arith.constant 0 : index
    %get3A_3 = arith.constant 0 : index
    %get3A_4 = vector.load %arg2[%get3A_2, %get3A_3] : memref<1024x64xf32, #tpu.memory_space<vmem>>, vector<1024x64xf32>
    %get3A_5 = arith.constant 0 : index
    %get3A_6 = arith.constant 0 : index
    %get3A_7 = vector.load %arg3[%get3A_5, %get3A_6] : memref<1024x64xf32, #tpu.memory_space<vmem>>, vector<1024x64xf32>
    %sub3A = arith.subf %get3A_7, %get3A_4 : vector<1024x64xf32>
    %mul3A = arith.mulf %get3A_1, %sub3A : vector<1024x64xf32>
    %reduce_sum3A = arith.constant dense<0.000000e+00> : vector<1024xf32>
    %reduce_sum3A_8 = vector.multi_reduction <add>, %mul3A, %reduce_sum3A [1] : vector<1024x64xf32> to vector<1024xf32>
    %broadcast_in_dim3A = vector.shape_cast %reduce_sum3A_8 : vector<1024xf32> to vector<1024x1xf32>
    %neg3A = arith.constant 0.000000e+00 : f32
    %neg3A_9 = vector.broadcast %neg3A : f32 to vector<1024x1xf32>
    %neg3A_10 = arith.subf %neg3A_9, %broadcast_in_dim3A : vector<1024x1xf32>
    %max3A = arith.constant 0.000000e+00 : f32
    %max3A_11 = vector.broadcast %max3A : f32 to vector<1024x1xf32>
    %max3A_12 = arith.maximumf %neg3A_10, %max3A_11 : vector<1024x1xf32>
    %abs3A = math.absf %neg3A_10 : vector<1024x1xf32>
    %neg3A_13 = arith.constant 0.000000e+00 : f32
    %neg3A_14 = vector.broadcast %neg3A_13 : f32 to vector<1024x1xf32>
    %neg3A_15 = arith.subf %neg3A_14, %abs3A : vector<1024x1xf32>
    %exp3A = math.exp %neg3A_15 : vector<1024x1xf32>
    %log1p3A = math.log1p %exp3A : vector<1024x1xf32>
    %add3A = arith.addf %max3A_12, %log1p3A : vector<1024x1xf32>
    %reduce_sum3A_16 = vector.shape_cast %add3A : vector<1024x1xf32> to vector<1x1024x1xf32>
    %reduce_sum3A_17 = arith.constant dense<0.000000e+00> : vector<1xf32>
    %reduce_sum3A_18 = vector.multi_reduction <add>, %reduce_sum3A_16, %reduce_sum3A_17 [1, 2] : vector<1x1024x1xf32> to vector<1xf32>
    %reduce_sum3A_19 = vector.shape_cast %reduce_sum3A_18 : vector<1xf32> to vector<1x1x1xf32>
    %reduce_sum3A_20 = vector.extract %reduce_sum3A_19[0, 0, 0] : f32 from vector<1x1x1xf32>
    %mul3A_21 = arith.mulf %get3A_1, %get3A_1 : vector<1024x64xf32>
    %reduce_sum3A_22 = vector.shape_cast %mul3A_21 : vector<1024x64xf32> to vector<1x1024x64xf32>
    %reduce_sum3A_23 = arith.constant dense<0.000000e+00> : vector<1xf32>
    %reduce_sum3A_24 = vector.multi_reduction <add>, %reduce_sum3A_22, %reduce_sum3A_23 [1, 2] : vector<1x1024x64xf32> to vector<1xf32>
    %reduce_sum3A_25 = vector.shape_cast %reduce_sum3A_24 : vector<1xf32> to vector<1x1x1xf32>
    %reduce_sum3A_26 = vector.extract %reduce_sum3A_25[0, 0, 0] : f32 from vector<1x1x1xf32>
    %mul3A_27 = arith.mulf %get3A_4, %get3A_4 : vector<1024x64xf32>
    %reduce_sum3A_28 = vector.shape_cast %mul3A_27 : vector<1024x64xf32> to vector<1x1024x64xf32>
    %reduce_sum3A_29 = arith.constant dense<0.000000e+00> : vector<1xf32>
    %reduce_sum3A_30 = vector.multi_reduction <add>, %reduce_sum3A_28, %reduce_sum3A_29 [1, 2] : vector<1x1024x64xf32> to vector<1xf32>
    %reduce_sum3A_31 = vector.shape_cast %reduce_sum3A_30 : vector<1xf32> to vector<1x1x1xf32>
    %reduce_sum3A_32 = vector.extract %reduce_sum3A_31[0, 0, 0] : f32 from vector<1x1x1xf32>
    %add3A_33 = arith.addf %reduce_sum3A_26, %reduce_sum3A_32 : f32
    %mul3A_34 = arith.mulf %get3A_7, %get3A_7 : vector<1024x64xf32>
    %reduce_sum3A_35 = vector.shape_cast %mul3A_34 : vector<1024x64xf32> to vector<1x1024x64xf32>
    %reduce_sum3A_36 = arith.constant dense<0.000000e+00> : vector<1xf32>
    %reduce_sum3A_37 = vector.multi_reduction <add>, %reduce_sum3A_35, %reduce_sum3A_36 [1, 2] : vector<1x1024x64xf32> to vector<1xf32>
    %reduce_sum3A_38 = vector.shape_cast %reduce_sum3A_37 : vector<1xf32> to vector<1x1x1xf32>
    %reduce_sum3A_39 = vector.extract %reduce_sum3A_38[0, 0, 0] : f32 from vector<1x1x1xf32>
    %add3A_40 = arith.addf %add3A_33, %reduce_sum3A_39 : f32
    %mul3A_41 = arith.constant 6.10351563E-5 : f32
    %mul3A_42 = arith.mulf %reduce_sum3A_20, %mul3A_41 : f32
    %mul3A_43 = arith.constant 1.52587887E-7 : f32
    %mul3A_44 = arith.mulf %mul3A_43, %add3A_40 : f32
    %add3A_45 = arith.addf %mul3A_42, %mul3A_44 : f32
    %eq3A = arith.constant 0 : i32
    %eq3A_46 = arith.cmpi eq, %arg0, %eq3A : i32
    %convert_element_type3A = arith.extui %eq3A_46 : i1 to i32
    %cond3A = arith.constant 0 : i32
    %cond3A_47 = arith.cmpi ne, %convert_element_type3A, %cond3A : i32
    scf.if %cond3A_47 {
      %swap3A_54 = arith.constant 0.000000e+00 : f32
      %swap3A_55 = arith.constant 0 : index
      %swap3A_56 = arith.constant 0 : index
      %swap3A_57 = memref.load %arg4[%swap3A_55, %swap3A_56] : memref<1x1xf32, #tpu.memory_space<smem>>
      memref.store %swap3A_54, %arg4[%swap3A_55, %swap3A_56] : memref<1x1xf32, #tpu.memory_space<smem>>
    } else {
    }
    %get3A_48 = arith.constant 0 : index
    %get3A_49 = arith.constant 0 : index
    %get3A_50 = memref.load %arg4[%get3A_48, %get3A_49] : memref<1x1xf32, #tpu.memory_space<smem>>
    %add3A_51 = arith.addf %get3A_50, %add3A_45 : f32
    %swap3A = arith.constant 0 : index
    %swap3A_52 = arith.constant 0 : index
    %swap3A_53 = memref.load %arg4[%swap3A, %swap3A_52] : memref<1x1xf32, #tpu.memory_space<smem>>
    memref.store %add3A_51, %arg4[%swap3A, %swap3A_52] : memref<1x1xf32, #tpu.memory_space<smem>>
    return
  }
  func.func @transform_0(%arg0: i32) -> (i32, i32) {
    %c0_i32 = arith.constant 0 : i32
    %c0_i32_0 = arith.constant 0 : i32
    return %arg0, %c0_i32 : i32, i32
  }
  func.func @transform_1(%arg0: i32) -> (i32, i32) {
    %add3A = arith.constant 16 : i32
    %add3A_0 = arith.addi %arg0, %add3A : i32
    %c0_i32 = arith.constant 0 : i32
    %c0_i32_1 = arith.constant 0 : i32
    return %add3A_0, %c0_i32 : i32, i32
  }
  func.func @transform_2(%arg0: i32) -> (i32, i32) {
    %add3A = arith.constant 32 : i32
    %add3A_0 = arith.addi %arg0, %add3A : i32
    %c0_i32 = arith.constant 0 : i32
    %c0_i32_1 = arith.constant 0 : i32
    return %add3A_0, %c0_i32 : i32, i32
  }
  func.func @transform_3(%arg0: i32) -> (i32, i32) {
    %c0_i32 = arith.constant 0 : i32
    %c0_i32_0 = arith.constant 0 : i32
    %c0_i32_1 = arith.constant 0 : i32
    return %c0_i32, %c0_i32_0 : i32, i32
  }
}

</mosaic_0001>

<sc_bundles>
// kernel: kernel.4.cloned.1.call-start
scs
__scs_entry_jumppad:
0x0: {  	(pc) =	sbr.rel $0x88, $3  }
0x1: {  	(tag) =	ssettag $0x0;
	lr =	simm.s32 $0x1  }
0x2: {  	[smem:$0x3F9D] =	sst lr;
	_ =	strace $0xD0000000  }
0x3: {  	_ = 	snop  }
0x4: {  	_ = 	snop  }
0x5: {  	_ = 	snop  }
0x6: {  	_ = 	snop  }
0x7: {  	_ = 	snop  }
__scs_overlays_trampoline_lowered:
0x8: {  	[smem:$0x3FAC] =	sst s0  }
0x9: {  	[smem:$0x3FAD] =	sst s1  }
0xa: {  	[smem:$0x3FAE] =	sst s2  }
0xb: {  	[smem:$0x3FAF] =	sst s3  }
0xc: {  	[smem:$0x3FB0] =	sst s4  }
0xd: {  	[smem:$0x3FB1] =	sst s5  }
0xe: {  	[smem:$0x3FB2] =	sst s6  }
0xf: {  	[smem:$0x3FB3] =	sst s7  }
0x10: {  	[smem:$0x3FB4] =	sst s8  }
0x11: {  	[smem:$0x3FB5] =	sst s9;
	s0 =	simm.s32 @!p0 $0x0  }
0x12: {  	s1 =	sld [smem:$0x3F9B];
	s0 =	simm.s32 @p0 $0x1  }
0x13: {  	[smem:$0x3FB6] =	sst s0;
	s0 =	simm.s32 @!p1 $0x0  }
0x14: {  	s2 =	sld [smem:$0x3F9A];
	s0 =	simm.s32 @p1 $0x1  }
0x15: {  	[smem:$0x3FB7] =	sst s0;
	s0 =	simm.s32 @!p2 $0x0  }
0x16: {  	s3 =	sld [smem:$0x3FDB];
	s0 =	simm.s32 @p2 $0x1  }
0x17: {  	s4 =	simm.s32 $0x1BF5;
	[smem:$0x3FB9] =	sst s0  }
0x18: {  	s0 =	sld [smem:$0x3F9C];
	_ =	swait.ge [sflag:s4], $0x0  }
0x19: {  	s7 =	sld [smem:$0x3F9D]  }
0x1a: {  	s8 =	sadd.s32 $0xFFFFE003, lr  }
0x1b: {  	s9 =	sadd.s32 $0xFFFFFEF7, lr;
	s5 =	simm.s32 $0xFFFFFFFF;
	p2 =	slt.u32 s8, $0xFFFFF086  }
0x1c: {  	p1 =	slt.u32 s9, $0xF7A;
	s5 =	simm.s32 @!p2 $0x0  }
0x1d: {  	s5 =	simm.s32 @p1 $0x1;
	p0 =	seq.s32 s7, s2  }
0x1e: {  	s7 =	smul.u32 @!p0 $0xF7A, s2;
	p2 =	seq.s32 @!p0 s5, $0x0  }
0x1f: {  	s9 =	smul.u32 $0xF7A, s1;
	s8 =	simm.s32 @!p0 $0x1BF5;
	p2 =	por !p2, p0  }
0x20: {  	[sflag:s8] =	ssyncset.s32 @!p0 $0xFFFFF086;
	s6 =	sadd.s32 @!p0 s3, s7;
	s7 =	simm.s32 @!p0 $0x108  }
0x21: {  	s3 =	sadd.s32 s3, s9;
	s6 =	sadd.s32 @!p0 $0x88, s6;
	s7 =	simm.s32 @p2 $0x1082  }
0x22: {  	[simem:s7], [sflag:s8] =	dma.local @!p0 [hbm:s6], $0xF7A  }
0x23: {  	s9 =	sor.u32 $0xD0000000, s2;
	s6 =	simm.s32 $0x108;
	_ =	swait.ge @!p0 [sflag:s8], $0x0  }
0x24: {  	s3 =	sadd.s32 $0x88, s3;
	s6 =	simm.s32 @!p1 $0x1082;
	[sflag:s4] =	ssyncset.s32 $0xFFFFF086  }
0x25: {  	[simem:s6], [sflag:s4] =	dma.local [hbm:s3], $0xF7A  }
0x26: {  	[smem:$0x3F9D] =	sst s1;
	(tag) =	ssettag s2;
	_ =	strace s9  }
0x27: {  	s1 =	sld [smem:$0x3FAD]  }
0x28: {  	s2 =	sld [smem:$0x3FAE]  }
0x29: {  	s4 =	sld [smem:$0x3FB0]  }
0x2a: {  	p0 =	seq.s32 s5, $0x0;
	s5 =	sld [smem:$0x3FB1]  }
0x2b: {  	s6 =	sld [smem:$0x3FB2]  }
0x2c: {  	s7 =	sld [smem:$0x3FB3]  }
0x2d: {  	s3 =	simm.s32 $0x108;
	s8 =	sld [smem:$0x3FB4]  }
0x2e: {  	s3 =	simm.s32 @!p0 $0x1082;
	s9 =	sld [smem:$0x3FB5]  }
0x2f: {  	lr =	sadd.s32 s0, s3;
	s0 =	sld [smem:$0x3FAC]  }
0x30: {  	s3 =	sld [smem:$0x3FAF]  }
0x31: {  	[smem:$0x3FB8] =	sst s10  }
0x32: {  	s10 =	sld [smem:$0x3FB6];
	_ =	sdelay $0x3  }
0x33: {  	p0 =	seq.s32 s10, $0x1;
	s10 =	sld [smem:$0x3FB8];
	_ =	sdelay $0x3  }
0x34: {  	[smem:$0x3FB8] =	sst s10  }
0x35: {  	s10 =	sld [smem:$0x3FB7];
	_ =	sdelay $0x3  }
0x36: {  	p1 =	seq.s32 s10, $0x1;
	s10 =	sld [smem:$0x3FB8];
	_ =	sdelay $0x3  }
0x37: {  	[smem:$0x3FB8] =	sst s10  }
0x38: {  	s10 =	sld [smem:$0x3FB9]  }
0x39: {  	_ = 	snop;
	(pc) =	sbr.ind lr, $3  }
0x3a: {  	_ = 	snop  }
0x3b: {  	_ = 	snop  }
0x3c: {  	p2 =	seq.s32 s10, $0x1;
	s10 =	sld [smem:$0x3FB8]  }
0x3d: {  	_ =	shalt  }
0x3e: {  	_ =	shalt  }
0x3f: {  	_ =	shalt  }
0x40: {  	_ =	shalt  }
0x41: {  	_ =	shalt  }
0x42: {  	_ =	shalt  }
0x43: {  	_ =	shalt  }
0x44: {  	_ =	shalt  }
0x45: {  	_ =	shalt  }
0x46: {  	_ =	shalt  }
0x47: {  	_ =	shalt  }
0x48: {  	_ =	shalt  }
0x49: {  	_ =	shalt  }
0x4a: {  	_ =	shalt  }
0x4b: {  	_ =	shalt  }
0x4c: {  	_ =	shalt  }
0x4d: {  	_ =	shalt  }
0x4e: {  	_ =	shalt  }
0x4f: {  	_ =	shalt  }
0x50: {  	_ =	shalt  }
0x51: {  	_ =	shalt  }
0x52: {  	_ =	shalt  }
0x53: {  	_ =	shalt  }
0x54: {  	_ =	shalt  }
0x55: {  	_ =	shalt  }
0x56: {  	_ =	shalt  }
0x57: {  	_ =	shalt  }
0x58: {  	_ =	shalt  }
0x59: {  	_ =	shalt  }
0x5a: {  	_ =	shalt  }
0x5b: {  	_ =	shalt  }
0x5c: {  	_ =	shalt  }
0x5d: {  	_ =	shalt  }
0x5e: {  	_ =	shalt  }
0x5f: {  	_ =	shalt  }
0x60: {  	_ =	shalt  }
0x61: {  	_ =	shalt  }
0x62: {  	_ =	shalt  }
0x63: {  	_ =	shalt  }
0x64: {  	_ =	shalt  }
0x65: {  	_ =	shalt  }
0x66: {  	_ =	shalt  }
0x67: {  	_ =	shalt  }
0x68: {  	_ =	shalt  }
0x69: {  	_ =	shalt  }
0x6a: {  	_ =	shalt  }
0x6b: {  	_ =	shalt  }
0x6c: {  	_ =	shalt  }
0x6d: {  	_ =	shalt  }
0x6e: {  	_ =	shalt  }
0x6f: {  	_ =	shalt  }
0x70: {  	_ =	shalt  }
0x71: {  	_ =	shalt  }
0x72: {  	_ =	shalt  }
0x73: {  	_ =	shalt  }
0x74: {  	_ =	shalt  }
0x75: {  	_ =	shalt  }
0x76: {  	_ =	shalt  }
0x77: {  	_ =	shalt  }
0x78: {  	_ =	shalt  }
0x79: {  	_ =	shalt  }
0x7a: {  	_ =	shalt  }
0x7b: {  	_ =	shalt  }
0x7c: {  	_ =	shalt  }
0x7d: {  	_ =	shalt  }
0x7e: {  	_ =	shalt  }
0x7f: {  	_ =	shalt  }
0x80: {  	_ =	shalt  }
0x81: {  	_ =	shalt  }
0x82: {  	_ =	shalt  }
0x83: {  	_ =	shalt  }
0x84: {  	_ =	shalt  }
0x85: {  	_ =	shalt  }
0x86: {  	_ =	shalt  }
0x87: {  	_ =	shalt  }
.Lfunc_end0:
.L_simem_size_0:
called_computation_lowered:
.L_overlay_start_0:
0x88: {  	s2 =	sld [smem:$0x3FD9]  }
0x89: {  	s3 =	sld [smem:$0x3FFE];
	_ =	sdelay $0x1  }
0x8a: {  	s1 =	srdreg.scid  }
0x8b: {  	s0 =	sand.u32 $0x1, s1  }
0x8c: {  	s17 =	sshll.u32 s0, $0xA;
	s2 =	sadd.s32 s3, s2  }
0x8d: {  	s2 =	sadd.s32 s2, s17  }
0x8e: {  	[smem:$0x3FC4] =	sst s2  }
0x8f: {  	_ = 	snop  }
0x90: {  	s2 =	sld [smem:$0x3FC6];
	(tm) =	ssettm $0x1  }
0x91: {  	s18 =	sld [smem:$0x3FFB];
	_ =	sdelay $0x3  }
0x92: {  	_ =	strace s18  }
0x93: {  	s3 =	sld [smem:$0x3FFC];
	_ =	sdelay $0x3  }
0x94: {  	_ =	strace s3  }
0x95: {  	s3 =	sld [smem:$0x3FFD];
	_ =	sdelay $0x3  }
0x96: {  	_ =	strace s3  }
0x97: {  	_ =	strace $0x8FFFFFFF  }
0x98: {  	s19 =	sld [smem:$0x3FDB];
	_ =	sdelay $0x1  }
0x99: {  	s4 =	simm.s32 $_scs_section_size  }
0x9a: {  	s5 =	simm.s32 $_size__tile_overlayer_lowered;
	s6 =	simm.s32 $_tile_overlayer_lowered  }
0x9b: {  	s22 =	simm.s32 $0x1BFF;
	s21 =	sshll.u32 s6, $0x1;
	s3 =	sadd.s32 s4, s19  }
0x9c: {  	s7 =	simm.s32 $0x0;
	s20 =	sshll.u32 s5, $0x1;
	s5 =	sadd.s32 s21, s3  }
0x9d: {  	[timem:s7], [sflag:s22] =	dma.local [hbm:s5], s20  }
0x9e: {  	_ =	swait.ge [sflag:s22], s20  }
0x9f: {  	s4 =	ssub.s32 $0x0, s20;
	[sflag:s22] =	ssyncset.done $0x0  }
0xa0: {  	[sflag:s22] =	ssyncadd.s32 s4;
	_ =	sdelay $0x1  }
0xa1: {  	s23 =	simm.s32 $0x1B8B  }
0xa2: {  	_ =	swait.ge [sflag:s23], $0x1  }
0xa3: {  	[sflag:s23] =	ssyncset.done $0x0  }
0xa4: {  	s25 =	simm.s32 $0x1B8E;
	s24 =	sld [smem:$0x3FFE];
	[sflag:s23] =	ssyncadd.s32 $0xFFFFFFFF  }
0xa5: {  	s26 =	simm.s32 $execute0_lowered;
	[smem:$0x3FD2] =	sst s25  }
0xa6: {  	s5 =	sshll.u32 s26, $0x1;
	_ =	strace $0x80000046;
	[dreg:$0x1] =	wrdreg $0xFFFFFFFF  }
0xa7: {  	s28 =	simm.s32 $_size_execute0_lowered;
	s3 =	sadd.s32 s3, s5;
	[dreg:$0x0] =	wrdreg $0x0  }
0xa8: {  	s5 =	sshll.u32 s28, $0x1;
	[dreg:$0x2] =	wrdreg s3  }
0xa9: {  	[dreg:$0x3] =	wrdreg s5  }
0xaa: {  	[dreg:$0x4] =	wrdreg $0xC0  }
0xab: {  	_ =	task [dreg:s7], $0x5FFFF  }
0xac: {  	[dreg:$0x1] =	wrdreg $0xFFFFFFFF  }
0xad: {  	[dreg:$0x0] =	wrdreg $0x60  }
0xae: {  	[dreg:$0x2] =	wrdreg s24  }
0xaf: {  	[dreg:$0x3] =	wrdreg s2  }
0xb0: {  	[dreg:$0x4] =	wrdreg $0x9  }
0xb1: {  	_ =	task.clear_ibuf [dreg:s7], $0x5FFFF;
	_ =	strace $0x90000046  }
0xb2: {  	s29 =	simm.s32 $0x9;
	_ =	strace $0x80000048  }
0xb3: {  	_ =	swait.ge [sflag:s29], $0x1  }
0xb4: {  	[sflag:s29] =	ssyncadd.s32 $0xFFFFFFFF  }
0xb5: {  	_ =	strace $0x90000048  }
0xb6: {  	_ =	sfence  }
0xb7: {  	s30 =	sld [smem:$0x0];
	_ =	sdelay $0x2  }
0xb8: {  	s31 =	sshll.u32 s1, $0xD;
	s1 =	sshrl.u32 s1, $0x2  }
0xb9: {  	s3 =	sand.u32 $0x4000, s31;
	s1 =	sadd.s32 s1, s30  }
0xba: {  	s0 =	sor.u32 s3, s0;
	s1 =	sshll.u32 s1, $0x11  }
0xbb: {  	s0 =	sor.u32 s1, s0  }
0xbc: {  	s0 =	sadd.s32 $0x8F2B, s0  }
0xbd: {  	[sflag:s0] =	ssyncadd.remote.s32 $0x1  }
0xbe: {  	_ =	sfence.sel $0xFFFF  }
0xbf: {  	[dreg:$0x0] =	wrdreg $0xFFFFFFFF;
	(pc) =	sbr.abs _section_cstart, $3  }
0xc0: {  	[dreg:$0x1] =	wrdreg $0xFFFFFFFF  }
0xc1: {  	_ =	task.clear_ibuf [dreg:s7], $0x2FFFF;
	_ =	strace $0x9FFFFFFF  }
0xc2: {  	(tm) =	ssettm $0x7FFFFFFF  }
0xc3: {  	_ =	shalt  }
tec
execute0_lowered:
.L_overlay_start_1:
0x0: {  	(tag) =	ssettag $0x1  }
0x1: {  	v0 =	vimm.s32 $0x1380;
	vm14 =	vcmask $0x300  }
0x2: {  	vm13 =	vcmask $0x704;
	vm12 =	vcmask $0xB08;
	vm11 =	vcmask $0xF0C  }
0x3: {  	vm10 =	vcmask $0x1310;
	vm9 =	vcmask $0x1714;
	vm8 =	vcmask $0x1B18  }
0x4: {  	vm7 =	vcmask $0x1F1C;
	vm6 =	vcmask $0x2320;
	vm5 =	vcmask $0x2724  }
0x5: {  	vm4 =	vcmask $0x2B28;
	vm3 =	vcmask $0x2F2C;
	vm2 =	vcmask $0x3330  }
0x6: {  	vm0 =	vcmask $0x3734;
	vm1 =	vcmask $0x3B38;
	v3 =	vlaneseq.u32  }
0x7: {  	v5 =	vimm.s32 $0x3380;
	v6 =	vimm.s32 $0x5380;
	v7 =	vimm.s32 $0x7380  }
0x8: {  	v0 =	vsel vm14, $0x0, v0;
	v5 =	vsel vm14, $0x2000, v5;
	v6 =	vsel vm14, $0x4000, v6  }
0x9: {  	v7 =	vsel vm14, $0x6000, v7;
	v0 =	vsel vm13, $0x80, v0;
	v5 =	vsel vm13, $0x2080, v5  }
0xa: {  	v6 =	vsel vm13, $0x4080, v6;
	v7 =	vsel vm13, $0x6080, v7;
	v0 =	vsel vm12, $0x100, v0  }
0xb: {  	v5 =	vsel vm12, $0x2100, v5;
	v6 =	vsel vm12, $0x4100, v6;
	v7 =	vsel vm12, $0x6100, v7  }
0xc: {  	v0 =	vsel vm11, $0x180, v0;
	v5 =	vsel vm11, $0x2180, v5;
	v6 =	vsel vm11, $0x4180, v6  }
0xd: {  	v7 =	vsel vm11, $0x6180, v7;
	v0 =	vsel vm10, $0x200, v0;
	v5 =	vsel vm10, $0x2200, v5  }
0xe: {  	v6 =	vsel vm10, $0x4200, v6;
	v7 =	vsel vm10, $0x6200, v7;
	v0 =	vsel vm9, $0x280, v0  }
0xf: {  	v5 =	vsel vm9, $0x2280, v5;
	v6 =	vsel vm9, $0x4280, v6;
	v7 =	vsel vm9, $0x6280, v7  }
0x10: {  	s0 =	srdreg.scid;
	v0 =	vsel vm8, $0x300, v0;
	v5 =	vsel vm8, $0x2300, v5;
	v6 =	vsel vm8, $0x4300, v6  }
0x11: {  	s1 =	stileid.u32;
	s5 =	rddreg [dreg:$0x0];
	s3 =	simm.s32 $0x0;
	v7 =	vsel vm8, $0x6300, v7;
	v0 =	vsel vm7, $0x380, v0;
	v5 =	vsel vm7, $0x2380, v5  }
0x12: {  	s12 =	simm.s32 $0x4;
	s4 =	sand.u32 $0x1, s0;
	s26 =	sshll.u32 s1, $0x1;
	v6 =	vsel vm7, $0x4380, v6;
	v7 =	vsel vm7, $0x6380, v7;
	v0 =	vsel vm6, $0x1000, v0  }
0x13: {  	s15 =	simm.s32 $0xC000;
	s17 =	simm.s32 $0x3;
	s0 =	sor.u32 s4, s26;
	v5 =	vsel vm6, $0x3000, v5;
	v6 =	vsel vm6, $0x5000, v6;
	v7 =	vsel vm6, $0x7000, v7  }
0x14: {  	s18 =	simm.s32 $0x0;
	[smem:$0x7FF] =	sst s3;
	s28 =	smul.u32 $0x7A00, s0;
	v0 =	vsel vm5, $0x1080, v0;
	v5 =	vsel vm5, $0x3080, v5;
	v6 =	vsel vm5, $0x5080, v6  }
0x15: {  	s6 =	sadd.s32 $0x1400, s5;
	s29 =	sadd.s32 $0x400, s5;
	s4 =	ssub.s32 $0x2, s4;
	v7 =	vsel vm5, $0x7080, v7;
	v0 =	vsel vm4, $0x1100, v0;
	v5 =	vsel vm4, $0x3100, v5  }
0x16: {  	p0 =	seq.s32 s0, $0x1F;
	s7 =	smul.u32 $0x3D000, s0;
	s2 =	sadd.s32 $0x7A00, s28;
	v6 =	vsel vm4, $0x5100, v6;
	v7 =	vsel vm4, $0x7100, v7;
	v1 =	vsel vm3, $0x1180, v0  }
0x17: {  	s8 =	sshrl.u32 s4, $0x1;
	s9 =	smul.u32 $0x3D, s0;
	s2 =	simm.s32 @p0 $0xF4240;
	v0 =	vmov s28;
	v5 =	vsel vm3, $0x3180, v5;
	v6 =	vsel vm3, $0x5180, v6  }
.Ltmp0:
0x18: {  	s4 =	ssub.s32 s4, s8;
	s8 =	simm.s32 $0x3E;
	v7 =	vsel vm3, $0x7180, v7;
	v2 =	vsel vm2, $0x1200, v1;
	v1 =	vmov s2;
	(pc) =	sbr.rel .LBB2_1-.Ltmp0, $4  }
0x19: {  	s30 =	sshrl.u32 s7, $0x3;
	s8 =	simm.s32 @!p0 $0x3D;
	s2 =	rddreg [dreg:$0x1];
	v5 =	vsel vm2, $0x3200, v5;
	v6 =	vsel vm2, $0x5200, v6;
	v7 =	vsel vm2, $0x7200, v7  }
0x1a: {  	s11 =	smax.u32 s4, $0x1;
	_ =	strace $0x80000047;
	[dreg:$0x3] =	wrdreg s6;
	v4 =	vsel vm0, $0x1280, v2;
	v2 =	vimm.f32 $0.0e+00;
	v5 =	vsel vm0, $0x3280, v5  }
0x1b: {  	p0 =	sne.s32 s0, $0x1F;
	[dreg:$0x4] =	wrdreg s29;
	s31 =	sadd.s32 s2, s30;
	v6 =	vsel vm0, $0x5280, v6;
	v7 =	vsel vm0, $0x7280, v7;
	v4 =	vsel vm1, $0x1300, v4  }
0x1c: {  	s6 =	sadd.s32 $0x2C00, s5;
	s7 =	sadd.s32 s2, s28;
	s10 =	sadd.s32 $0x200, s31;
	v5 =	vsel vm1, $0x3300, v5;
	v6 =	vsel vm1, $0x5300, v6;
	v7 =	vsel vm1, $0x7300, v7  }
.LBB2_57:
0x1d: {  	[sflag:s17] =	ssyncadd.s32 $0xFFFFFF80  }
.LBB2_58:
0x1e: {  	s18 =	sadd.s32 $0x1, s18  }
0x1f: {  	p1 =	sne.s32 s18, s11  }
.Ltmp1:
0x20: {  	_ = 	snop;
	(pc) =	sbr.rel @!p1 .LBB2_59-.Ltmp1, $1  }
0x21: {  	_ =	sdelay $0x3  }
.LBB2_1:
0x22: {  	s0 =	rddreg [dreg:$0x3]  }
0x23: {  	[tilespmem:s3], [sflag:$0x4] =	stream.linear.gather [hbm4b:s0+s3], $0xC000, $0x38;
	[tilespmem:$0x1E600] =	vst v63  }
0x24: {  	s25 =	simm.s32 $0x7A1400;
	_ =	swait.ge [sflag:s12], $0xC000  }
0x25: {  	s1 =	simm.s32 $0x1000;
	s26 =	sand.u32 $0x3FE00, s3;
	[sflag:s12] =	ssyncset.done $0x0  }
0x26: {  	s28 =	sand.u32 $0x70, s3;
	s0 =	sshrl.u32 s26, $0x2;
	[sflag:s12] =	ssyncadd.s32 $0xFFFF4000  }
0x27: {  	[tilespmem:s15], [sflag:$0x1] =	stream.strided.gather [hbm4b:s7+s1], $0x8000, s25, s1, $0x38;
	[tilespmem:$0x1E600] =	vst v63  }
0x28: {  	s4 =	simm.s32 $0x14000;
	s0 =	sor.u32 s28, s0  }
0x29: {  	[tilespmem:s4], [sflag:$0x2] =	stream.strided.gather [hbm4b:s10+s1], $0x8000, s25, s1, $0x38;
	[tilespmem:$0x1E600] =	vst v63  }
0x2a: {  	v8 =	vld [tilespmem:s0+$0x0];
	_ =	sdelay $0x4  }
0x2b: {  	vm0 =	vge.s32 v8, v0;
	vm1 =	vlt.s32 v8, v1  }
0x2c: {  	vm0 =	vmand vm0, vm1  }
0x2d: {  	v9 =	vsel vm0, $0x3F800000, v2  }
0x2e: {  	(xrf0) =	vmax.scan.msk.f32 $0xffff, v9;
	_ =	sdelay $0x5  }
0x2f: {  	v9, _, _ =	vpop (xrf0)  }
0x30: {  	(v2sf) =	vpush v9, $0xF;
	_ =	sdelay $0xe  }
0x31: {  	s29 =	spop (v2sf)  }
0x32: {  	p1 =	sgt.f32 s29, $0.0e+00;
	_ =	sdelay $0x1  }
0x33: {  	v9 =	vmpcnt.ones.xlane @p1 vm0  }
0x34: {  	p2 =	por @p1 $0x0, $0x0  }
0x35: {  	s30 =	simm.s32 $0x40;
	p3 =	por p2, !p1;
	(v2sf) =	vpush @p1 v9, $0x0  }
0x36: {  	s16 =	simm.s32 $0x10;
	s0 =	sand.u32 $0x3FE00, s30;
	v9 =	vlaneseq.u32 @!p3  }
0x37: {  	s31 =	sand.u32 $0x70, s16;
	s0 =	sshrl.u32 s0, $0x2;
	[tilespmem:s3+$0x1C000] =	vst.msk @!p3 vm0, v8;
	v8 =	vor.u32 @!p3 s3, v9  }
0x38: {  	s0 =	sor.u32 s31, s0;
	[tilespmem:s3+$0x1C800] =	vst.msk @!p3 vm0, v8  }
0x39: {  	v8 =	vld [tilespmem:s0+$0x0];
	_ =	sdelay $0x4  }
0x3a: {  	vm0 =	vge.s32 v8, v0;
	vm1 =	vlt.s32 v8, v1  }
0x3b: {  	vm0 =	vmand vm0, vm1  }
0x3c: {  	[smem:$0x0] =	sst s3;
	v9 =	vsel vm0, $0x3F800000, v2  }
0x3d: {  	[smem:$0x1] =	sst s3;
	p2 =	por !p2, !p1;
	(xrf0) =	vmax.scan.msk.f32 $0xffff, v9  }
0x3e: {  	[smem:$0x2] =	sst s3;
	s1 =	simm.s32 $0x0;
	s0 =	simm.s32 @!p2 $0x1  }
0x3f: {  	s1 =	simm.s32 @!p2 $0x1;
	[smem:$0x1] =	sst @!p2 s0;
	s0 =	simm.s32 $0x0  }
0x40: {  	s20 =	simm.s32 $0x80;
	s0 =	smov.u32 @p1 s1;
	s1 =	spop @p1 (v2sf)  }
0x41: {  	s19 =	simm.s32 $0x10;
	s4 =	sadd.s32 @p1 $0x0, s1;
	s1 =	simm.s32 $0x0  }
.LBB2_2:
0x42: {  	[smem:$0x0] =	sst @p1 s4  }
0x43: {  	v9, _, _ =	vpop (xrf0);
	s1 =	smov.u32 @p1 s4;
	s4 =	smov.u32 s20;
	s20 =	sadd.s32 $0x40, s20  }
0x44: {  	p2 =	sne.s32 s20, $0x30000;
	(v2sf) =	vpush v9, $0xF;
	_ =	sdelay $0xe  }
0x45: {  	s5 =	spop (v2sf)  }
0x46: {  	p1 =	sgt.f32 s5, $0.0e+00;
	_ =	sdelay $0x1  }
0x47: {  	s16 =	sadd.s32 $0x10, s16;
	s22 =	smov.u32 s0;
	v9 =	vmpcnt.ones.xlane @p1 vm0;
	p3 =	sgt.s32 @p1 s1, $0x7F0  }
0x48: {  	s5 =	sand.u32 $0x70, s16;
	p4 =	por !p3, !p1;
	p3 =	por p3, !p1  }
0x49: {  	s4 =	sand.u32 $0x3FE00, s4;
	s21 =	simm.s32 @!p4 $0x1;
	[tilespmem:s1+$0x1C000] =	vst.msk @!p3 vm0, v8;
	v8 =	vlaneseq.u32 @!p3;
	s22 =	simm.s32 @!p4 $0x1;
	(v2sf) =	vpush @p1 v9, $0x0  }
0x4a: {  	s4 =	sshrl.u32 s4, $0x2;
	[smem:$0x1] =	sst @!p4 s21;
	v8 =	vor.u32 @!p3 s19, v8;
	s0 =	smov.u32 @p1 s22  }
0x4b: {  	s4 =	sor.u32 s5, s4;
	s19 =	smov.u32 s16;
	[tilespmem:s1+$0x1C800] =	vst.msk @!p3 vm0, v8  }
0x4c: {  	v8 =	vld [tilespmem:s4+$0x0];
	_ =	sdelay $0x4  }
0x4d: {  	vm0 =	vge.s32 v8, v0;
	vm1 =	vlt.s32 v8, v1  }
0x4e: {  	vm0 =	vmand vm0, vm1  }
0x4f: {  	v9 =	vsel vm0, $0x3F800000, v2  }
0x50: {  	(xrf0) =	vmax.scan.msk.f32 $0xffff, v9  }
.Ltmp2:
0x51: {  	(pc) =	sbr.rel @p2 .LBB2_2-.Ltmp2, $3  }
0x52: {  	_ =	sdelay $0x1  }
0x53: {  	s4 =	spop @p1 (v2sf)  }
0x54: {  	s4 =	sadd.s32 @p1 s4, s1  }
0x55: {  	v9, _, _ =	vpop (xrf0)  }
0x56: {  	(v2sf) =	vpush v9, $0xF;
	_ =	sdelay $0xe  }
0x57: {  	s5 =	spop (v2sf)  }
0x58: {  	p2 =	sgt.f32 s5, $0.0e+00;
	_ =	sdelay $0x1  }
0x59: {  	v9 =	vmpcnt.ones.xlane @p2 vm0;
	_ =	sdelay $0x1  }
0x5a: {  	(v2sf) =	vpush @p2 v9, $0x0;
	_ =	sdelay $0xb  }
0x5b: {  	s1 =	smov.u32 @p1 s4  }
0x5c: {  	p3 =	sgt.s32 @p2 s1, $0x7F0  }
0x5d: {  	p4 =	por p3, !p2  }
0x5e: {  	v9 =	vlaneseq.u32 @!p4;
	s5 =	spop @p2 (v2sf)  }
0x5f: {  	s16 =	smov.u32 s0;
	[smem:$0x0] =	sst @p1 s4;
	[tilespmem:s1+$0x1C000] =	vst.msk @!p4 vm0, v8;
	v8 =	vor.u32 @!p4 s19, v9;
	s5 =	sadd.s32 @p2 s5, s1  }
0x60: {  	s22 =	simm.s32 $0x0;
	p3 =	por !p3, !p2;
	[tilespmem:s1+$0x1C800] =	vst.msk @!p4 vm0, v8;
	s1 =	smov.u32 @p2 s5  }
.Ltmp3:
0x61: {  	s16 =	simm.s32 @!p3 $0x1;
	s20 =	sadd.s32 $0xF, s1;
	(pc) =	sbr.rel .LBB2_4-.Ltmp3, $4  }
0x62: {  	s0 =	smov.u32 @p2 s16;
	s16 =	simm.s32 @!p3 $0x1;
	s31 =	sshra.s32 s20, $0x1F  }
0x63: {  	[smem:$0x1] =	sst @!p3 s16;
	p1 =	sne.s32 s0, $0x0;
	s4 =	sshrl.u32 s31, $0x1C  }
0x64: {  	[smem:$0x0] =	sst @p2 s5;
	p2 =	slt.s32 @!p1 s20, $0x10;
	s4 =	sadd.s32 s4, s20  }
0x65: {  	s19 =	simm.s32 $0x0;
	v8 =	vmov s1;
	p2 =	por p1, p2;
	s21 =	sshra.s32 s4, $0x4  }
.LBB2_31:
0x66: {  	s22 =	sadd.s32 $0x1, s22  }
0x67: {  	p3 =	sne.s32 s22, $0x8  }
.Ltmp4:
0x68: {  	_ = 	snop;
	(pc) =	sbr.rel @!p3 .LBB2_32-.Ltmp4, $1  }
0x69: {  	_ =	sdelay $0x3  }
.LBB2_4:
.Ltmp5:
0x6a: {  	(pc) =	sbr.rel @p2 .LBB2_11-.Ltmp5, $3  }
0x6b: {  	_ =	sdelay $0x1  }
0x6c: {  	s0 =	simm.s32 @!p1 $0x0  }
0x6d: {  	s23 =	sshll.u32 s22, $0x3;
	[smem:$0x3] =	sst @!p1 s0  }
0x6e: {  	s0 =	simm.s32 $0x1C000  }
0x6f: {  	s1 =	ssub.s32 s8, s23;
	v9 =	vld [tilespmem:s0+$0x0]  }
0x70: {  	s31 =	sadd.s32 s9, s23;
	s30 =	smin.u32 s1, $0x8  }
0x71: {  	s0 =	sadd.s32 s31, s30  }
0x72: {  	s24 =	simm.s32 $0x0;
	s4 =	sadd.s32 $0xFFFFFFFF, s21;
	s0 =	sshll.u32 s0, $0x9  }
0x73: {  	s1 =	sshll.u32 s31, $0x9;
	v12 =	vor.u32 s24, v3;
	p4 =	sne.s32 s4, $0x0;
	v10 =	vmov s0  }
.Ltmp6:
0x74: {  	v11 =	vmov s1;
	vm0 =	vlt.s32 v12, v8;
	vm1 =	vlt.s32 v9, v10;
	(pc) =	sbr.rel @!p4 .LBB2_6-.Ltmp6, $4  }
0x75: {  	vm2 =	vge.s32 v9, v11;
	vm0 =	vmand vm0, vm1  }
0x76: {  	vm0 =	vmand vm0, vm2  }
0x77: {  	v63 =	vsel vm0, $0x3F800000, v2  }
0x78: {  	p3 =	por $0x0, $0x0;
	s0 =	simm.s32 $0x1C800;
	(xrf0) =	vmax.scan.msk.f32 $0xffff, v63  }
0x79: {  	_ =	sdelay $0x4  }
0x7a: {  	v12, _, _ =	vpop (xrf0)  }
0x7b: {  	(v2sf) =	vpush v12, $0xF;
	_ =	sdelay $0xe  }
0x7c: {  	s1 =	spop (v2sf)  }
0x7d: {  	p4 =	sgt.f32 s1, $0.0e+00;
	_ =	sdelay $0x1  }
0x7e: {  	v12 =	vmpcnt.ones.xlane @p4 vm0;
	_ =	sdelay $0x1  }
0x7f: {  	(v2sf) =	vpush @p4 v12, $0x0;
	v12 =	vld @p4 [tilespmem:s0+$0x0];
	_ =	sdelay $0x3  }
0x80: {  	[tilespmem:s24+$0x1D000] =	vst.msk @p4 vm0, v9  }
0x81: {  	s1 =	simm.s32 $0x1C010;
	[tilespmem:s24+$0x1D880] =	vst.msk @p4 vm0, v12  }
0x82: {  	v9 =	vld [tilespmem:s1+$0x0];
	_ =	sdelay $0x2  }
0x83: {  	s16 =	simm.s32 $0x10  }
0x84: {  	v62 =	vor.u32 s16, v3  }
0x85: {  	vm0 =	vlt.s32 v62, v8;
	vm1 =	vlt.s32 v9, v10  }
0x86: {  	s26 =	sadd.s32 $0xFFFFFFFF, s4;
	vm2 =	vge.s32 v9, v11;
	vm0 =	vmand vm0, vm1  }
0x87: {  	p5 =	sne.s32 s26, $0x0;
	vm0 =	vmand vm0, vm2  }
.Ltmp7:
0x88: {  	v63 =	vsel vm0, $0x3F800000, v2;
	(pc) =	sbr.rel @!p5 .LBB2_8-.Ltmp7, $3  }
0x89: {  	(xrf0) =	vmax.scan.msk.f32 $0xffff, v63;
	_ =	sdelay $0x1  }
0x8a: {  	p3 =	por $0x1, $0x1;
	s0 =	spop @p4 (v2sf)  }
0x8b: {  	s25 =	simm.s32 $0x0;
	s4 =	sadd.s32 @p4 $0x0, s0;
	s0 =	simm.s32 $0x1C810  }
.LBB2_9:
0x8c: {  	s26 =	sadd.s32 $0xFFFFFFFF, s26;
	[smem:$0x3] =	sst @p4 s4;
	s25 =	smov.u32 @p4 s4  }
0x8d: {  	p5 =	sne.s32 s26, $0x0  }
0x8e: {  	v12, _, _ =	vpop (xrf0)  }
0x8f: {  	(v2sf) =	vpush v12, $0xF;
	_ =	sdelay $0xe  }
0x90: {  	s4 =	spop (v2sf)  }
0x91: {  	p4 =	sgt.f32 s4, $0.0e+00;
	_ =	sdelay $0x1  }
0x92: {  	v12 =	vld @p4 [tilespmem:s0+$0x0];
	v13 =	vmpcnt.ones.xlane @p4 vm0  }
0x93: {  	[tilespmem:s25+$0x1D000] =	vst.msk @p4 vm0, v9  }
0x94: {  	(v2sf) =	vpush @p4 v13, $0x0;
	_ =	sdelay $0x2  }
0x95: {  	s1 =	sadd.s32 $0x10, s1;
	[tilespmem:s25+$0x1D880] =	vst.msk @p4 vm0, v12  }
0x96: {  	v9 =	vld [tilespmem:s1+$0x0];
	_ =	sdelay $0x2  }
0x97: {  	s16 =	sadd.s32 $0x10, s16  }
0x98: {  	v12 =	vor.u32 s16, v3  }
0x99: {  	vm0 =	vlt.s32 v12, v8;
	vm1 =	vlt.s32 v9, v10  }
0x9a: {  	vm2 =	vge.s32 v9, v11;
	vm0 =	vmand vm0, vm1  }
0x9b: {  	vm0 =	vmand vm0, vm2  }
.Ltmp8:
0x9c: {  	v12 =	vsel vm0, $0x3F800000, v2;
	(pc) =	sbr.rel @p5 .LBB2_9-.Ltmp8, $3  }
0x9d: {  	(xrf0) =	vmax.scan.msk.f32 $0xffff, v12;
	_ =	sdelay $0x1  }
0x9e: {  	s4 =	spop @p4 (v2sf)  }
0x9f: {  	s0 =	sadd.s32 $0x10, s0;
	s4 =	sadd.s32 @p4 s4, s25  }
.LBB2_10:
0xa0: {  	_ =	sdelay $0x1  }
0xa1: {  	v10, _, _ =	vpop (xrf0)  }
0xa2: {  	(v2sf) =	vpush v10, $0xF;
	_ =	sdelay $0xe  }
0xa3: {  	s1 =	spop (v2sf)  }
0xa4: {  	p5 =	sgt.f32 s1, $0.0e+00;
	_ =	sdelay $0x1  }
0xa5: {  	v10 =	vmpcnt.ones.xlane @p5 vm0;
	_ =	sdelay $0x1  }
0xa6: {  	(v2sf) =	vpush @p5 v10, $0x0;
	_ =	sdelay $0xb  }
0xa7: {  	v10 =	vld @p5 [tilespmem:s0+$0x0]  }
0xa8: {  	p4 =	por !p4, !p3  }
0xa9: {  	[smem:$0x3] =	sst @!p4 s4;
	s4 =	smov.u32 @p4 s25  }
0xaa: {  	s24 =	smov.u32 @p3 s4;
	s0 =	spop @p5 (v2sf)  }
0xab: {  	[tilespmem:s24+$0x1D000] =	vst.msk @p5 vm0, v9;
	s0 =	sadd.s32 @p5 s0, s24  }
0xac: {  	[tilespmem:s24+$0x1D880] =	vst.msk @p5 vm0, v10;
	[smem:$0x3] =	sst @p5 s0  }
.LBB2_11:
.Ltmp9:
0xad: {  	(pc) =	sbr.rel .LBB2_12-.Ltmp9, $2  }
0xae: {  	_ =	sdelay $0x2  }
0xaf: {  	s24 =	simm.s32 $0x0  }
.LBB2_29:
0xb0: {  	s0 =	sadd.s32 $0x2, s26  }
0xb1: {  	p3 =	sge.u32 s0, s8  }
0xb2: {  	s0 =	sadd.s32 @!p3 s9, s0  }
0xb3: {  	s0 =	sshll.u32 @!p3 s0, $0x9  }
0xb4: {  	s1 =	sadd.s32 $0xC000, s28;
	s0 =	sand.u32 @!p3 $0x1FFFFE00, s0  }
0xb5: {  	s4 =	simm.s32 @!p3 $0x1000;
	s5 =	simm.s32 @!p3 $0x7A1400;
	s0 =	sadd.s32 @!p3 s2, s0  }
0xb6: {  	[tilespmem:s1], [sflag:s25] =	stream.strided.gather @!p3 [hbm4b:s0+s4], $0x8000, s5, s4, $0x38;
	[tilespmem:$0x1E600] =	vst v63  }
.LBB2_30:
0xb7: {  	s24 =	sadd.s32 $0x1, s24  }
0xb8: {  	p3 =	sne.s32 s24, $0x8  }
.Ltmp10:
0xb9: {  	_ = 	snop;
	(pc) =	sbr.rel @!p3 .LBB2_31-.Ltmp10, $1  }
0xba: {  	_ =	sdelay $0x3  }
.LBB2_12:
0xbb: {  	s26 =	sor.u32 s23, s24  }
0xbc: {  	p3 =	sge.u32 s26, s8  }
.Ltmp11:
0xbd: {  	_ = 	snop;
	(pc) =	sbr.rel @p3 .LBB2_30-.Ltmp11, $1  }
0xbe: {  	_ =	sdelay $0x3  }
.Ltmp12:
0xbf: {  	s0 =	sand.u32 $0x1, s24;
	(pc) =	sbr.rel @!p1 .LBB2_14-.Ltmp12, $4  }
0xc0: {  	s25 =	sadd.s32 $0x1, s0  }
0xc1: {  	_ =	swait.ge [sflag:s25], $0x8000  }
0xc2: {  	s1 =	sadd.s32 s9, s26;
	[sflag:s25] =	ssyncset.done $0x0  }
0xc3: {  	s28 =	sshll.u32 s0, $0xF;
	s29 =	sshll.u32 s1, $0x9;
	[sflag:s25] =	ssyncadd.s32 $0xFFFF8000  }
.Ltmp13:
0xc4: {  	(pc) =	sbr.rel .LBB2_23-.Ltmp13, $3  }
0xc5: {  	_ =	sdelay $0x1  }
0xc6: {  	s0 =	sadd.s32 $0x200, s29;
	v9 =	vmov s29;
	v11 =	vor.u32 s28, v4;
	v12 =	vor.u32 s28, v5  }
0xc7: {  	v13 =	vor.u32 s28, v6;
	v14 =	vor.u32 s28, v7;
	s30 =	simm.s32 $0x0;
	v10 =	vmov s0  }
.LBB2_24:
0xc8: {  	s19 =	smov.u32 @p3 s19  }
.LBB2_28:
0xc9: {  	s30 =	sadd.s32 $0x1, s30  }
0xca: {  	p3 =	sne.s32 s30, $0xC00  }
.Ltmp14:
0xcb: {  	_ = 	snop;
	(pc) =	sbr.rel @!p3 .LBB2_29-.Ltmp14, $1  }
0xcc: {  	_ =	sdelay $0x3  }
.LBB2_23:
0xcd: {  	s4 =	sshll.u32 s30, $0x4  }
0xce: {  	s0 =	sand.u32 $0xFFF0, s4  }
0xcf: {  	v15 =	vld [tilespmem:s0+$0x0];
	_ =	sdelay $0x4  }
0xd0: {  	vm0 =	vge.s32 v15, v9;
	vm1 =	vlt.s32 v15, v10  }
0xd1: {  	vm0 =	vmand vm0, vm1  }
0xd2: {  	v16 =	vsel vm0, $0x3F800000, v2  }
0xd3: {  	(xrf0) =	vmax.scan.msk.f32 $0xffff, v16;
	_ =	sdelay $0x5  }
0xd4: {  	v16, _, _ =	vpop (xrf0)  }
0xd5: {  	(v2sf) =	vpush v16, $0xF;
	_ =	sdelay $0xe  }
0xd6: {  	s31 =	spop (v2sf)  }
0xd7: {  	p3 =	sgt.f32 s31, $0.0e+00;
	_ =	sdelay $0x1  }
0xd8: {  	v16 =	vmpcnt.ones.xlane @p3 vm0;
	_ =	sdelay $0x1  }
0xd9: {  	(v2sf) =	vpush @p3 v16, $0x0;
	_ =	sdelay $0xe  }
0xda: {  	s0 =	spop @p3 (v2sf)  }
0xdb: {  	p4 =	slt.s32 @p3 s0, $0x1  }
0xdc: {  	p4 =	por !p3, p4  }
.Ltmp15:
0xdd: {  	_ = 	snop;
	(pc) =	sbr.rel @p4 .LBB2_24-.Ltmp15, $4  }
0xde: {  	_ = 	snop  }
0xdf: {  	s1 =	simm.s32 @p3 $0x1E100;
	v16 =	vlaneseq.u32 @p3  }
0xe0: {  	[tilespmem:s1+$0x0] =	vst.msk @p3 vm0, v15;
	v15 =	vor.u32 @p3 s4, v16;
	s4 =	simm.s32 @p3 $0x1E180  }
0xe1: {  	[tilespmem:s4+$0x0] =	vst.msk @p3 vm0, v15  }
0xe2: {  	v15 =	vld [tilespmem:s1+$0x0];
	_ =	sdelay $0x4  }
0xe3: {  	(v2sf) =	vpush v15, $0x0  }
0xe4: {  	v15 =	vld [tilespmem:s4+$0x0];
	_ =	sdelay $0x4  }
0xe5: {  	(v2sf) =	vpush v15, $0x0;
	_ =	sdelay $0x8  }
0xe6: {  	s5 =	spop (v2sf)  }
0xe7: {  	s1 =	ssub.s32 s5, s29  }
0xe8: {  	v15 =	vmov s1  }
0xe9: {  	v16 =	vand.u32 $0x7F, v15;
	v15 =	vshll.u32 v15, $0x3  }
0xea: {  	v15 =	vand.u32 $0xFFFFFC00, v15;
	v17 =	vor.u32 v16, v11  }
0xeb: {  	p3 =	slt.s32 s19, $0x8;
	v17 =	vadd.s32 v15, v17  }
0xec: {  	s1 =	simm.s32 @!p3 $0x3;
	s13 =	spop (v2sf)  }
0xed: {  	_ =	swait.ge @!p3 [sflag:s1], $0x80  }
0xee: {  	s5 =	sshra.s32 s19, $0x1F;
	[sflag:s1] =	ssyncset.done @!p3 $0x0  }
0xef: {  	s14 =	sshrl.u32 s5, $0x1D;
	[sflag:s1] =	ssyncadd.s32 @!p3 $0xFFFFFF80  }
0xf0: {  	v18 =	vor.u32 v16, v12;
	s1 =	sadd.s32 s14, s19;
	v17 =	vld.idx.msk [tilespmem:v17+s15+$0x0], $0xffff  }
0xf1: {  	v18 =	vadd.s32 v15, v18;
	s1 =	sand.u32 $0xFFFFFFF8, s1  }
0xf2: {  	s1 =	ssub.s32 s19, s1  }
0xf3: {  	s1 =	sshll.u32 s1, $0x9  }
0xf4: {  	s16 =	sshra.s32 s1, $0x2  }
0xf5: {  	[tilespmem:s16+$0x1E200] =	vst v17  }
0xf6: {  	v63 =	vor.u32 v16, v13;
	v18 =	vld.idx.msk [tilespmem:v18+s15+$0x0], $0xffff  }
0xf7: {  	v17 =	vadd.s32 v15, v63;
	_ =	sdelay $0x3  }
0xf8: {  	[tilespmem:s16+$0x1E210] =	vst v18  }
0xf9: {  	v16 =	vor.u32 v16, v14;
	v17 =	vld.idx.msk [tilespmem:v17+s15+$0x0], $0xffff  }
0xfa: {  	v15 =	vadd.s32 v15, v16;
	_ =	sdelay $0x3  }
0xfb: {  	s1 =	sadd.s32 $0xFFFFFFFF, s0;
	[tilespmem:s16+$0x1E220] =	vst v17  }
0xfc: {  	p3 =	sne.s32 s1, $0x0;
	v15 =	vld.idx.msk [tilespmem:v15+s15+$0x0], $0xffff  }
.Ltmp16:
0xfd: {  	_ = 	snop;
	(pc) =	sbr.rel @!p3 .LBB2_27-.Ltmp16, $4  }
0xfe: {  	s31 =	sshll.u32 s13, $0x4  }
0xff: {  	s13 =	sand.u32 $0x1FFFFFF0, s31;
	s19 =	sadd.s32 $0x1, s19  }
0x100: {  	s5 =	sadd.s32 s6, s13;
	[smem:$0x2] =	sst s19  }
0x101: {  	s0 =	simm.s32 $0x1E101;
	s4 =	sadd.s32 $0x1E200, s16;
	[tilespmem:s16+$0x1E230] =	vst v15;
	s16 =	simm.s32 $0x1E181  }
.LBB2_26:
0x102: {  	[hbm4b:s5+s3] =	stream.linear.scatter [tilespmem:s4], [sflag:$0x3], $0x80, $0x38;
	[tilespmem:$0x1E600] =	vst v63  }
0x103: {  	s1 =	sadd.s32 $0xFFFFFFFF, s1;
	s5 =	smov.u32 s19;
	v15 =	vld [tilespmem:s0+$0x0]  }
0x104: {  	p3 =	sne.s32 s1, $0x0;
	v16 =	vld [tilespmem:s16+$0x0];
	_ =	sdelay $0x3  }
0x105: {  	(v2sf) =	vpush v15, $0x0  }
0x106: {  	(v2sf) =	vpush v16, $0x0;
	_ =	sdelay $0xd  }
0x107: {  	s4 =	spop (v2sf)  }
0x108: {  	s4 =	ssub.s32 s4, s29;
	s13 =	spop (v2sf)  }
0x109: {  	v15 =	vmov s4;
	s4 =	sshll.u32 s13, $0x4  }
0x10a: {  	v16 =	vand.u32 $0x7F, v15;
	v15 =	vshll.u32 v15, $0x3;
	s31 =	sand.u32 $0x1FFFFFF0, s4  }
0x10b: {  	v15 =	vand.u32 $0xFFFFFC00, v15;
	v17 =	vor.u32 v16, v11;
	v18 =	vor.u32 v16, v12  }
0x10c: {  	p4 =	slt.s32 s19, $0x8;
	v19 =	vor.u32 v16, v13;
	v17 =	vadd.s32 v15, v17;
	v18 =	vadd.s32 v15, v18  }
0x10d: {  	s4 =	simm.s32 @!p4 $0x3;
	v16 =	vor.u32 v16, v14;
	v19 =	vadd.s32 v15, v19  }
0x10e: {  	v15 =	vadd.s32 v15, v16;
	_ =	swait.ge @!p4 [sflag:s4], $0x80  }
0x10f: {  	[sflag:s4] =	ssyncset.done @!p4 $0x0  }
0x110: {  	s19 =	sadd.s32 $0x1, s19;
	s13 =	sshra.s32 s5, $0x1F;
	[sflag:s4] =	ssyncadd.s32 @!p4 $0xFFFFFF80  }
0x111: {  	s4 =	sshrl.u32 s13, $0x1D;
	v16 =	vld.idx.msk [tilespmem:v17+s15+$0x0], $0xffff;
	[smem:$0x2] =	sst s19  }
0x112: {  	s4 =	sadd.s32 s4, s5  }
0x113: {  	s4 =	sand.u32 $0xFFFFFFF8, s4  }
0x114: {  	s4 =	ssub.s32 s5, s4  }
0x115: {  	s4 =	sshll.u32 s4, $0x9  }
0x116: {  	s5 =	sshra.s32 s4, $0x2  }
0x117: {  	[tilespmem:s5+$0x1E200] =	vst v16  }
0x118: {  	v16 =	vld.idx.msk [tilespmem:v18+s15+$0x0], $0xffff;
	_ =	sdelay $0x5  }
0x119: {  	[tilespmem:s5+$0x1E210] =	vst v16  }
0x11a: {  	v16 =	vld.idx.msk [tilespmem:v19+s15+$0x0], $0xffff;
	_ =	sdelay $0x5  }
0x11b: {  	[tilespmem:s5+$0x1E220] =	vst v16  }
0x11c: {  	v15 =	vld.idx.msk [tilespmem:v15+s15+$0x0], $0xffff;
	_ =	sdelay $0x1  }
.Ltmp17:
0x11d: {  	(pc) =	sbr.rel @p3 .LBB2_26-.Ltmp17, $3  }
0x11e: {  	_ =	sdelay $0x1  }
0x11f: {  	s0 =	sadd.s32 $0x1, s0  }
0x120: {  	s16 =	sadd.s32 $0x1, s16;
	s4 =	sadd.s32 $0x1E200, s5;
	[tilespmem:s5+$0x1E230] =	vst v15;
	s5 =	sadd.s32 s6, s31  }
.LBB2_27:
.Ltmp18:
0x121: {  	(pc) =	sbr.rel .LBB2_28-.Ltmp18, $2  }
0x122: {  	_ =	sdelay $0x2  }
0x123: {  	[hbm4b:s5+s3] =	stream.linear.scatter [tilespmem:s4], [sflag:$0x3], $0x80, $0x38;
	[tilespmem:$0x1E600] =	vst v63  }
.LBB2_14:
0x124: {  	s0 =	sld [smem:$0x3];
	_ =	sdelay $0x2  }
0x125: {  	s1 =	sadd.s32 $0xF, s0  }
0x126: {  	p3 =	slt.s32 s1, $0x10  }
.Ltmp19:
0x127: {  	_ = 	snop;
	(pc) =	sbr.rel @p3 .LBB2_29-.Ltmp19, $1  }
0x128: {  	_ =	sdelay $0x3  }
.Ltmp20:
0x129: {  	(pc) =	sbr.rel .LBB2_16-.Ltmp20, $4  }
0x12a: {  	s4 =	sshra.s32 s1, $0x1F  }
0x12b: {  	v9 =	vmov s0;
	s4 =	sshrl.u32 s4, $0x1C  }
0x12c: {  	s5 =	sadd.s32 $0x200, s29;
	v10 =	vmov s29;
	v12 =	vor.u32 s28, v4;
	v13 =	vor.u32 s28, v5;
	s16 =	sadd.s32 s4, s1  }
0x12d: {  	v14 =	vor.u32 s28, v6;
	v15 =	vor.u32 s28, v7;
	s31 =	simm.s32 $0x0;
	v11 =	vmov s5;
	s30 =	sshra.s32 s16, $0x4  }
.LBB2_17:
0x12e: {  	s19 =	smov.u32 @p3 s19  }
.LBB2_21:
0x12f: {  	s31 =	sadd.s32 $0x1, s31  }
0x130: {  	p3 =	seq.s32 s31, s30  }
.Ltmp21:
0x131: {  	_ = 	snop;
	(pc) =	sbr.rel @p3 .LBB2_29-.Ltmp21, $1  }
0x132: {  	_ =	sdelay $0x3  }
.LBB2_16:
0x133: {  	s0 =	sshll.u32 s31, $0x4  }
0x134: {  	v16 =	vld [tilespmem:s0+$0x1D000];
	_ =	sdelay $0x3  }
0x135: {  	v17 =	vor.u32 s0, v3  }
0x136: {  	vm0 =	vlt.s32 v17, v9;
	vm1 =	vlt.s32 v16, v11  }
0x137: {  	vm2 =	vge.s32 v16, v10;
	vm0 =	vmand vm0, vm1  }
0x138: {  	vm0 =	vmand vm0, vm2  }
0x139: {  	v17 =	vsel vm0, $0x3F800000, v2  }
0x13a: {  	(xrf0) =	vmax.scan.msk.f32 $0xffff, v17;
	_ =	sdelay $0x5  }
0x13b: {  	v17, _, _ =	vpop (xrf0)  }
0x13c: {  	(v2sf) =	vpush v17, $0xF;
	_ =	sdelay $0xe  }
0x13d: {  	s1 =	spop (v2sf)  }
0x13e: {  	p3 =	sgt.f32 s1, $0.0e+00;
	_ =	sdelay $0x1  }
0x13f: {  	v17 =	vmpcnt.ones.xlane @p3 vm0;
	_ =	sdelay $0x1  }
0x140: {  	(v2sf) =	vpush @p3 v17, $0x0;
	_ =	sdelay $0xe  }
0x141: {  	v17 =	vld @p3 [tilespmem:s0+$0x1D880];
	s0 =	spop @p3 (v2sf)  }
0x142: {  	p4 =	slt.s32 @p3 s0, $0x1  }
0x143: {  	p4 =	por !p3, p4  }
.Ltmp22:
0x144: {  	_ = 	snop;
	(pc) =	sbr.rel @p4 .LBB2_17-.Ltmp22, $4  }
0x145: {  	_ = 	snop  }
0x146: {  	s1 =	simm.s32 @p3 $0x1E100  }
0x147: {  	s4 =	simm.s32 @p3 $0x1E180;
	[tilespmem:s1+$0x0] =	vst.msk @p3 vm0, v16  }
0x148: {  	[tilespmem:s4+$0x0] =	vst.msk @p3 vm0, v17  }
0x149: {  	v16 =	vld [tilespmem:s1+$0x0];
	_ =	sdelay $0x4  }
0x14a: {  	(v2sf) =	vpush v16, $0x0  }
0x14b: {  	v16 =	vld [tilespmem:s4+$0x0];
	_ =	sdelay $0x4  }
0x14c: {  	(v2sf) =	vpush v16, $0x0;
	_ =	sdelay $0x8  }
0x14d: {  	s14 =	spop (v2sf)  }
0x14e: {  	s1 =	ssub.s32 s14, s29  }
0x14f: {  	v16 =	vmov s1  }
0x150: {  	v17 =	vand.u32 $0x7F, v16;
	v16 =	vshll.u32 v16, $0x3  }
0x151: {  	v16 =	vand.u32 $0xFFFFFC00, v16;
	v18 =	vor.u32 v17, v12  }
0x152: {  	p3 =	slt.s32 s19, $0x8;
	v18 =	vadd.s32 v16, v18  }
0x153: {  	s1 =	simm.s32 @!p3 $0x3;
	s16 =	spop (v2sf)  }
0x154: {  	_ =	swait.ge @!p3 [sflag:s1], $0x80  }
0x155: {  	s5 =	sshra.s32 s19, $0x1F;
	[sflag:s1] =	ssyncset.done @!p3 $0x0  }
0x156: {  	s13 =	sshrl.u32 s5, $0x1D;
	[sflag:s1] =	ssyncadd.s32 @!p3 $0xFFFFFF80  }
0x157: {  	v19 =	vor.u32 v17, v13;
	s1 =	sadd.s32 s13, s19;
	v18 =	vld.idx.msk [tilespmem:v18+s15+$0x0], $0xffff  }
0x158: {  	v19 =	vadd.s32 v16, v19;
	s1 =	sand.u32 $0xFFFFFFF8, s1  }
0x159: {  	s1 =	ssub.s32 s19, s1  }
0x15a: {  	s1 =	sshll.u32 s1, $0x9  }
0x15b: {  	s14 =	sshra.s32 s1, $0x2  }
0x15c: {  	[tilespmem:s14+$0x1E200] =	vst v18  }
0x15d: {  	v63 =	vor.u32 v17, v14;
	v19 =	vld.idx.msk [tilespmem:v19+s15+$0x0], $0xffff  }
0x15e: {  	v18 =	vadd.s32 v16, v63;
	_ =	sdelay $0x3  }
0x15f: {  	[tilespmem:s14+$0x1E210] =	vst v19  }
0x160: {  	v17 =	vor.u32 v17, v15;
	v18 =	vld.idx.msk [tilespmem:v18+s15+$0x0], $0xffff  }
0x161: {  	v16 =	vadd.s32 v16, v17;
	_ =	sdelay $0x3  }
0x162: {  	s1 =	sadd.s32 $0xFFFFFFFF, s0;
	[tilespmem:s14+$0x1E220] =	vst v18  }
0x163: {  	p3 =	sne.s32 s1, $0x0;
	v16 =	vld.idx.msk [tilespmem:v16+s15+$0x0], $0xffff  }
.Ltmp23:
0x164: {  	_ = 	snop;
	(pc) =	sbr.rel @!p3 .LBB2_20-.Ltmp23, $4  }
0x165: {  	s16 =	sshll.u32 s16, $0x4  }
0x166: {  	s16 =	sand.u32 $0x1FFFFFF0, s16  }
0x167: {  	s5 =	sadd.s32 s6, s16;
	s16 =	simm.s32 $0x1E181;
	s19 =	sadd.s32 $0x1, s19  }
0x168: {  	[smem:$0x2] =	sst s19;
	s0 =	simm.s32 $0x1E101;
	s4 =	sadd.s32 $0x1E200, s14;
	[tilespmem:s14+$0x1E230] =	vst v16  }
.LBB2_19:
0x169: {  	[hbm4b:s5+s3] =	stream.linear.scatter [tilespmem:s4], [sflag:$0x3], $0x80, $0x38;
	[tilespmem:$0x1E600] =	vst v63  }
0x16a: {  	s1 =	sadd.s32 $0xFFFFFFFF, s1;
	s4 =	smov.u32 s19;
	v16 =	vld [tilespmem:s0+$0x0]  }
0x16b: {  	p3 =	sne.s32 s1, $0x0;
	v17 =	vld [tilespmem:s16+$0x0];
	_ =	sdelay $0x3  }
0x16c: {  	(v2sf) =	vpush v16, $0x0  }
0x16d: {  	(v2sf) =	vpush v17, $0x0;
	_ =	sdelay $0xd  }
0x16e: {  	s5 =	spop (v2sf)  }
0x16f: {  	s5 =	ssub.s32 s5, s29;
	s13 =	spop (v2sf)  }
0x170: {  	v16 =	vmov s5;
	s5 =	sshll.u32 s13, $0x4  }
0x171: {  	v17 =	vand.u32 $0x7F, v16;
	v16 =	vshll.u32 v16, $0x3;
	s5 =	sand.u32 $0x1FFFFFF0, s5  }
0x172: {  	v16 =	vand.u32 $0xFFFFFC00, v16;
	v18 =	vor.u32 v17, v12;
	v19 =	vor.u32 v17, v13  }
0x173: {  	p4 =	slt.s32 s19, $0x8;
	v20 =	vor.u32 v17, v14;
	v18 =	vadd.s32 v16, v18;
	v19 =	vadd.s32 v16, v19  }
0x174: {  	s13 =	simm.s32 @!p4 $0x3;
	v17 =	vor.u32 v17, v15;
	v20 =	vadd.s32 v16, v20  }
0x175: {  	v16 =	vadd.s32 v16, v17;
	_ =	swait.ge @!p4 [sflag:s13], $0x80  }
0x176: {  	[sflag:s13] =	ssyncset.done @!p4 $0x0  }
0x177: {  	s19 =	sadd.s32 $0x1, s19;
	s14 =	sshra.s32 s4, $0x1F;
	[sflag:s13] =	ssyncadd.s32 @!p4 $0xFFFFFF80  }
0x178: {  	s13 =	sshrl.u32 s14, $0x1D;
	v17 =	vld.idx.msk [tilespmem:v18+s15+$0x0], $0xffff;
	[smem:$0x2] =	sst s19  }
0x179: {  	s13 =	sadd.s32 s13, s4  }
0x17a: {  	s13 =	sand.u32 $0xFFFFFFF8, s13  }
0x17b: {  	s4 =	ssub.s32 s4, s13  }
0x17c: {  	s4 =	sshll.u32 s4, $0x9  }
0x17d: {  	s13 =	sshra.s32 s4, $0x2  }
0x17e: {  	[tilespmem:s13+$0x1E200] =	vst v17  }
0x17f: {  	v17 =	vld.idx.msk [tilespmem:v19+s15+$0x0], $0xffff;
	_ =	sdelay $0x5  }
0x180: {  	[tilespmem:s13+$0x1E210] =	vst v17  }
0x181: {  	v17 =	vld.idx.msk [tilespmem:v20+s15+$0x0], $0xffff;
	_ =	sdelay $0x5  }
0x182: {  	[tilespmem:s13+$0x1E220] =	vst v17  }
0x183: {  	v16 =	vld.idx.msk [tilespmem:v16+s15+$0x0], $0xffff;
	_ =	sdelay $0x1  }
.Ltmp24:
0x184: {  	(pc) =	sbr.rel @p3 .LBB2_19-.Ltmp24, $3  }
0x185: {  	_ =	sdelay $0x1  }
0x186: {  	s0 =	sadd.s32 $0x1, s0  }
0x187: {  	s16 =	sadd.s32 $0x1, s16;
	s5 =	sadd.s32 s6, s5;
	s4 =	sadd.s32 $0x1E200, s13;
	[tilespmem:s13+$0x1E230] =	vst v16  }
.LBB2_20:
.Ltmp25:
0x188: {  	(pc) =	sbr.rel .LBB2_21-.Ltmp25, $2  }
0x189: {  	_ =	sdelay $0x2  }
0x18a: {  	[hbm4b:s5+s3] =	stream.linear.scatter [tilespmem:s4], [sflag:$0x3], $0x80, $0x38;
	[tilespmem:$0x1E600] =	vst v63  }
.LBB2_6:
.Ltmp26:
0x18b: {  	(pc) =	sbr.rel .LBB2_10-.Ltmp26, $2  }
0x18c: {  	_ =	sdelay $0x2  }
0x18d: {  	s25 =	simm.s32 $0x0  }
.LBB2_8:
.Ltmp27:
0x18e: {  	(pc) =	sbr.rel .LBB2_10-.Ltmp27, $2  }
0x18f: {  	_ =	sdelay $0x2  }
0x190: {  	s25 =	simm.s32 $0x0  }
.LBB2_32:
.Ltmp28:
0x191: {  	(pc) =	sbr.rel @p0 .LBB2_54-.Ltmp28, $1  }
0x192: {  	_ =	sdelay $0x3  }
.Ltmp29:
0x193: {  	s22 =	simm.s32 $0x0;
	s0 =	rddreg [dreg:$0x4];
	(pc) =	sbr.rel @p1 .LBB2_48-.Ltmp29, $4  }
0x194: {  	[tilespmem:s15], [sflag:$0x4] =	stream.linear.gather [hbm4b:s0+s22], $0x8000, $0x38;
	[tilespmem:$0x1E600] =	vst v63  }
0x195: {  	_ =	swait.ge [sflag:s12], $0x8000  }
0x196: {  	[sflag:s12] =	ssyncset.done $0x0  }
0x197: {  	[sflag:s12] =	ssyncadd.s32 $0xFFFF8000  }
0x198: {  	p1 =	slt.s32 s20, $0x10  }
.Ltmp30:
0x199: {  	_ = 	snop;
	(pc) =	sbr.rel @p1 .LBB2_54-.Ltmp30, $3  }
0x19a: {  	_ =	sdelay $0x1  }
0x19b: {  	s22 =	simm.s32 $0x0  }
0x19c: {  	[smem:$0x3] =	sst s22  }
0x19d: {  	s0 =	simm.s32 $0x1C000  }
0x19e: {  	v9 =	vld [tilespmem:s0+$0x0];
	_ =	sdelay $0x2  }
0x19f: {  	s4 =	sadd.s32 $0xFFFFFFFF, s21  }
0x1a0: {  	p2 =	sne.s32 s4, $0x0  }
.Ltmp31:
0x1a1: {  	v10 =	vor.u32 s22, v3;
	v11 =	vand.u32 $0xFFFFFFC0, v9;
	(pc) =	sbr.rel @!p2 .LBB2_36-.Ltmp31, $4  }
0x1a2: {  	vm0 =	vlt.s32 v10, v8;
	vm1 =	veq.s32 v11, $0xF4200  }
0x1a3: {  	vm0 =	vmand vm0, vm1  }
0x1a4: {  	v10 =	vsel vm0, $0x3F800000, v2  }
0x1a5: {  	p1 =	por $0x0, $0x0;
	s0 =	simm.s32 $0x1C800;
	(xrf0) =	vmax.scan.msk.f32 $0xffff, v10  }
0x1a6: {  	_ =	sdelay $0x4  }
0x1a7: {  	v10, _, _ =	vpop (xrf0)  }
0x1a8: {  	(v2sf) =	vpush v10, $0xF;
	_ =	sdelay $0xe  }
0x1a9: {  	s1 =	spop (v2sf)  }
0x1aa: {  	p2 =	sgt.f32 s1, $0.0e+00;
	_ =	sdelay $0x1  }
0x1ab: {  	v10 =	vmpcnt.ones.xlane @p2 vm0;
	_ =	sdelay $0x1  }
0x1ac: {  	(v2sf) =	vpush @p2 v10, $0x0;
	v10 =	vld @p2 [tilespmem:s0+$0x0];
	_ =	sdelay $0x3  }
0x1ad: {  	[tilespmem:s22+$0x1D000] =	vst.msk @p2 vm0, v9  }
0x1ae: {  	s1 =	simm.s32 $0x1C010;
	[tilespmem:s22+$0x1D880] =	vst.msk @p2 vm0, v10  }
0x1af: {  	v9 =	vld [tilespmem:s1+$0x0];
	_ =	sdelay $0x3  }
0x1b0: {  	s20 =	simm.s32 $0x10  }
0x1b1: {  	v10 =	vor.u32 s20, v3;
	v11 =	vand.u32 $0xFFFFFFC0, v9  }
0x1b2: {  	s21 =	sadd.s32 $0xFFFFFFFF, s4;
	vm0 =	vlt.s32 v10, v8;
	vm1 =	veq.s32 v11, $0xF4200  }
0x1b3: {  	p3 =	sne.s32 s21, $0x0;
	vm0 =	vmand vm0, vm1  }
.Ltmp32:
0x1b4: {  	v10 =	vsel vm0, $0x3F800000, v2;
	(pc) =	sbr.rel @!p3 .LBB2_38-.Ltmp32, $3  }
0x1b5: {  	(xrf0) =	vmax.scan.msk.f32 $0xffff, v10;
	_ =	sdelay $0x1  }
0x1b6: {  	p1 =	por $0x1, $0x1;
	s0 =	spop @p2 (v2sf)  }
0x1b7: {  	s16 =	simm.s32 $0x0;
	s4 =	sadd.s32 @p2 $0x0, s0;
	s0 =	simm.s32 $0x1C810  }
.LBB2_39:
0x1b8: {  	s21 =	sadd.s32 $0xFFFFFFFF, s21;
	[smem:$0x3] =	sst @p2 s4;
	s16 =	smov.u32 @p2 s4  }
0x1b9: {  	p3 =	sne.s32 s21, $0x0  }
0x1ba: {  	v10, _, _ =	vpop (xrf0)  }
0x1bb: {  	(v2sf) =	vpush v10, $0xF;
	_ =	sdelay $0xe  }
0x1bc: {  	s4 =	spop (v2sf)  }
0x1bd: {  	p2 =	sgt.f32 s4, $0.0e+00;
	_ =	sdelay $0x1  }
0x1be: {  	v10 =	vld @p2 [tilespmem:s0+$0x0];
	v11 =	vmpcnt.ones.xlane @p2 vm0  }
0x1bf: {  	[tilespmem:s16+$0x1D000] =	vst.msk @p2 vm0, v9  }
0x1c0: {  	(v2sf) =	vpush @p2 v11, $0x0;
	_ =	sdelay $0x2  }
0x1c1: {  	s1 =	sadd.s32 $0x10, s1;
	[tilespmem:s16+$0x1D880] =	vst.msk @p2 vm0, v10  }
0x1c2: {  	v9 =	vld [tilespmem:s1+$0x0];
	_ =	sdelay $0x3  }
0x1c3: {  	s20 =	sadd.s32 $0x10, s20  }
0x1c4: {  	v10 =	vor.u32 s20, v3;
	v11 =	vand.u32 $0xFFFFFFC0, v9  }
0x1c5: {  	vm0 =	vlt.s32 v10, v8;
	vm1 =	veq.s32 v11, $0xF4200  }
0x1c6: {  	vm0 =	vmand vm0, vm1  }
.Ltmp33:
0x1c7: {  	v10 =	vsel vm0, $0x3F800000, v2;
	(pc) =	sbr.rel @p3 .LBB2_39-.Ltmp33, $3  }
0x1c8: {  	(xrf0) =	vmax.scan.msk.f32 $0xffff, v10;
	_ =	sdelay $0x1  }
0x1c9: {  	s4 =	spop @p2 (v2sf)  }
0x1ca: {  	s0 =	sadd.s32 $0x10, s0;
	s4 =	sadd.s32 @p2 s4, s16  }
.LBB2_40:
0x1cb: {  	_ =	sdelay $0x1  }
0x1cc: {  	v8, _, _ =	vpop (xrf0)  }
0x1cd: {  	(v2sf) =	vpush v8, $0xF;
	_ =	sdelay $0xe  }
0x1ce: {  	s1 =	spop (v2sf)  }
0x1cf: {  	p3 =	sgt.f32 s1, $0.0e+00;
	_ =	sdelay $0x1  }
0x1d0: {  	v8 =	vmpcnt.ones.xlane @p3 vm0;
	_ =	sdelay $0x1  }
0x1d1: {  	(v2sf) =	vpush @p3 v8, $0x0;
	_ =	sdelay $0xb  }
0x1d2: {  	v8 =	vld @p3 [tilespmem:s0+$0x0]  }
0x1d3: {  	p2 =	por !p2, !p1  }
0x1d4: {  	[smem:$0x3] =	sst @!p2 s4;
	s4 =	smov.u32 @p2 s16  }
0x1d5: {  	s22 =	smov.u32 @p1 s4;
	s0 =	spop @p3 (v2sf)  }
0x1d6: {  	[tilespmem:s22+$0x1D000] =	vst.msk @p3 vm0, v9;
	s1 =	sadd.s32 @p3 s0, s22  }
0x1d7: {  	[tilespmem:s22+$0x1D880] =	vst.msk @p3 vm0, v8;
	s22 =	smov.u32 @p3 s1  }
0x1d8: {  	s0 =	sadd.s32 $0xF, s22  }
0x1d9: {  	p1 =	slt.s32 s0, $0x10  }
.Ltmp34:
0x1da: {  	_ = 	snop;
	(pc) =	sbr.rel @p1 .LBB2_54-.Ltmp34, $2  }
0x1db: {  	_ =	sdelay $0x2  }
0x1dc: {  	[smem:$0x3] =	sst @p3 s1  }
.Ltmp35:
0x1dd: {  	(pc) =	sbr.rel .LBB2_42-.Ltmp35, $4  }
0x1de: {  	s1 =	sshra.s32 s0, $0x1F  }
0x1df: {  	s1 =	sshrl.u32 s1, $0x1C  }
0x1e0: {  	s31 =	sadd.s32 s1, s0  }
0x1e1: {  	v8 =	vmov s22;
	s21 =	simm.s32 $0x0;
	s20 =	sshra.s32 s31, $0x4  }
.LBB2_49:
0x1e2: {  	s19 =	smov.u32 @p1 s19  }
.LBB2_53:
0x1e3: {  	s22 =	sadd.s32 $0x1, s22  }
0x1e4: {  	p1 =	sne.s32 s22, $0xC00  }
.Ltmp36:
0x1e5: {  	_ = 	snop;
	(pc) =	sbr.rel @!p1 .LBB2_54-.Ltmp36, $1  }
0x1e6: {  	_ =	sdelay $0x3  }
.LBB2_48:
0x1e7: {  	s4 =	sshll.u32 s22, $0x4  }
0x1e8: {  	s0 =	sand.u32 $0xFFF0, s4  }
0x1e9: {  	v8 =	vld [tilespmem:s0+$0x0];
	_ =	sdelay $0x4  }
0x1ea: {  	v9 =	vand.u32 $0xFFFFFFC0, v8  }
0x1eb: {  	vm0 =	veq.s32 v9, $0xF4200  }
0x1ec: {  	v10 =	vsel vm0, $0x3F800000, v2  }
0x1ed: {  	(xrf0) =	vmax.scan.msk.f32 $0xffff, v10;
	_ =	sdelay $0x5  }
0x1ee: {  	v10, _, _ =	vpop (xrf0)  }
0x1ef: {  	(v2sf) =	vpush v10, $0xF;
	_ =	sdelay $0xe  }
0x1f0: {  	s31 =	spop (v2sf)  }
0x1f1: {  	p1 =	sgt.f32 s31, $0.0e+00;
	_ =	sdelay $0x1  }
0x1f2: {  	vm0 =	veq.s32 @p1 v9, $0xF4200  }
0x1f3: {  	v9 =	vmpcnt.ones.xlane @p1 vm0;
	_ =	sdelay $0x1  }
0x1f4: {  	(v2sf) =	vpush @p1 v9, $0x0;
	_ =	sdelay $0xe  }
0x1f5: {  	s0 =	spop @p1 (v2sf)  }
0x1f6: {  	p2 =	slt.s32 @p1 s0, $0x1  }
0x1f7: {  	p2 =	por !p1, p2  }
.Ltmp37:
0x1f8: {  	_ = 	snop;
	(pc) =	sbr.rel @p2 .LBB2_49-.Ltmp37, $4  }
0x1f9: {  	_ = 	snop  }
0x1fa: {  	s1 =	simm.s32 @p1 $0x1E100;
	v9 =	vlaneseq.u32 @p1  }
0x1fb: {  	[tilespmem:s1+$0x0] =	vst.msk @p1 vm0, v8;
	v8 =	vor.u32 @p1 s4, v9;
	s4 =	simm.s32 @p1 $0x1E180  }
0x1fc: {  	[tilespmem:s4+$0x0] =	vst.msk @p1 vm0, v8  }
0x1fd: {  	v8 =	vld [tilespmem:s1+$0x0];
	_ =	sdelay $0x4  }
0x1fe: {  	(v2sf) =	vpush v8, $0x0;
	_ =	sdelay $0x1  }
0x1ff: {  	v8 =	vld [tilespmem:s4+$0x0];
	_ =	sdelay $0x4  }
0x200: {  	(v2sf) =	vpush v8, $0x0;
	_ =	sdelay $0x7  }
0x201: {  	s28 =	spop (v2sf)  }
0x202: {  	s1 =	sadd.s32 $0xFFF0BE00, s28  }
0x203: {  	v8 =	vmov s1  }
0x204: {  	v9 =	vshll.u32 v8, $0x3  }
0x205: {  	v8 =	vand.u32 $0x7F, v8;
	v9 =	vand.u32 $0xFFFFFC00, v9  }
0x206: {  	v8 =	vor.u32 v8, v9  }
0x207: {  	p1 =	slt.s32 s19, $0x8;
	v9 =	vadd.s32 v4, v8  }
0x208: {  	s1 =	simm.s32 @!p1 $0x3;
	s29 =	spop (v2sf)  }
0x209: {  	_ =	swait.ge @!p1 [sflag:s1], $0x80  }
0x20a: {  	s5 =	sshra.s32 s19, $0x1F;
	[sflag:s1] =	ssyncset.done @!p1 $0x0  }
0x20b: {  	s30 =	sshrl.u32 s5, $0x1D;
	[sflag:s1] =	ssyncadd.s32 @!p1 $0xFFFFFF80  }
0x20c: {  	s1 =	sadd.s32 s30, s19;
	v9 =	vld.idx.msk [tilespmem:v9+s15+$0x0], $0xffff  }
0x20d: {  	v10 =	vadd.s32 v5, v8;
	s1 =	sand.u32 $0xFFFFFFF8, s1  }
0x20e: {  	s1 =	ssub.s32 s19, s1  }
0x20f: {  	s1 =	sshll.u32 s1, $0x9  }
0x210: {  	s13 =	sshra.s32 s1, $0x2  }
0x211: {  	[tilespmem:s13+$0x1E200] =	vst v9  }
0x212: {  	v9 =	vld.idx.msk [tilespmem:v10+s15+$0x0], $0xffff  }
0x213: {  	v63 =	vadd.s32 v6, v8;
	_ =	sdelay $0x3  }
0x214: {  	[tilespmem:s13+$0x1E210] =	vst v9  }
0x215: {  	v9 =	vld.idx.msk [tilespmem:v63+s15+$0x0], $0xffff  }
0x216: {  	v8 =	vadd.s32 v7, v8;
	_ =	sdelay $0x3  }
0x217: {  	s1 =	sadd.s32 $0xFFFFFFFF, s0;
	[tilespmem:s13+$0x1E220] =	vst v9  }
0x218: {  	p1 =	sne.s32 s1, $0x0;
	v8 =	vld.idx.msk [tilespmem:v8+s15+$0x0], $0xffff  }
.Ltmp38:
0x219: {  	_ = 	snop;
	(pc) =	sbr.rel @!p1 .LBB2_52-.Ltmp38, $4  }
0x21a: {  	s31 =	sshll.u32 s29, $0x4  }
0x21b: {  	s4 =	sand.u32 $0x1FFFFFF0, s31  }
0x21c: {  	s16 =	simm.s32 $0x1E181;
	s4 =	sadd.s32 s6, s4;
	s19 =	sadd.s32 $0x1, s19  }
0x21d: {  	[smem:$0x2] =	sst s19;
	s0 =	simm.s32 $0x1E101;
	s5 =	sadd.s32 $0x1E200, s13;
	[tilespmem:s13+$0x1E230] =	vst v8  }
.LBB2_51:
0x21e: {  	[hbm4b:s4+s3] =	stream.linear.scatter [tilespmem:s5], [sflag:$0x3], $0x80, $0x38;
	[tilespmem:$0x1E600] =	vst v63  }
0x21f: {  	s1 =	sadd.s32 $0xFFFFFFFF, s1;
	s5 =	smov.u32 s19;
	v8 =	vld [tilespmem:s0+$0x0]  }
0x220: {  	p1 =	sne.s32 s1, $0x0;
	v9 =	vld [tilespmem:s16+$0x0];
	_ =	sdelay $0x3  }
0x221: {  	(v2sf) =	vpush v8, $0x0  }
0x222: {  	(v2sf) =	vpush v9, $0x0;
	_ =	sdelay $0xd  }
0x223: {  	s4 =	spop (v2sf)  }
0x224: {  	s4 =	sadd.s32 $0xFFF0BE00, s4;
	s13 =	spop (v2sf)  }
0x225: {  	v8 =	vmov s4;
	s4 =	sshll.u32 s13, $0x4  }
0x226: {  	v9 =	vshll.u32 v8, $0x3;
	s4 =	sand.u32 $0x1FFFFFF0, s4  }
0x227: {  	v8 =	vand.u32 $0x7F, v8;
	v9 =	vand.u32 $0xFFFFFC00, v9  }
0x228: {  	v8 =	vor.u32 v8, v9  }
0x229: {  	p2 =	slt.s32 s19, $0x8;
	v9 =	vadd.s32 v4, v8  }
0x22a: {  	s13 =	simm.s32 @!p2 $0x3  }
0x22b: {  	_ =	swait.ge @!p2 [sflag:s13], $0x80  }
0x22c: {  	[sflag:s13] =	ssyncset.done @!p2 $0x0  }
0x22d: {  	s19 =	sadd.s32 $0x1, s19;
	s14 =	sshra.s32 s5, $0x1F;
	[sflag:s13] =	ssyncadd.s32 @!p2 $0xFFFFFF80  }
0x22e: {  	s13 =	sshrl.u32 s14, $0x1D;
	v9 =	vld.idx.msk [tilespmem:v9+s15+$0x0], $0xffff;
	[smem:$0x2] =	sst s19  }
0x22f: {  	s13 =	sadd.s32 s13, s5  }
0x230: {  	v10 =	vadd.s32 v5, v8;
	s13 =	sand.u32 $0xFFFFFFF8, s13  }
0x231: {  	s5 =	ssub.s32 s5, s13  }
0x232: {  	s5 =	sshll.u32 s5, $0x9  }
0x233: {  	s13 =	sshra.s32 s5, $0x2  }
0x234: {  	[tilespmem:s13+$0x1E200] =	vst v9  }
0x235: {  	v9 =	vld.idx.msk [tilespmem:v10+s15+$0x0], $0xffff;
	_ =	sdelay $0x1  }
0x236: {  	v10 =	vadd.s32 v6, v8;
	_ =	sdelay $0x3  }
0x237: {  	[tilespmem:s13+$0x1E210] =	vst v9  }
0x238: {  	v9 =	vld.idx.msk [tilespmem:v10+s15+$0x0], $0xffff;
	_ =	sdelay $0x1  }
0x239: {  	v8 =	vadd.s32 v7, v8;
	_ =	sdelay $0x3  }
0x23a: {  	[tilespmem:s13+$0x1E220] =	vst v9  }
0x23b: {  	v8 =	vld.idx.msk [tilespmem:v8+s15+$0x0], $0xffff;
	_ =	sdelay $0x1  }
.Ltmp39:
0x23c: {  	(pc) =	sbr.rel @p1 .LBB2_51-.Ltmp39, $3  }
0x23d: {  	_ =	sdelay $0x1  }
0x23e: {  	s0 =	sadd.s32 $0x1, s0  }
0x23f: {  	s16 =	sadd.s32 $0x1, s16;
	s4 =	sadd.s32 s6, s4;
	s5 =	sadd.s32 $0x1E200, s13;
	[tilespmem:s13+$0x1E230] =	vst v8  }
.LBB2_52:
.Ltmp40:
0x240: {  	(pc) =	sbr.rel .LBB2_53-.Ltmp40, $2  }
0x241: {  	_ =	sdelay $0x2  }
0x242: {  	[hbm4b:s4+s3] =	stream.linear.scatter [tilespmem:s5], [sflag:$0x3], $0x80, $0x38;
	[tilespmem:$0x1E600] =	vst v63  }
.LBB2_43:
0x243: {  	s19 =	smov.u32 @p1 s19  }
.LBB2_47:
0x244: {  	s21 =	sadd.s32 $0x1, s21  }
0x245: {  	p1 =	seq.s32 s21, s20  }
.Ltmp41:
0x246: {  	_ = 	snop;
	(pc) =	sbr.rel @p1 .LBB2_54-.Ltmp41, $1  }
0x247: {  	_ =	sdelay $0x3  }
.LBB2_42:
0x248: {  	s0 =	sshll.u32 s21, $0x4  }
0x249: {  	v9 =	vld [tilespmem:s0+$0x1D000];
	_ =	sdelay $0x4  }
0x24a: {  	v10 =	vor.u32 s0, v3;
	v11 =	vand.u32 $0xFFFFFFC0, v9  }
0x24b: {  	vm0 =	vlt.s32 v10, v8;
	vm1 =	veq.s32 v11, $0xF4200  }
0x24c: {  	vm0 =	vmand vm0, vm1  }
0x24d: {  	v10 =	vsel vm0, $0x3F800000, v2  }
0x24e: {  	(xrf0) =	vmax.scan.msk.f32 $0xffff, v10;
	_ =	sdelay $0x5  }
0x24f: {  	v10, _, _ =	vpop (xrf0)  }
0x250: {  	(v2sf) =	vpush v10, $0xF;
	_ =	sdelay $0xe  }
0x251: {  	s1 =	spop (v2sf)  }
0x252: {  	p1 =	sgt.f32 s1, $0.0e+00;
	_ =	sdelay $0x1  }
0x253: {  	v10 =	vmpcnt.ones.xlane @p1 vm0;
	_ =	sdelay $0x1  }
0x254: {  	(v2sf) =	vpush @p1 v10, $0x0;
	_ =	sdelay $0xe  }
0x255: {  	v10 =	vld @p1 [tilespmem:s0+$0x1D880];
	s0 =	spop @p1 (v2sf)  }
0x256: {  	p2 =	slt.s32 @p1 s0, $0x1  }
0x257: {  	p2 =	por !p1, p2  }
.Ltmp42:
0x258: {  	_ = 	snop;
	(pc) =	sbr.rel @p2 .LBB2_43-.Ltmp42, $4  }
0x259: {  	_ = 	snop  }
0x25a: {  	s1 =	simm.s32 @p1 $0x1E100  }
0x25b: {  	s4 =	simm.s32 @p1 $0x1E180;
	[tilespmem:s1+$0x0] =	vst.msk @p1 vm0, v9  }
0x25c: {  	[tilespmem:s4+$0x0] =	vst.msk @p1 vm0, v10  }
0x25d: {  	v9 =	vld [tilespmem:s1+$0x0];
	_ =	sdelay $0x4  }
0x25e: {  	(v2sf) =	vpush v9, $0x0;
	_ =	sdelay $0x1  }
0x25f: {  	v9 =	vld [tilespmem:s4+$0x0];
	_ =	sdelay $0x4  }
0x260: {  	(v2sf) =	vpush v9, $0x0;
	_ =	sdelay $0x7  }
0x261: {  	s28 =	spop (v2sf)  }
0x262: {  	s1 =	sadd.s32 $0xFFF0BE00, s28  }
0x263: {  	v9 =	vmov s1  }
0x264: {  	v10 =	vshll.u32 v9, $0x3  }
0x265: {  	v9 =	vand.u32 $0x7F, v9;
	v10 =	vand.u32 $0xFFFFFC00, v10  }
0x266: {  	v9 =	vor.u32 v9, v10  }
0x267: {  	p1 =	slt.s32 s19, $0x8;
	v10 =	vadd.s32 v4, v9  }
0x268: {  	s1 =	simm.s32 @!p1 $0x3;
	s29 =	spop (v2sf)  }
0x269: {  	_ =	swait.ge @!p1 [sflag:s1], $0x80  }
0x26a: {  	s5 =	sshra.s32 s19, $0x1F;
	[sflag:s1] =	ssyncset.done @!p1 $0x0  }
0x26b: {  	s30 =	sshrl.u32 s5, $0x1D;
	[sflag:s1] =	ssyncadd.s32 @!p1 $0xFFFFFF80  }
0x26c: {  	s1 =	sadd.s32 s30, s19;
	v10 =	vld.idx.msk [tilespmem:v10+s15+$0x0], $0xffff  }
0x26d: {  	v11 =	vadd.s32 v5, v9;
	s1 =	sand.u32 $0xFFFFFFF8, s1  }
0x26e: {  	s1 =	ssub.s32 s19, s1  }
0x26f: {  	s1 =	sshll.u32 s1, $0x9  }
0x270: {  	s13 =	sshra.s32 s1, $0x2  }
0x271: {  	[tilespmem:s13+$0x1E200] =	vst v10  }
0x272: {  	v10 =	vld.idx.msk [tilespmem:v11+s15+$0x0], $0xffff  }
0x273: {  	v11 =	vadd.s32 v6, v9;
	_ =	sdelay $0x3  }
0x274: {  	[tilespmem:s13+$0x1E210] =	vst v10  }
0x275: {  	v10 =	vld.idx.msk [tilespmem:v11+s15+$0x0], $0xffff  }
0x276: {  	v9 =	vadd.s32 v7, v9;
	_ =	sdelay $0x3  }
0x277: {  	s1 =	sadd.s32 $0xFFFFFFFF, s0;
	[tilespmem:s13+$0x1E220] =	vst v10  }
0x278: {  	p1 =	sne.s32 s1, $0x0;
	v9 =	vld.idx.msk [tilespmem:v9+s15+$0x0], $0xffff  }
.Ltmp43:
0x279: {  	_ = 	snop;
	(pc) =	sbr.rel @!p1 .LBB2_46-.Ltmp43, $4  }
0x27a: {  	s31 =	sshll.u32 s29, $0x4  }
0x27b: {  	s4 =	sand.u32 $0x1FFFFFF0, s31  }
0x27c: {  	s16 =	simm.s32 $0x1E181;
	s4 =	sadd.s32 s6, s4;
	s19 =	sadd.s32 $0x1, s19  }
0x27d: {  	[smem:$0x2] =	sst s19;
	s0 =	simm.s32 $0x1E101;
	s5 =	sadd.s32 $0x1E200, s13;
	[tilespmem:s13+$0x1E230] =	vst v9  }
.LBB2_45:
0x27e: {  	[hbm4b:s4+s3] =	stream.linear.scatter [tilespmem:s5], [sflag:$0x3], $0x80, $0x38;
	[tilespmem:$0x1E600] =	vst v63  }
0x27f: {  	s1 =	sadd.s32 $0xFFFFFFFF, s1;
	s5 =	smov.u32 s19;
	v9 =	vld [tilespmem:s0+$0x0]  }
0x280: {  	p1 =	sne.s32 s1, $0x0;
	v10 =	vld [tilespmem:s16+$0x0];
	_ =	sdelay $0x3  }
0x281: {  	(v2sf) =	vpush v9, $0x0  }
0x282: {  	(v2sf) =	vpush v10, $0x0;
	_ =	sdelay $0xd  }
0x283: {  	s4 =	spop (v2sf)  }
0x284: {  	s4 =	sadd.s32 $0xFFF0BE00, s4;
	s13 =	spop (v2sf)  }
0x285: {  	v9 =	vmov s4;
	s4 =	sshll.u32 s13, $0x4  }
0x286: {  	v10 =	vshll.u32 v9, $0x3;
	s4 =	sand.u32 $0x1FFFFFF0, s4  }
0x287: {  	v9 =	vand.u32 $0x7F, v9;
	v10 =	vand.u32 $0xFFFFFC00, v10  }
0x288: {  	v9 =	vor.u32 v9, v10  }
0x289: {  	p2 =	slt.s32 s19, $0x8;
	v10 =	vadd.s32 v4, v9  }
0x28a: {  	s13 =	simm.s32 @!p2 $0x3  }
0x28b: {  	_ =	swait.ge @!p2 [sflag:s13], $0x80  }
0x28c: {  	[sflag:s13] =	ssyncset.done @!p2 $0x0  }
0x28d: {  	s19 =	sadd.s32 $0x1, s19;
	s14 =	sshra.s32 s5, $0x1F;
	[sflag:s13] =	ssyncadd.s32 @!p2 $0xFFFFFF80  }
0x28e: {  	s13 =	sshrl.u32 s14, $0x1D;
	v10 =	vld.idx.msk [tilespmem:v10+s15+$0x0], $0xffff;
	[smem:$0x2] =	sst s19  }
0x28f: {  	s13 =	sadd.s32 s13, s5  }
0x290: {  	v11 =	vadd.s32 v5, v9;
	s13 =	sand.u32 $0xFFFFFFF8, s13  }
0x291: {  	s5 =	ssub.s32 s5, s13  }
0x292: {  	s5 =	sshll.u32 s5, $0x9  }
0x293: {  	s13 =	sshra.s32 s5, $0x2  }
0x294: {  	[tilespmem:s13+$0x1E200] =	vst v10  }
0x295: {  	v10 =	vld.idx.msk [tilespmem:v11+s15+$0x0], $0xffff;
	_ =	sdelay $0x1  }
0x296: {  	v11 =	vadd.s32 v6, v9;
	_ =	sdelay $0x3  }
0x297: {  	[tilespmem:s13+$0x1E210] =	vst v10  }
0x298: {  	v10 =	vld.idx.msk [tilespmem:v11+s15+$0x0], $0xffff;
	_ =	sdelay $0x1  }
0x299: {  	v9 =	vadd.s32 v7, v9;
	_ =	sdelay $0x3  }
0x29a: {  	[tilespmem:s13+$0x1E220] =	vst v10  }
0x29b: {  	v9 =	vld.idx.msk [tilespmem:v9+s15+$0x0], $0xffff;
	_ =	sdelay $0x1  }
.Ltmp44:
0x29c: {  	(pc) =	sbr.rel @p1 .LBB2_45-.Ltmp44, $3  }
0x29d: {  	_ =	sdelay $0x1  }
0x29e: {  	s0 =	sadd.s32 $0x1, s0  }
0x29f: {  	s16 =	sadd.s32 $0x1, s16;
	s4 =	sadd.s32 s6, s4;
	s5 =	sadd.s32 $0x1E200, s13;
	[tilespmem:s13+$0x1E230] =	vst v9  }
.LBB2_46:
.Ltmp45:
0x2a0: {  	(pc) =	sbr.rel .LBB2_47-.Ltmp45, $2  }
0x2a1: {  	_ =	sdelay $0x2  }
0x2a2: {  	[hbm4b:s4+s3] =	stream.linear.scatter [tilespmem:s5], [sflag:$0x3], $0x80, $0x38;
	[tilespmem:$0x1E600] =	vst v63  }
.LBB2_54:
0x2a3: {  	p1 =	slt.s32 s19, $0x1  }
.Ltmp46:
0x2a4: {  	_ = 	snop;
	(pc) =	sbr.rel @p1 .LBB2_58-.Ltmp46, $1  }
0x2a5: {  	_ =	sdelay $0x3  }
0x2a6: {  	p1 =	slt.s32 s19, $0x8  }
0x2a7: {  	s19 =	simm.s32 @!p1 $0x8  }
0x2a8: {  	p1 =	sne.s32 s19, $0x1  }
.Ltmp47:
0x2a9: {  	_ = 	snop;
	(pc) =	sbr.rel @!p1 .LBB2_57-.Ltmp47, $3  }
0x2aa: {  	_ =	sdelay $0x1  }
0x2ab: {  	_ =	swait.ge [sflag:s17], $0x80  }
0x2ac: {  	[sflag:s17] =	ssyncset.done $0x0;
	s0 =	sadd.s32 $0xFFFFFFFF, s19  }
.LBB2_56:
0x2ad: {  	p1 =	sne.s32 s0, $0x1;
	s0 =	sadd.s32 $0xFFFFFFFF, s0;
	[sflag:s17] =	ssyncadd.s32 $0xFFFFFF80  }
.Ltmp48:
0x2ae: {  	(pc) =	sbr.rel @p1 .LBB2_56-.Ltmp48, $3  }
0x2af: {  	_ =	sdelay $0x1  }
0x2b0: {  	_ =	swait.ge [sflag:s17], $0x80  }
0x2b1: {  	[sflag:s17] =	ssyncset.done $0x0  }
.Ltmp49:
0x2b2: {  	_ = 	snop;
	(pc) =	sbr.rel .LBB2_57-.Ltmp49, $1  }
0x2b3: {  	_ =	sdelay $0x3  }
.LBB2_36:
.Ltmp50:
0x2b4: {  	(pc) =	sbr.rel .LBB2_40-.Ltmp50, $2  }
0x2b5: {  	_ =	sdelay $0x2  }
0x2b6: {  	s16 =	simm.s32 $0x0  }
.LBB2_38:
.Ltmp51:
0x2b7: {  	(pc) =	sbr.rel .LBB2_40-.Ltmp51, $2  }
0x2b8: {  	_ =	sdelay $0x2  }
0x2b9: {  	s16 =	simm.s32 $0x0  }
.LBB2_59:
0x2ba: {  	_ =	sfence.sel $0x180000  }
0x2bb: {  	[bflag:$0x0] =	sbarrier.arrive $0xFFFF  }
0x2bc: {  	_ =	strace $0x90000047  }
0x2bd: {  	s0 =	stileid.u32;
	[bflag:$0x2] =	sbarrier.arrive $0xFFFF  }
0x2be: {  	p0 =	sne.s32 s0, $0x0;
	s0 =	rddreg [dreg:$0x2]  }
0x2bf: {  	s0 =	sadd.s32 @!p0 $0x100000, s0  }
0x2c0: {  	[sflag:s0] =	ssyncadd.tile.s32 @!p0 $0x1;
	_ =	shalt  }
.Lfunc_end2:
_tile_overlayer_lowered:
.L_overlay_start_2:
0x2c1: {  	(tag) =	ssettag $0x2  }
0x2c2: {  	s0 =	rddreg [dreg:$0x0];
	s2 =	stileid.u32  }
0x2c3: {  	s1 =	rddreg [dreg:$0x1];
	p0 =	sne.s32 s2, $0x0  }
0x2c4: {  	s3 =	rddreg [dreg:$0x2];
	[bflag:$0x3] =	sbarrier.arrive $0xFFFF;
	s2 =	simm.s32 @!p0 $0x1C04  }
0x2c5: {  	[timem:s3], [sflag:s2] =	dma.local @!p0 [hbm:s0], s1  }
0x2c6: {  	s0 =	simm.s32 @!p0 $0x4  }
0x2c7: {  	_ =	swait.ge @!p0 [sflag:s0], s1  }
0x2c8: {  	s1 =	ssub.s32 @!p0 $0x0, s1;
	[sflag:s0] =	ssyncset.done @!p0 $0x0  }
0x2c9: {  	[sflag:s0] =	ssyncadd.s32 @!p0 s1  }
0x2ca: {  	[bflag:$0x3] =	sbarrier.arrive $0xFFFF  }
0x2cb: {  	_ =	shalt  }

</sc_bundles>
